<compile_context>
chip_gen: v7x
topology: tpu7x:2x2x1
jax: 0.10.2.dev20260603
libtpu: 0.0.44.dev20260713+nightly
codegen_flags: <defaults>
</compile_context>

<pallas_src>
import functools

import jax
import jax.numpy as jnp
import numpy as np
from jax import lax
from jax.experimental import pallas as pl
from jax.experimental.pallas import tpu as pltpu
from jax.experimental.pallas import tpu_sc as plsc

_K = 128
_N = 32768
_ROWS = 128
_NW = 32
_ROWS_PER_W = _ROWS // _NW
_NV = _N // 16
_INT_MIN = np.int32(-2147483648)


def _sc_body(x_hbm, out_hbm, rowa_ref, rowb_ref, cand_ref, histc_ref,
             res_ref, sema, semb):
    wid = lax.axis_index("s") * 2 + lax.axis_index("c")
    lanes = lax.iota(jnp.int32, 16)
    ones = jnp.ones((16,), jnp.int32)
    zeros_i = jnp.zeros((16,), jnp.int32)
    zeros_f = jnp.zeros((16,), jnp.float32)
    bufs = (rowa_ref, rowb_ref)
    sems = (sema, semb)
    base_row = wid * _ROWS_PER_W

    @plsc.parallel_loop(0, 256, 1, unroll=8)
    def _(i):
        histc_ref[pl.ds(i * 16, 16)] = zeros_i

    pltpu.async_copy(x_hbm.at[base_row], bufs[0], sems[0])
    pltpu.async_copy(x_hbm.at[base_row + 1], bufs[1], sems[1])

    sentinel = jnp.full((16,), _INT_MIN, jnp.int32)
    _BASE_CAP = np.int32(-33554432)

    def process_row(j, t, u, res, base_u):
        row_ref = bufs[u]
        pltpu.make_async_copy(x_hbm.at[base_row + j], row_ref, sems[u]).wait()

        def compact(th_fv):
            @plsc.parallel_loop(0, _NV, 1, unroll=8, carry=zeros_i)
            def cv(i, cnt):
                xv = row_ref[pl.ds(i * 16, 16)]
                m = xv >= th_fv
                plsc.store_scatter(cand_ref, [(cnt << 4) + lanes], xv, mask=m)
                return cnt + m.astype(jnp.int32)
            return cv

        def run_fill(cnt_v, hi_v):
            nv = (jnp.max(cnt_v) + 1) & ~1

            def fill_body(v, hi):
                xf = cand_ref[pl.ds(v * 16, 16)]
                b = lax.bitcast_convert_type(xf, jnp.int32)
                k = jnp.where(b < 0, _INT_MIN - b, b)
                keep = jnp.full((16,), v, jnp.int32) < cnt_v
                cand_ref[pl.ds(v * 16, 16)] = lax.bitcast_convert_type(
                    jnp.where(keep, k, sentinel), jnp.float32)
                return hi + (keep & (k >= hi_v)).astype(jnp.int32)
            hi = lax.fori_loop(0, nv, fill_body, zeros_i)
            return nv, jnp.sum(hi)

        base_g = jnp.where((base_u ^ _INT_MIN) > (_BASE_CAP ^ _INT_MIN),
                           _BASE_CAP, base_u)
        gk = base_g ^ _INT_MIN
        gb = jnp.where(gk < 0, _INT_MIN - gk, gk)
        g_fv = lax.bitcast_convert_type(
            jnp.full((16,), gb, jnp.int32), jnp.float32)
        hi_g_v = jnp.full((16,), (base_g + (1 << 25)) ^ _INT_MIN, jnp.int32)

        cnt_g = lax.cond(j > 0, lambda _: compact(g_fv), lambda _: zeros_i, 0)
        nv_g, hi_g = run_fill(cnt_g, hi_g_v)
        ok = (jnp.sum(cnt_g) >= _K) & (hi_g < _K)

        def full_path(_):
            @plsc.parallel_loop(0, _NV, 1, unroll=8)
            def _(i):
                xv = row_ref[pl.ds(i * 16, 16)]
                b = lax.bitcast_convert_type(xv, jnp.int32)
                idx8 = lax.shift_right_arithmetic(b, 24) & 255
                plsc.addupdate_scatter(histc_ref, [(idx8 << 4) + lanes], ones)

            def phb_body(i, carry):
                for uu in range(4):
                    c_cum, d_star = carry
                    i_full = i * 4 + uu
                    d = jnp.where(i_full < 128, 127 - i_full, i_full)
                    cnt = jnp.sum(histc_ref[pl.ds(d * 16, 16)])
                    histc_ref[pl.ds(d * 16, 16)] = zeros_i
                    new_cum = c_cum + cnt
                    found = (c_cum < _K) & (new_cum >= _K)
                    d_star = jnp.where(found, d, d_star)
                    carry = (new_cum, d_star)
                return carry
            _, d_star = lax.fori_loop(0, 64, phb_body,
                                      (jnp.int32(0), jnp.int32(0)))

            lo_bits = jnp.where(
                d_star < 128, d_star << 24,
                jnp.where(d_star == jnp.int32(255), jnp.int32(-8388608),
                          ((d_star - 255) << 24) - 1))
            lo_fv = lax.bitcast_convert_type(
                jnp.full((16,), lo_bits, jnp.int32), jnp.float32)
            cnt_f = compact(lo_fv)
            nv_f, _unused = run_fill(cnt_f, hi_g_v)
            u8 = jnp.where(d_star < 128, d_star + 128, 255 - d_star)
            u8 = jnp.minimum(u8, 254)
            return nv_f, u8 << 24

        nv, bis_base = lax.cond(ok, lambda _: (nv_g, base_g), full_path, 0)

        def bis_body(i, o):
            o_c = o | lax.shift_left(jnp.int32(1), 24 - i)
            spl = jnp.full((16,), (bis_base + o_c) ^ _INT_MIN, jnp.int32)

            def cnt_body(v, a):
                ck0 = lax.bitcast_convert_type(
                    cand_ref[pl.ds(v * 32, 16)], jnp.int32)
                ck1 = lax.bitcast_convert_type(
                    cand_ref[pl.ds(v * 32 + 16, 16)], jnp.int32)
                return (a + (ck0 >= spl).astype(jnp.int32)
                        + (ck1 >= spl).astype(jnp.int32))
            a = lax.fori_loop(0, nv >> 1, cnt_body, zeros_i)
            return jnp.where(jnp.sum(a) >= _K, o_c, o)
        t_u = bis_base + lax.fori_loop(0, 25, bis_body, jnp.int32(0))
        t_v = jnp.full((16,), t_u ^ _INT_MIN, jnp.int32)

        def fin_body(v, carry):
            sc, cc = carry
            ck = lax.bitcast_convert_type(
                cand_ref[pl.ds(v * 16, 16)], jnp.int32)
            m = ck > t_v
            xv = lax.bitcast_convert_type(
                jnp.where(ck < 0, _INT_MIN - ck, ck), jnp.float32)
            return (sc + jnp.where(m, xv, 0.0), cc + m.astype(jnp.int32))
        sc, cc = lax.fori_loop(0, nv, fin_body, (zeros_f, zeros_i))

        t_val = lax.bitcast_convert_type(
            jnp.where(t_v < 0, _INT_MIN - t_v, t_v), jnp.float32)
        total = (jnp.full((16,), jnp.sum(sc), jnp.float32)
                 + jnp.full((16,), (_K - jnp.sum(cc)).astype(jnp.float32),
                            jnp.float32) * t_val)
        res = jnp.where(lanes == j, total * np.float32(1.0 / _K), res)

        @pl.when(t == 0)
        def _():
            pltpu.async_copy(x_hbm.at[base_row + j + 2], row_ref, sems[u])
        return res, t_u - (1 << 20)

    def pair_body(t, carry):
        res, base_u = carry
        for u in range(2):
            res, base_u = process_row(t * 2 + u, t, u, res, base_u)
        return res, base_u

    res, _ = lax.fori_loop(0, _ROWS_PER_W // 2, pair_body,
                           (zeros_f, jnp.int32(1)))
    res_ref[...] = res
    pltpu.sync_copy(res_ref, out_hbm.at[wid])


@functools.cache
def _sc_call():
    return pl.kernel(
        _sc_body,
        out_type=jax.ShapeDtypeStruct((_NW, 16), jnp.float32),
        mesh=plsc.VectorSubcoreMesh(core_axis_name="c", subcore_axis_name="s",
                                    num_cores=2, num_subcores=16),
        compiler_params=pltpu.CompilerParams(needs_layout_passes=False),
        scratch_types=[
            pltpu.VMEM((_N,), jnp.float32),
            pltpu.VMEM((_N,), jnp.float32),
            pltpu.VMEM((_N + 16,), jnp.float32),
            pltpu.VMEM((4096,), jnp.int32),
            pltpu.VMEM((16,), jnp.float32),
            pltpu.SemaphoreType.DMA,
            pltpu.SemaphoreType.DMA,
        ],
    )


def kernel(x):
    out = _sc_call()(x)
    return out[:, :_ROWS_PER_W].reshape(_ROWS)

# --- scband reference (transcript-rebuilt; emitter-appended) ---
"""Pipeline reference for scband-vanilla-top-kpooling-47081431499189 (READ-ONLY COPY).

The authoritative reference and input builder live on the scoring server;
editing this copy changes nothing except your own understanding.
"""

import jax, jax.numpy as jnp
import numpy as np

K = 128
DIM = 1

def setup_inputs(seed: int = 0) -> dict:
    key = jax.random.key(seed)
    x = jax.random.normal(key, (128, 32768), dtype=jnp.float32)
    return {"x": x}

def reference(x):
    # maxk_pool: topk along DIM, gather values at those indices
    # For DIM == last axis of a 2D tensor, lax.top_k applies to the last axis.
    _, index = jax.lax.top_k(x, K)
    maxk_selected_x = jnp.take_along_axis(x, index, axis=DIM)
    # mean over the reduced (top-k) axis
    return maxk_selected_x.mean(axis=DIM)

if __name__ == "__main__":
    import jax
    _d = setup_inputs()
    print(jax.jit(kernel)(*tuple(_d.values())))

</pallas_src>

<mosaic_0001>
#map = affine_map<(d0, d1) -> (0, 0)>
module attributes {stable_mosaic.version = 14 : i64} {
  func.func @_sc_body(%arg0: i32, %arg1: i32, %arg2: memref<128x32768xf32, #tpu.memory_space<hbm>>, %arg3: memref<32x16xf32, #tpu.memory_space<hbm>>, %arg4: memref<32768xf32, #tpu.memory_space<vmem>>, %arg5: memref<32768xf32, #tpu.memory_space<vmem>>, %arg6: memref<32784xf32, #tpu.memory_space<vmem>>, %arg7: memref<4096xi32, #tpu.memory_space<vmem>>, %arg8: memref<16xf32, #tpu.memory_space<vmem>>, %arg9: memref<!tpu.dma_semaphore, #tpu.memory_space<semaphore_mem>>, %arg10: memref<!tpu.dma_semaphore, #tpu.memory_space<semaphore_mem>>) attributes {dimension_semantics = [#tpu.dimension_semantics<core_parallel>, #tpu.dimension_semantics<subcore_parallel>], iteration_bounds = array<i64: 2, 16>, scalar_prefetch = 0 : i64, scratch_operands = 7 : i64, tpu.core_type = #tpu.core_type<sc_vector_subcore>, window_params = [{transform_indices = #map}, {transform_indices = #map}]} {
    %mul3A = arith.constant 2 : i32
    %mul3A_0 = arith.muli %arg1, %mul3A : i32
    %add3A = arith.addi %mul3A_0, %arg0 : i32
    %iota3A = tpu.iota {dimensions = array<i32: 0>} : vector<16xi32>
    %broadcast_in_dim3A = arith.constant 1 : i32
    %broadcast_in_dim3A_1 = vector.broadcast %broadcast_in_dim3A : i32 to vector<16xi32>
    %broadcast_in_dim3A_2 = arith.constant 0 : i32
    %broadcast_in_dim3A_3 = vector.broadcast %broadcast_in_dim3A_2 : i32 to vector<16xi32>
    %broadcast_in_dim3A_4 = arith.constant 0.000000e+00 : f32
    %broadcast_in_dim3A_5 = vector.broadcast %broadcast_in_dim3A_4 : f32 to vector<16xf32>
    %mul3A_6 = arith.constant 4 : i32
    %mul3A_7 = arith.muli %add3A, %mul3A_6 : i32
    %parallel_loop3A = arith.constant 0 : i32
    %parallel_loop3A_8 = arith.constant 256 : i32
    %parallel_loop3A_9 = arith.constant 1 : i32
    scf.for %parallel_loop3A_32 = %parallel_loop3A to %parallel_loop3A_8 step %parallel_loop3A_9  : i32 {
      %parallel_loop3A_33 = arith.constant 16 : i32
      %parallel_loop3A_34 = arith.muli %parallel_loop3A_32, %parallel_loop3A_33 : i32
      %parallel_loop3A_35 = arith.index_cast %parallel_loop3A_34 : i32 to index
      %parallel_loop3A_36 = tpu.vector_load %arg7[%parallel_loop3A_35] {strides = array<i32>} : memref<4096xi32, #tpu.memory_space<vmem>>, vector<16xi32>,
      tpu.vector_store %arg7[%parallel_loop3A_35], %broadcast_in_dim3A_3 {strides = array<i32>} : memref<4096xi32, #tpu.memory_space<vmem>>, vector<16xi32>,
    } {sc.loop_unroll_factor = 8 : i64, sc.parallel_access}
    %dma_start3A = arith.constant 0 : i32
    %dma_start3A_10 = tpu.memref_slice %arg2[%mul3A_7, %dma_start3A] : memref<128x32768xf32, #tpu.memory_space<hbm>> -> memref<1x32768xf32, #tpu.memory_space<hbm>>
    %dma_start3A_11 = tpu.memref_squeeze %dma_start3A_10 : memref<1x32768xf32, #tpu.memory_space<hbm>> -> memref<32768xf32, #tpu.memory_space<hbm>>
    %dma_start3A_12 = arith.constant 0 : i32
    %dma_start3A_13 = tpu.memref_slice %arg2[%mul3A_7, %dma_start3A_12] : memref<128x32768xf32, #tpu.memory_space<hbm>> -> memref<1x32768xf32, #tpu.memory_space<hbm>>
    %dma_start3A_14 = tpu.memref_squeeze %dma_start3A_13 : memref<1x32768xf32, #tpu.memory_space<hbm>> -> memref<32768xf32, #tpu.memory_space<hbm>>
    tpu.enqueue_dma source(%dma_start3A_14 : memref<32768xf32, #tpu.memory_space<hbm>>) target(%arg4 : memref<32768xf32, #tpu.memory_space<vmem>>) target_semaphore(%arg9 : memref<!tpu.dma_semaphore, #tpu.memory_space<semaphore_mem>>)
    %add3A_15 = arith.constant 1 : i32
    %add3A_16 = arith.addi %mul3A_7, %add3A_15 : i32
    %dma_start3A_17 = arith.constant 0 : i32
    %dma_start3A_18 = tpu.memref_slice %arg2[%add3A_16, %dma_start3A_17] : memref<128x32768xf32, #tpu.memory_space<hbm>> -> memref<1x32768xf32, #tpu.memory_space<hbm>>
    %dma_start3A_19 = tpu.memref_squeeze %dma_start3A_18 : memref<1x32768xf32, #tpu.memory_space<hbm>> -> memref<32768xf32, #tpu.memory_space<hbm>>
    %dma_start3A_20 = arith.constant 0 : i32
    %dma_start3A_21 = tpu.memref_slice %arg2[%add3A_16, %dma_start3A_20] : memref<128x32768xf32, #tpu.memory_space<hbm>> -> memref<1x32768xf32, #tpu.memory_space<hbm>>
    %dma_start3A_22 = tpu.memref_squeeze %dma_start3A_21 : memref<1x32768xf32, #tpu.memory_space<hbm>> -> memref<32768xf32, #tpu.memory_space<hbm>>
    tpu.enqueue_dma source(%dma_start3A_22 : memref<32768xf32, #tpu.memory_space<hbm>>) target(%arg5 : memref<32768xf32, #tpu.memory_space<vmem>>) target_semaphore(%arg10 : memref<!tpu.dma_semaphore, #tpu.memory_space<semaphore_mem>>)
    %broadcast_in_dim3A_23 = arith.constant -2147483648 : i32
    %broadcast_in_dim3A_24 = vector.broadcast %broadcast_in_dim3A_23 : i32 to vector<16xi32>
    %scan3A = arith.constant 1 : i32
    %scan3A_25 = arith.constant 0 : i32
    %scan3A_26 = arith.constant 2 : i32
    %scan3A_27 = arith.addi %scan3A_25, %scan3A_26 : i32
    %scan3A_28 = arith.constant 1 : i32
    %scan3A_29:2 = scf.for %scan3A_32 = %scan3A_25 to %scan3A_27 step %scan3A_28 iter_args(%scan3A_33 = %broadcast_in_dim3A_5, %scan3A_34 = %scan3A) -> (vector<16xf32>, i32)  : i32 {
      %mul3A_35 = arith.constant 2 : i32
      %mul3A_36 = arith.muli %scan3A_32, %mul3A_35 : i32
      %add3A_37 = arith.constant 0 : i32
      %add3A_38 = arith.addi %mul3A_36, %add3A_37 : i32
      %add3A_39 = arith.addi %mul3A_7, %add3A_38 : i32
      %dma_wait3A = arith.constant 0 : i32
      %dma_wait3A_40 = tpu.memref_slice %arg2[%add3A_39, %dma_wait3A] : memref<128x32768xf32, #tpu.memory_space<hbm>> -> memref<1x32768xf32, #tpu.memory_space<hbm>>
      %dma_wait3A_41 = tpu.memref_squeeze %dma_wait3A_40 : memref<1x32768xf32, #tpu.memory_space<hbm>> -> memref<32768xf32, #tpu.memory_space<hbm>>
      %dma_wait3A_42 = arith.constant 0 : i32
      %dma_wait3A_43 = tpu.memref_slice %arg2[%add3A_39, %dma_wait3A_42] : memref<128x32768xf32, #tpu.memory_space<hbm>> -> memref<1x32768xf32, #tpu.memory_space<hbm>>
      %dma_wait3A_44 = tpu.memref_squeeze %dma_wait3A_43 : memref<1x32768xf32, #tpu.memory_space<hbm>> -> memref<32768xf32, #tpu.memory_space<hbm>>
      tpu.wait_dma2 semaphore(%arg9 : memref<!tpu.dma_semaphore, #tpu.memory_space<semaphore_mem>>) src(%dma_wait3A_44 : memref<32768xf32, #tpu.memory_space<hbm>>) dst(%arg4 : memref<32768xf32, #tpu.memory_space<vmem>>)
      %xor3A = arith.constant -2147483648 : i32
      %xor3A_45 = arith.xori %scan3A_34, %xor3A : i32
      %gt3A = arith.constant 2113929216 : i32
      %gt3A_46 = arith.cmpi sgt, %xor3A_45, %gt3A : i32
      %jit3A = arith.constant -33554432 : i32
      %select_n3A = arith.select %gt3A_46, %jit3A, %scan3A_34 : i32
      %xor3A_47 = arith.constant -2147483648 : i32
      %xor3A_48 = arith.xori %select_n3A, %xor3A_47 : i32
      %lt3A = arith.constant 0 : i32
      %lt3A_49 = arith.cmpi slt, %xor3A_48, %lt3A : i32
      %sub3A = arith.constant -2147483648 : i32
      %sub3A_50 = arith.subi %sub3A, %xor3A_48 : i32
      %select_n3A_51 = arith.select %lt3A_49, %sub3A_50, %xor3A_48 : i32
      %broadcast_in_dim3A_52 = vector.broadcast %select_n3A_51 : i32 to vector<16xi32>
      %bitcast_convert_type3A = tpu.bitcast %broadcast_in_dim3A_52 : vector<16xi32> -> vector<16xf32>
      %add3A_53 = arith.constant 33554432 : i32
      %add3A_54 = arith.addi %select_n3A, %add3A_53 : i32
      %xor3A_55 = arith.constant -2147483648 : i32
      %xor3A_56 = arith.xori %add3A_54, %xor3A_55 : i32
      %broadcast_in_dim3A_57 = vector.broadcast %xor3A_56 : i32 to vector<16xi32>
      %gt3A_58 = arith.constant 0 : i32
      %gt3A_59 = arith.cmpi sgt, %add3A_38, %gt3A_58 : i32
      %convert_element_type3A = arith.extui %gt3A_59 : i1 to i32
      %cond3A = arith.constant 0 : i32
      %cond3A_60 = arith.constant 0 : i32
      %cond3A_61 = arith.cmpi ne, %convert_element_type3A, %cond3A_60 : i32
      %cond3A_62 = scf.if %cond3A_61 -> (vector<16xi32>) {
        %parallel_loop3A_293 = arith.constant 0 : i32
        %parallel_loop3A_294 = arith.constant 2048 : i32
        %parallel_loop3A_295 = arith.constant 1 : i32
        %parallel_loop3A_296 = scf.for %parallel_loop3A_297 = %parallel_loop3A_293 to %parallel_loop3A_294 step %parallel_loop3A_295 iter_args(%parallel_loop3A_298 = %broadcast_in_dim3A_3) -> (vector<16xi32>)  : i32 {
          %parallel_loop3A_299 = arith.constant 16 : i32
          %parallel_loop3A_300 = arith.muli %parallel_loop3A_297, %parallel_loop3A_299 : i32
          %parallel_loop3A_301 = arith.index_cast %parallel_loop3A_300 : i32 to index
          %parallel_loop3A_302 = tpu.vector_load %arg4[%parallel_loop3A_301] {strides = array<i32>} : memref<32768xf32, #tpu.memory_space<vmem>>, vector<16xf32>,
          %parallel_loop3A_303 = arith.cmpf oge, %parallel_loop3A_302, %bitcast_convert_type3A : vector<16xf32>
          %parallel_loop3A_304 = arith.constant 4 : i32
          %parallel_loop3A_305 = vector.broadcast %parallel_loop3A_304 : i32 to vector<16xi32>
          %parallel_loop3A_306 = arith.shli %parallel_loop3A_298, %parallel_loop3A_305 : vector<16xi32>
          %parallel_loop3A_307 = arith.addi %parallel_loop3A_306, %iota3A : vector<16xi32>
          tpu.vector_store_idx %arg6[%parallel_loop3A_307], %parallel_loop3A_302 masked %parallel_loop3A_303 : memref<32784xf32, #tpu.memory_space<vmem>>[vector<16xi32>], vector<16xf32>, vector<16xi1>
          %parallel_loop3A_308 = arith.extui %parallel_loop3A_303 : vector<16xi1> to vector<16xi32>
          %parallel_loop3A_309 = arith.addi %parallel_loop3A_298, %parallel_loop3A_308 : vector<16xi32>
          scf.yield %parallel_loop3A_309 : vector<16xi32>
        } {sc.loop_unroll_factor = 8 : i64, sc.parallel_access}
        scf.yield %parallel_loop3A_296 : vector<16xi32>
      } else {
        scf.yield %broadcast_in_dim3A_3 : vector<16xi32>
      }
      %reduce_max3A = arith.constant true
      %reduce_max3A_63 = vector.broadcast %reduce_max3A : i1 to vector<16xi1>
      %reduce_max3A_64 = arith.constant -2147483648 : i32
      %reduce_max3A_65 = vector.broadcast %reduce_max3A_64 : i32 to vector<16xi32>
      %reduce_max3A_66 = arith.xori %cond3A_62, %reduce_max3A_65 : vector<16xi32>
      %reduce_max3A_67 = tpu.scan <max>, %reduce_max3A_66 masked %reduce_max3A_63 : vector<16xi32>, vector<16xi1> -> vector<16xi32>
      %reduce_max3A_68 = arith.xori %reduce_max3A_67, %reduce_max3A_65 : vector<16xi32>
      %reduce_max3A_69 = vector.extract %reduce_max3A_68[15] : i32 from vector<16xi32>
      %add3A_70 = arith.constant 1 : i32
      %add3A_71 = arith.addi %reduce_max3A_69, %add3A_70 : i32
      %and3A = arith.constant -2 : i32
      %and3A_72 = arith.andi %add3A_71, %and3A : i32
      %while3A = arith.constant 0 : i32
      %while3A_73 = arith.subi %and3A_72, %while3A : i32
      %while3A_74 = arith.addi %while3A, %while3A_73 : i32
      %while3A_75 = arith.constant 1 : i32
      %while3A_76 = arith.divsi %while3A_73, %while3A_75 : i32
      %while3A_77 = arith.muli %while3A_76, %while3A_75 : i32
      %while3A_78 = arith.addi %while3A, %while3A_77 : i32
      %while3A_79 = arith.constant 1 : i32
      %while3A_80 = scf.for %while3A_293 = %while3A to %while3A_78 step %while3A_79 iter_args(%while3A_294 = %broadcast_in_dim3A_3) -> (vector<16xi32>)  : i32 {
        %mul3A_295 = arith.constant 16 : i32
        %mul3A_296 = arith.muli %while3A_293, %mul3A_295 : i32
        %get3A = arith.index_cast %mul3A_296 : i32 to index
        %get3A_297 = tpu.vector_load %arg6[%get3A] {strides = array<i32>} : memref<32784xf32, #tpu.memory_space<vmem>>, vector<16xf32>,
        %bitcast_convert_type3A_298 = tpu.bitcast %get3A_297 : vector<16xf32> -> vector<16xi32>
        %lt3A_299 = arith.constant 0 : i32
        %lt3A_300 = vector.broadcast %lt3A_299 : i32 to vector<16xi32>
        %lt3A_301 = arith.cmpi slt, %bitcast_convert_type3A_298, %lt3A_300 : vector<16xi32>
        %sub3A_302 = arith.constant -2147483648 : i32
        %sub3A_303 = vector.broadcast %sub3A_302 : i32 to vector<16xi32>
        %sub3A_304 = arith.subi %sub3A_303, %bitcast_convert_type3A_298 : vector<16xi32>
        %select_n3A_305 = arith.select %lt3A_301, %sub3A_304, %bitcast_convert_type3A_298 : vector<16xi1>, vector<16xi32>
        %broadcast_in_dim3A_306 = vector.broadcast %while3A_293 : i32 to vector<16xi32>
        %lt3A_307 = arith.cmpi slt, %broadcast_in_dim3A_306, %cond3A_62 : vector<16xi32>
        %select_n3A_308 = arith.select %lt3A_307, %select_n3A_305, %broadcast_in_dim3A_24 : vector<16xi1>, vector<16xi32>
        %bitcast_convert_type3A_309 = tpu.bitcast %select_n3A_308 : vector<16xi32> -> vector<16xf32>
        %mul3A_310 = arith.constant 16 : i32
        %mul3A_311 = arith.muli %while3A_293, %mul3A_310 : i32
        %swap3A_312 = arith.index_cast %mul3A_311 : i32 to index
        %swap3A_313 = tpu.vector_load %arg6[%swap3A_312] {strides = array<i32>} : memref<32784xf32, #tpu.memory_space<vmem>>, vector<16xf32>,
        tpu.vector_store %arg6[%swap3A_312], %bitcast_convert_type3A_309 {strides = array<i32>} : memref<32784xf32, #tpu.memory_space<vmem>>, vector<16xf32>,
        %ge3A_314 = arith.cmpi sge, %select_n3A_305, %broadcast_in_dim3A_57 : vector<16xi32>
        %and3A_315 = arith.andi %lt3A_307, %ge3A_314 : vector<16xi1>
        %convert_element_type3A_316 = arith.extui %and3A_315 : vector<16xi1> to vector<16xi32>
        %add3A_317 = arith.addi %while3A_294, %convert_element_type3A_316 : vector<16xi32>
        scf.yield %add3A_317 : vector<16xi32>
      }
      %while3A_81 = arith.constant 1 : i32
      %while3A_82 = scf.for %while3A_293 = %while3A_78 to %while3A_74 step %while3A_81 iter_args(%while3A_294 = %while3A_80) -> (vector<16xi32>)  : i32 {
        %mul3A_295 = arith.constant 16 : i32
        %mul3A_296 = arith.muli %while3A_293, %mul3A_295 : i32
        %get3A = arith.index_cast %mul3A_296 : i32 to index
        %get3A_297 = tpu.vector_load %arg6[%get3A] {strides = array<i32>} : memref<32784xf32, #tpu.memory_space<vmem>>, vector<16xf32>,
        %bitcast_convert_type3A_298 = tpu.bitcast %get3A_297 : vector<16xf32> -> vector<16xi32>
        %lt3A_299 = arith.constant 0 : i32
        %lt3A_300 = vector.broadcast %lt3A_299 : i32 to vector<16xi32>
        %lt3A_301 = arith.cmpi slt, %bitcast_convert_type3A_298, %lt3A_300 : vector<16xi32>
        %sub3A_302 = arith.constant -2147483648 : i32
        %sub3A_303 = vector.broadcast %sub3A_302 : i32 to vector<16xi32>
        %sub3A_304 = arith.subi %sub3A_303, %bitcast_convert_type3A_298 : vector<16xi32>
        %select_n3A_305 = arith.select %lt3A_301, %sub3A_304, %bitcast_convert_type3A_298 : vector<16xi1>, vector<16xi32>
        %broadcast_in_dim3A_306 = vector.broadcast %while3A_293 : i32 to vector<16xi32>
        %lt3A_307 = arith.cmpi slt, %broadcast_in_dim3A_306, %cond3A_62 : vector<16xi32>
        %select_n3A_308 = arith.select %lt3A_307, %select_n3A_305, %broadcast_in_dim3A_24 : vector<16xi1>, vector<16xi32>
        %bitcast_convert_type3A_309 = tpu.bitcast %select_n3A_308 : vector<16xi32> -> vector<16xf32>
        %mul3A_310 = arith.constant 16 : i32
        %mul3A_311 = arith.muli %while3A_293, %mul3A_310 : i32
        %swap3A_312 = arith.index_cast %mul3A_311 : i32 to index
        %swap3A_313 = tpu.vector_load %arg6[%swap3A_312] {strides = array<i32>} : memref<32784xf32, #tpu.memory_space<vmem>>, vector<16xf32>,
        tpu.vector_store %arg6[%swap3A_312], %bitcast_convert_type3A_309 {strides = array<i32>} : memref<32784xf32, #tpu.memory_space<vmem>>, vector<16xf32>,
        %ge3A_314 = arith.cmpi sge, %select_n3A_305, %broadcast_in_dim3A_57 : vector<16xi32>
        %and3A_315 = arith.andi %lt3A_307, %ge3A_314 : vector<16xi1>
        %convert_element_type3A_316 = arith.extui %and3A_315 : vector<16xi1> to vector<16xi32>
        %add3A_317 = arith.addi %while3A_294, %convert_element_type3A_316 : vector<16xi32>
        scf.yield %add3A_317 : vector<16xi32>
      }
      %reduce_sum3A = arith.constant true
      %reduce_sum3A_83 = vector.broadcast %reduce_sum3A : i1 to vector<16xi1>
      %reduce_sum3A_84 = tpu.scan <sum>, %while3A_82 masked %reduce_sum3A_83 : vector<16xi32>, vector<16xi1> -> vector<16xi32>
      %reduce_sum3A_85 = vector.extract %reduce_sum3A_84[15] : i32 from vector<16xi32>
      %reduce_sum3A_86 = arith.constant true
      %reduce_sum3A_87 = vector.broadcast %reduce_sum3A_86 : i1 to vector<16xi1>
      %reduce_sum3A_88 = tpu.scan <sum>, %cond3A_62 masked %reduce_sum3A_87 : vector<16xi32>, vector<16xi1> -> vector<16xi32>
      %reduce_sum3A_89 = vector.extract %reduce_sum3A_88[15] : i32 from vector<16xi32>
      %ge3A = arith.constant 128 : i32
      %ge3A_90 = arith.cmpi sge, %reduce_sum3A_89, %ge3A : i32
      %lt3A_91 = arith.constant 128 : i32
      %lt3A_92 = arith.cmpi slt, %reduce_sum3A_85, %lt3A_91 : i32
      %and3A_93 = arith.andi %ge3A_90, %lt3A_92 : i1
      %convert_element_type3A_94 = arith.extui %and3A_93 : i1 to i32
      %cond3A_95 = arith.constant 0 : i32
      %cond3A_96 = arith.constant 0 : i32
      %cond3A_97 = arith.cmpi ne, %convert_element_type3A_94, %cond3A_96 : i32
      %cond3A_98:2 = scf.if %cond3A_97 -> (i32, i32) {
        scf.yield %and3A_72, %select_n3A : i32, i32
      } else {
        %parallel_loop3A_293 = arith.constant 0 : i32
        %parallel_loop3A_294 = arith.constant 2048 : i32
        %parallel_loop3A_295 = arith.constant 1 : i32
        scf.for %parallel_loop3A_361 = %parallel_loop3A_293 to %parallel_loop3A_294 step %parallel_loop3A_295  : i32 {
          %parallel_loop3A_362 = arith.constant 16 : i32
          %parallel_loop3A_363 = arith.muli %parallel_loop3A_361, %parallel_loop3A_362 : i32
          %parallel_loop3A_364 = arith.index_cast %parallel_loop3A_363 : i32 to index
          %parallel_loop3A_365 = tpu.vector_load %arg4[%parallel_loop3A_364] {strides = array<i32>} : memref<32768xf32, #tpu.memory_space<vmem>>, vector<16xf32>,
          %parallel_loop3A_366 = tpu.bitcast %parallel_loop3A_365 : vector<16xf32> -> vector<16xi32>
          %parallel_loop3A_367 = arith.constant 24 : i32
          %parallel_loop3A_368 = vector.broadcast %parallel_loop3A_367 : i32 to vector<16xi32>
          %parallel_loop3A_369 = arith.shrsi %parallel_loop3A_366, %parallel_loop3A_368 : vector<16xi32>
          %parallel_loop3A_370 = arith.constant 255 : i32
          %parallel_loop3A_371 = vector.broadcast %parallel_loop3A_370 : i32 to vector<16xi32>
          %parallel_loop3A_372 = arith.andi %parallel_loop3A_369, %parallel_loop3A_371 : vector<16xi32>
          %parallel_loop3A_373 = arith.constant 4 : i32
          %parallel_loop3A_374 = vector.broadcast %parallel_loop3A_373 : i32 to vector<16xi32>
          %parallel_loop3A_375 = arith.shli %parallel_loop3A_372, %parallel_loop3A_374 : vector<16xi32>
          %parallel_loop3A_376 = arith.addi %parallel_loop3A_375, %iota3A : vector<16xi32>
          tpu.vector_store_idx %arg7[%parallel_loop3A_376], %broadcast_in_dim3A_1 {add = true} : memref<4096xi32, #tpu.memory_space<vmem>>[vector<16xi32>], vector<16xi32>,
        } {sc.loop_unroll_factor = 8 : i64, sc.parallel_access}
        %scan3A_296 = arith.constant 0 : i32
        %scan3A_297 = arith.constant 0 : i32
        %scan3A_298 = arith.constant 0 : i32
        %scan3A_299 = arith.constant 64 : i32
        %scan3A_300 = arith.addi %scan3A_298, %scan3A_299 : i32
        %scan3A_301 = arith.constant 1 : i32
        %scan3A_302:2 = scf.for %scan3A_361 = %scan3A_298 to %scan3A_300 step %scan3A_301 iter_args(%scan3A_362 = %scan3A_296, %scan3A_363 = %scan3A_297) -> (i32, i32)  : i32 {
          %mul3A_364 = arith.constant 4 : i32
          %mul3A_365 = arith.muli %scan3A_361, %mul3A_364 : i32
          %add3A_366 = arith.constant 0 : i32
          %add3A_367 = arith.addi %mul3A_365, %add3A_366 : i32
          %lt3A_368 = arith.constant 128 : i32
          %lt3A_369 = arith.cmpi slt, %add3A_367, %lt3A_368 : i32
          %sub3A_370 = arith.constant 127 : i32
          %sub3A_371 = arith.subi %sub3A_370, %add3A_367 : i32
          %select_n3A_372 = arith.select %lt3A_369, %sub3A_371, %add3A_367 : i32
          %mul3A_373 = arith.constant 16 : i32
          %mul3A_374 = arith.muli %select_n3A_372, %mul3A_373 : i32
          %get3A = arith.index_cast %mul3A_374 : i32 to index
          %get3A_375 = tpu.vector_load %arg7[%get3A] {strides = array<i32>} : memref<4096xi32, #tpu.memory_space<vmem>>, vector<16xi32>,
          %reduce_sum3A_376 = arith.constant true
          %reduce_sum3A_377 = vector.broadcast %reduce_sum3A_376 : i1 to vector<16xi1>
          %reduce_sum3A_378 = tpu.scan <sum>, %get3A_375 masked %reduce_sum3A_377 : vector<16xi32>, vector<16xi1> -> vector<16xi32>
          %reduce_sum3A_379 = vector.extract %reduce_sum3A_378[15] : i32 from vector<16xi32>
          %mul3A_380 = arith.constant 16 : i32
          %mul3A_381 = arith.muli %select_n3A_372, %mul3A_380 : i32
          %swap3A_382 = arith.index_cast %mul3A_381 : i32 to index
          %swap3A_383 = tpu.vector_load %arg7[%swap3A_382] {strides = array<i32>} : memref<4096xi32, #tpu.memory_space<vmem>>, vector<16xi32>,
          tpu.vector_store %arg7[%swap3A_382], %broadcast_in_dim3A_3 {strides = array<i32>} : memref<4096xi32, #tpu.memory_space<vmem>>, vector<16xi32>,
          %add3A_384 = arith.addi %scan3A_362, %reduce_sum3A_379 : i32
          %lt3A_385 = arith.constant 128 : i32
          %lt3A_386 = arith.cmpi slt, %scan3A_362, %lt3A_385 : i32
          %ge3A_387 = arith.constant 128 : i32
          %ge3A_388 = arith.cmpi sge, %add3A_384, %ge3A_387 : i32
          %and3A_389 = arith.andi %lt3A_386, %ge3A_388 : i1
          %select_n3A_390 = arith.select %and3A_389, %select_n3A_372, %scan3A_363 : i32
          %mul3A_391 = arith.constant 4 : i32
          %mul3A_392 = arith.muli %scan3A_361, %mul3A_391 : i32
          %add3A_393 = arith.constant 1 : i32
          %add3A_394 = arith.addi %mul3A_392, %add3A_393 : i32
          %lt3A_395 = arith.constant 128 : i32
          %lt3A_396 = arith.cmpi slt, %add3A_394, %lt3A_395 : i32
          %sub3A_397 = arith.constant 127 : i32
          %sub3A_398 = arith.subi %sub3A_397, %add3A_394 : i32
          %select_n3A_399 = arith.select %lt3A_396, %sub3A_398, %add3A_394 : i32
          %mul3A_400 = arith.constant 16 : i32
          %mul3A_401 = arith.muli %select_n3A_399, %mul3A_400 : i32
          %get3A_402 = arith.index_cast %mul3A_401 : i32 to index
          %get3A_403 = tpu.vector_load %arg7[%get3A_402] {strides = array<i32>} : memref<4096xi32, #tpu.memory_space<vmem>>, vector<16xi32>,
          %reduce_sum3A_404 = arith.constant true
          %reduce_sum3A_405 = vector.broadcast %reduce_sum3A_404 : i1 to vector<16xi1>
          %reduce_sum3A_406 = tpu.scan <sum>, %get3A_403 masked %reduce_sum3A_405 : vector<16xi32>, vector<16xi1> -> vector<16xi32>
          %reduce_sum3A_407 = vector.extract %reduce_sum3A_406[15] : i32 from vector<16xi32>
          %mul3A_408 = arith.constant 16 : i32
          %mul3A_409 = arith.muli %select_n3A_399, %mul3A_408 : i32
          %swap3A_410 = arith.index_cast %mul3A_409 : i32 to index
          %swap3A_411 = tpu.vector_load %arg7[%swap3A_410] {strides = array<i32>} : memref<4096xi32, #tpu.memory_space<vmem>>, vector<16xi32>,
          tpu.vector_store %arg7[%swap3A_410], %broadcast_in_dim3A_3 {strides = array<i32>} : memref<4096xi32, #tpu.memory_space<vmem>>, vector<16xi32>,
          %add3A_412 = arith.addi %add3A_384, %reduce_sum3A_407 : i32
          %lt3A_413 = arith.constant 128 : i32
          %lt3A_414 = arith.cmpi slt, %add3A_384, %lt3A_413 : i32
          %ge3A_415 = arith.constant 128 : i32
          %ge3A_416 = arith.cmpi sge, %add3A_412, %ge3A_415 : i32
          %and3A_417 = arith.andi %lt3A_414, %ge3A_416 : i1
          %select_n3A_418 = arith.select %and3A_417, %select_n3A_399, %select_n3A_390 : i32
          %mul3A_419 = arith.constant 4 : i32
          %mul3A_420 = arith.muli %scan3A_361, %mul3A_419 : i32
          %add3A_421 = arith.constant 2 : i32
          %add3A_422 = arith.addi %mul3A_420, %add3A_421 : i32
          %lt3A_423 = arith.constant 128 : i32
          %lt3A_424 = arith.cmpi slt, %add3A_422, %lt3A_423 : i32
          %sub3A_425 = arith.constant 127 : i32
          %sub3A_426 = arith.subi %sub3A_425, %add3A_422 : i32
          %select_n3A_427 = arith.select %lt3A_424, %sub3A_426, %add3A_422 : i32
          %mul3A_428 = arith.constant 16 : i32
          %mul3A_429 = arith.muli %select_n3A_427, %mul3A_428 : i32
          %get3A_430 = arith.index_cast %mul3A_429 : i32 to index
          %get3A_431 = tpu.vector_load %arg7[%get3A_430] {strides = array<i32>} : memref<4096xi32, #tpu.memory_space<vmem>>, vector<16xi32>,
          %reduce_sum3A_432 = arith.constant true
          %reduce_sum3A_433 = vector.broadcast %reduce_sum3A_432 : i1 to vector<16xi1>
          %reduce_sum3A_434 = tpu.scan <sum>, %get3A_431 masked %reduce_sum3A_433 : vector<16xi32>, vector<16xi1> -> vector<16xi32>
          %reduce_sum3A_435 = vector.extract %reduce_sum3A_434[15] : i32 from vector<16xi32>
          %mul3A_436 = arith.constant 16 : i32
          %mul3A_437 = arith.muli %select_n3A_427, %mul3A_436 : i32
          %swap3A_438 = arith.index_cast %mul3A_437 : i32 to index
          %swap3A_439 = tpu.vector_load %arg7[%swap3A_438] {strides = array<i32>} : memref<4096xi32, #tpu.memory_space<vmem>>, vector<16xi32>,
          tpu.vector_store %arg7[%swap3A_438], %broadcast_in_dim3A_3 {strides = array<i32>} : memref<4096xi32, #tpu.memory_space<vmem>>, vector<16xi32>,
          %add3A_440 = arith.addi %add3A_412, %reduce_sum3A_435 : i32
          %lt3A_441 = arith.constant 128 : i32
          %lt3A_442 = arith.cmpi slt, %add3A_412, %lt3A_441 : i32
          %ge3A_443 = arith.constant 128 : i32
          %ge3A_444 = arith.cmpi sge, %add3A_440, %ge3A_443 : i32
          %and3A_445 = arith.andi %lt3A_442, %ge3A_444 : i1
          %select_n3A_446 = arith.select %and3A_445, %select_n3A_427, %select_n3A_418 : i32
          %mul3A_447 = arith.constant 4 : i32
          %mul3A_448 = arith.muli %scan3A_361, %mul3A_447 : i32
          %add3A_449 = arith.constant 3 : i32
          %add3A_450 = arith.addi %mul3A_448, %add3A_449 : i32
          %lt3A_451 = arith.constant 128 : i32
          %lt3A_452 = arith.cmpi slt, %add3A_450, %lt3A_451 : i32
          %sub3A_453 = arith.constant 127 : i32
          %sub3A_454 = arith.subi %sub3A_453, %add3A_450 : i32
          %select_n3A_455 = arith.select %lt3A_452, %sub3A_454, %add3A_450 : i32
          %mul3A_456 = arith.constant 16 : i32
          %mul3A_457 = arith.muli %select_n3A_455, %mul3A_456 : i32
          %get3A_458 = arith.index_cast %mul3A_457 : i32 to index
          %get3A_459 = tpu.vector_load %arg7[%get3A_458] {strides = array<i32>} : memref<4096xi32, #tpu.memory_space<vmem>>, vector<16xi32>,
          %reduce_sum3A_460 = arith.constant true
          %reduce_sum3A_461 = vector.broadcast %reduce_sum3A_460 : i1 to vector<16xi1>
          %reduce_sum3A_462 = tpu.scan <sum>, %get3A_459 masked %reduce_sum3A_461 : vector<16xi32>, vector<16xi1> -> vector<16xi32>
          %reduce_sum3A_463 = vector.extract %reduce_sum3A_462[15] : i32 from vector<16xi32>
          %mul3A_464 = arith.constant 16 : i32
          %mul3A_465 = arith.muli %select_n3A_455, %mul3A_464 : i32
          %swap3A_466 = arith.index_cast %mul3A_465 : i32 to index
          %swap3A_467 = tpu.vector_load %arg7[%swap3A_466] {strides = array<i32>} : memref<4096xi32, #tpu.memory_space<vmem>>, vector<16xi32>,
          tpu.vector_store %arg7[%swap3A_466], %broadcast_in_dim3A_3 {strides = array<i32>} : memref<4096xi32, #tpu.memory_space<vmem>>, vector<16xi32>,
          %add3A_468 = arith.addi %add3A_440, %reduce_sum3A_463 : i32
          %lt3A_469 = arith.constant 128 : i32
          %lt3A_470 = arith.cmpi slt, %add3A_440, %lt3A_469 : i32
          %ge3A_471 = arith.constant 128 : i32
          %ge3A_472 = arith.cmpi sge, %add3A_468, %ge3A_471 : i32
          %and3A_473 = arith.andi %lt3A_470, %ge3A_472 : i1
          %select_n3A_474 = arith.select %and3A_473, %select_n3A_455, %select_n3A_446 : i32
          scf.yield %add3A_468, %select_n3A_474 : i32, i32
        }
        %scan3A_303 = arith.constant 64 : i32
        %lt3A_304 = arith.constant 128 : i32
        %lt3A_305 = arith.cmpi slt, %scan3A_302#1, %lt3A_304 : i32
        %shift_left3A = arith.constant 24 : i32
        %shift_left3A_306 = arith.shli %scan3A_302#1, %shift_left3A : i32
        %eq3A_307 = arith.constant 255 : i32
        %eq3A_308 = arith.cmpi eq, %scan3A_302#1, %eq3A_307 : i32
        %sub3A_309 = arith.constant 255 : i32
        %sub3A_310 = arith.subi %scan3A_302#1, %sub3A_309 : i32
        %shift_left3A_311 = arith.constant 24 : i32
        %shift_left3A_312 = arith.shli %sub3A_310, %shift_left3A_311 : i32
        %sub3A_313 = arith.constant 1 : i32
        %sub3A_314 = arith.subi %shift_left3A_312, %sub3A_313 : i32
        %jit3A_315 = arith.constant -8388608 : i32
        %select_n3A_316 = arith.select %eq3A_308, %jit3A_315, %sub3A_314 : i32
        %select_n3A_317 = arith.select %lt3A_305, %shift_left3A_306, %select_n3A_316 : i32
        %broadcast_in_dim3A_318 = vector.broadcast %select_n3A_317 : i32 to vector<16xi32>
        %bitcast_convert_type3A_319 = tpu.bitcast %broadcast_in_dim3A_318 : vector<16xi32> -> vector<16xf32>
        %parallel_loop3A_320 = arith.constant 0 : i32
        %parallel_loop3A_321 = arith.constant 2048 : i32
        %parallel_loop3A_322 = arith.constant 1 : i32
        %parallel_loop3A_323 = scf.for %parallel_loop3A_361 = %parallel_loop3A_320 to %parallel_loop3A_321 step %parallel_loop3A_322 iter_args(%parallel_loop3A_362 = %broadcast_in_dim3A_3) -> (vector<16xi32>)  : i32 {
          %parallel_loop3A_363 = arith.constant 16 : i32
          %parallel_loop3A_364 = arith.muli %parallel_loop3A_361, %parallel_loop3A_363 : i32
          %parallel_loop3A_365 = arith.index_cast %parallel_loop3A_364 : i32 to index
          %parallel_loop3A_366 = tpu.vector_load %arg4[%parallel_loop3A_365] {strides = array<i32>} : memref<32768xf32, #tpu.memory_space<vmem>>, vector<16xf32>,
          %parallel_loop3A_367 = arith.cmpf oge, %parallel_loop3A_366, %bitcast_convert_type3A_319 : vector<16xf32>
          %parallel_loop3A_368 = arith.constant 4 : i32
          %parallel_loop3A_369 = vector.broadcast %parallel_loop3A_368 : i32 to vector<16xi32>
          %parallel_loop3A_370 = arith.shli %parallel_loop3A_362, %parallel_loop3A_369 : vector<16xi32>
          %parallel_loop3A_371 = arith.addi %parallel_loop3A_370, %iota3A : vector<16xi32>
          tpu.vector_store_idx %arg6[%parallel_loop3A_371], %parallel_loop3A_366 masked %parallel_loop3A_367 : memref<32784xf32, #tpu.memory_space<vmem>>[vector<16xi32>], vector<16xf32>, vector<16xi1>
          %parallel_loop3A_372 = arith.extui %parallel_loop3A_367 : vector<16xi1> to vector<16xi32>
          %parallel_loop3A_373 = arith.addi %parallel_loop3A_362, %parallel_loop3A_372 : vector<16xi32>
          scf.yield %parallel_loop3A_373 : vector<16xi32>
        } {sc.loop_unroll_factor = 8 : i64, sc.parallel_access}
        %reduce_max3A_324 = arith.constant true
        %reduce_max3A_325 = vector.broadcast %reduce_max3A_324 : i1 to vector<16xi1>
        %reduce_max3A_326 = arith.constant -2147483648 : i32
        %reduce_max3A_327 = vector.broadcast %reduce_max3A_326 : i32 to vector<16xi32>
        %reduce_max3A_328 = arith.xori %parallel_loop3A_323, %reduce_max3A_327 : vector<16xi32>
        %reduce_max3A_329 = tpu.scan <max>, %reduce_max3A_328 masked %reduce_max3A_325 : vector<16xi32>, vector<16xi1> -> vector<16xi32>
        %reduce_max3A_330 = arith.xori %reduce_max3A_329, %reduce_max3A_327 : vector<16xi32>
        %reduce_max3A_331 = vector.extract %reduce_max3A_330[15] : i32 from vector<16xi32>
        %add3A_332 = arith.constant 1 : i32
        %add3A_333 = arith.addi %reduce_max3A_331, %add3A_332 : i32
        %and3A_334 = arith.constant -2 : i32
        %and3A_335 = arith.andi %add3A_333, %and3A_334 : i32
        %while3A_336 = arith.constant 0 : i32
        %while3A_337 = arith.subi %and3A_335, %while3A_336 : i32
        %while3A_338 = arith.addi %while3A_336, %while3A_337 : i32
        %while3A_339 = arith.constant 1 : i32
        %while3A_340 = arith.divsi %while3A_337, %while3A_339 : i32
        %while3A_341 = arith.muli %while3A_340, %while3A_339 : i32
        %while3A_342 = arith.addi %while3A_336, %while3A_341 : i32
        %while3A_343 = arith.constant 1 : i32
        %while3A_344 = scf.for %while3A_361 = %while3A_336 to %while3A_342 step %while3A_343 iter_args(%while3A_362 = %broadcast_in_dim3A_3) -> (vector<16xi32>)  : i32 {
          %mul3A_363 = arith.constant 16 : i32
          %mul3A_364 = arith.muli %while3A_361, %mul3A_363 : i32
          %get3A = arith.index_cast %mul3A_364 : i32 to index
          %get3A_365 = tpu.vector_load %arg6[%get3A] {strides = array<i32>} : memref<32784xf32, #tpu.memory_space<vmem>>, vector<16xf32>,
          %bitcast_convert_type3A_366 = tpu.bitcast %get3A_365 : vector<16xf32> -> vector<16xi32>
          %lt3A_367 = arith.constant 0 : i32
          %lt3A_368 = vector.broadcast %lt3A_367 : i32 to vector<16xi32>
          %lt3A_369 = arith.cmpi slt, %bitcast_convert_type3A_366, %lt3A_368 : vector<16xi32>
          %sub3A_370 = arith.constant -2147483648 : i32
          %sub3A_371 = vector.broadcast %sub3A_370 : i32 to vector<16xi32>
          %sub3A_372 = arith.subi %sub3A_371, %bitcast_convert_type3A_366 : vector<16xi32>
          %select_n3A_373 = arith.select %lt3A_369, %sub3A_372, %bitcast_convert_type3A_366 : vector<16xi1>, vector<16xi32>
          %broadcast_in_dim3A_374 = vector.broadcast %while3A_361 : i32 to vector<16xi32>
          %lt3A_375 = arith.cmpi slt, %broadcast_in_dim3A_374, %parallel_loop3A_323 : vector<16xi32>
          %select_n3A_376 = arith.select %lt3A_375, %select_n3A_373, %broadcast_in_dim3A_24 : vector<16xi1>, vector<16xi32>
          %bitcast_convert_type3A_377 = tpu.bitcast %select_n3A_376 : vector<16xi32> -> vector<16xf32>
          %mul3A_378 = arith.constant 16 : i32
          %mul3A_379 = arith.muli %while3A_361, %mul3A_378 : i32
          %swap3A_380 = arith.index_cast %mul3A_379 : i32 to index
          %swap3A_381 = tpu.vector_load %arg6[%swap3A_380] {strides = array<i32>} : memref<32784xf32, #tpu.memory_space<vmem>>, vector<16xf32>,
          tpu.vector_store %arg6[%swap3A_380], %bitcast_convert_type3A_377 {strides = array<i32>} : memref<32784xf32, #tpu.memory_space<vmem>>, vector<16xf32>,
          %ge3A_382 = arith.cmpi sge, %select_n3A_373, %broadcast_in_dim3A_57 : vector<16xi32>
          %and3A_383 = arith.andi %lt3A_375, %ge3A_382 : vector<16xi1>
          %convert_element_type3A_384 = arith.extui %and3A_383 : vector<16xi1> to vector<16xi32>
          %add3A_385 = arith.addi %while3A_362, %convert_element_type3A_384 : vector<16xi32>
          scf.yield %add3A_385 : vector<16xi32>
        }
        %while3A_345 = arith.constant 1 : i32
        %while3A_346 = scf.for %while3A_361 = %while3A_342 to %while3A_338 step %while3A_345 iter_args(%while3A_362 = %while3A_344) -> (vector<16xi32>)  : i32 {
          %mul3A_363 = arith.constant 16 : i32
          %mul3A_364 = arith.muli %while3A_361, %mul3A_363 : i32
          %get3A = arith.index_cast %mul3A_364 : i32 to index
          %get3A_365 = tpu.vector_load %arg6[%get3A] {strides = array<i32>} : memref<32784xf32, #tpu.memory_space<vmem>>, vector<16xf32>,
          %bitcast_convert_type3A_366 = tpu.bitcast %get3A_365 : vector<16xf32> -> vector<16xi32>
          %lt3A_367 = arith.constant 0 : i32
          %lt3A_368 = vector.broadcast %lt3A_367 : i32 to vector<16xi32>
          %lt3A_369 = arith.cmpi slt, %bitcast_convert_type3A_366, %lt3A_368 : vector<16xi32>
          %sub3A_370 = arith.constant -2147483648 : i32
          %sub3A_371 = vector.broadcast %sub3A_370 : i32 to vector<16xi32>
          %sub3A_372 = arith.subi %sub3A_371, %bitcast_convert_type3A_366 : vector<16xi32>
          %select_n3A_373 = arith.select %lt3A_369, %sub3A_372, %bitcast_convert_type3A_366 : vector<16xi1>, vector<16xi32>
          %broadcast_in_dim3A_374 = vector.broadcast %while3A_361 : i32 to vector<16xi32>
          %lt3A_375 = arith.cmpi slt, %broadcast_in_dim3A_374, %parallel_loop3A_323 : vector<16xi32>
          %select_n3A_376 = arith.select %lt3A_375, %select_n3A_373, %broadcast_in_dim3A_24 : vector<16xi1>, vector<16xi32>
          %bitcast_convert_type3A_377 = tpu.bitcast %select_n3A_376 : vector<16xi32> -> vector<16xf32>
          %mul3A_378 = arith.constant 16 : i32
          %mul3A_379 = arith.muli %while3A_361, %mul3A_378 : i32
          %swap3A_380 = arith.index_cast %mul3A_379 : i32 to index
          %swap3A_381 = tpu.vector_load %arg6[%swap3A_380] {strides = array<i32>} : memref<32784xf32, #tpu.memory_space<vmem>>, vector<16xf32>,
          tpu.vector_store %arg6[%swap3A_380], %bitcast_convert_type3A_377 {strides = array<i32>} : memref<32784xf32, #tpu.memory_space<vmem>>, vector<16xf32>,
          %ge3A_382 = arith.cmpi sge, %select_n3A_373, %broadcast_in_dim3A_57 : vector<16xi32>
          %and3A_383 = arith.andi %lt3A_375, %ge3A_382 : vector<16xi1>
          %convert_element_type3A_384 = arith.extui %and3A_383 : vector<16xi1> to vector<16xi32>
          %add3A_385 = arith.addi %while3A_362, %convert_element_type3A_384 : vector<16xi32>
          scf.yield %add3A_385 : vector<16xi32>
        }
        %reduce_sum3A_347 = arith.constant true
        %reduce_sum3A_348 = vector.broadcast %reduce_sum3A_347 : i1 to vector<16xi1>
        %reduce_sum3A_349 = tpu.scan <sum>, %while3A_346 masked %reduce_sum3A_348 : vector<16xi32>, vector<16xi1> -> vector<16xi32>
        %reduce_sum3A_350 = vector.extract %reduce_sum3A_349[15] : i32 from vector<16xi32>
        %lt3A_351 = arith.constant 128 : i32
        %lt3A_352 = arith.cmpi slt, %scan3A_302#1, %lt3A_351 : i32
        %add3A_353 = arith.constant 128 : i32
        %add3A_354 = arith.addi %scan3A_302#1, %add3A_353 : i32
        %sub3A_355 = arith.constant 255 : i32
        %sub3A_356 = arith.subi %sub3A_355, %scan3A_302#1 : i32
        %select_n3A_357 = arith.select %lt3A_352, %add3A_354, %sub3A_356 : i32
        %min3A = arith.constant 254 : i32
        %min3A_358 = arith.minsi %select_n3A_357, %min3A : i32
        %shift_left3A_359 = arith.constant 24 : i32
        %shift_left3A_360 = arith.shli %min3A_358, %shift_left3A_359 : i32
        scf.yield %and3A_335, %shift_left3A_360 : i32, i32
      }
      %scan3A_99 = arith.constant 0 : i32
      %scan3A_100 = arith.constant 0 : i32
      %scan3A_101 = arith.constant 25 : i32
      %scan3A_102 = arith.addi %scan3A_100, %scan3A_101 : i32
      %scan3A_103 = arith.constant 1 : i32
      %scan3A_104 = scf.for %scan3A_293 = %scan3A_100 to %scan3A_102 step %scan3A_103 iter_args(%scan3A_294 = %scan3A_99) -> (i32)  : i32 {
        %sub3A_295 = arith.constant 24 : i32
        %sub3A_296 = arith.subi %sub3A_295, %scan3A_293 : i32
        %shift_left3A = arith.constant 1 : i32
        %shift_left3A_297 = arith.shli %shift_left3A, %sub3A_296 : i32
        %or3A = arith.ori %scan3A_294, %shift_left3A_297 : i32
        %add3A_298 = arith.addi %cond3A_98#1, %or3A : i32
        %xor3A_299 = arith.constant -2147483648 : i32
        %xor3A_300 = arith.xori %add3A_298, %xor3A_299 : i32
        %broadcast_in_dim3A_301 = vector.broadcast %xor3A_300 : i32 to vector<16xi32>
        %shift_right_arithmetic3A = arith.constant 1 : i32
        %shift_right_arithmetic3A_302 = arith.shrsi %cond3A_98#0, %shift_right_arithmetic3A : i32
        %while3A_303 = arith.constant 0 : i32
        %while3A_304 = arith.subi %shift_right_arithmetic3A_302, %while3A_303 : i32
        %while3A_305 = arith.addi %while3A_303, %while3A_304 : i32
        %while3A_306 = arith.constant 1 : i32
        %while3A_307 = arith.divsi %while3A_304, %while3A_306 : i32
        %while3A_308 = arith.muli %while3A_307, %while3A_306 : i32
        %while3A_309 = arith.addi %while3A_303, %while3A_308 : i32
        %while3A_310 = arith.constant 1 : i32
        %while3A_311 = scf.for %while3A_321 = %while3A_303 to %while3A_309 step %while3A_310 iter_args(%while3A_322 = %broadcast_in_dim3A_3) -> (vector<16xi32>)  : i32 {
          %mul3A_323 = arith.constant 32 : i32
          %mul3A_324 = arith.muli %while3A_321, %mul3A_323 : i32
          %get3A = arith.index_cast %mul3A_324 : i32 to index
          %get3A_325 = tpu.vector_load %arg6[%get3A] {strides = array<i32>} : memref<32784xf32, #tpu.memory_space<vmem>>, vector<16xf32>,
          %bitcast_convert_type3A_326 = tpu.bitcast %get3A_325 : vector<16xf32> -> vector<16xi32>
          %mul3A_327 = arith.constant 32 : i32
          %mul3A_328 = arith.muli %while3A_321, %mul3A_327 : i32
          %add3A_329 = arith.constant 16 : i32
          %add3A_330 = arith.addi %mul3A_328, %add3A_329 : i32
          %get3A_331 = arith.index_cast %add3A_330 : i32 to index
          %get3A_332 = tpu.vector_load %arg6[%get3A_331] {strides = array<i32>} : memref<32784xf32, #tpu.memory_space<vmem>>, vector<16xf32>,
          %bitcast_convert_type3A_333 = tpu.bitcast %get3A_332 : vector<16xf32> -> vector<16xi32>
          %ge3A_334 = arith.cmpi sge, %bitcast_convert_type3A_326, %broadcast_in_dim3A_301 : vector<16xi32>
          %convert_element_type3A_335 = arith.extui %ge3A_334 : vector<16xi1> to vector<16xi32>
          %add3A_336 = arith.addi %while3A_322, %convert_element_type3A_335 : vector<16xi32>
          %ge3A_337 = arith.cmpi sge, %bitcast_convert_type3A_333, %broadcast_in_dim3A_301 : vector<16xi32>
          %convert_element_type3A_338 = arith.extui %ge3A_337 : vector<16xi1> to vector<16xi32>
          %add3A_339 = arith.addi %add3A_336, %convert_element_type3A_338 : vector<16xi32>
          scf.yield %add3A_339 : vector<16xi32>
        }
        %while3A_312 = arith.constant 1 : i32
        %while3A_313 = scf.for %while3A_321 = %while3A_309 to %while3A_305 step %while3A_312 iter_args(%while3A_322 = %while3A_311) -> (vector<16xi32>)  : i32 {
          %mul3A_323 = arith.constant 32 : i32
          %mul3A_324 = arith.muli %while3A_321, %mul3A_323 : i32
          %get3A = arith.index_cast %mul3A_324 : i32 to index
          %get3A_325 = tpu.vector_load %arg6[%get3A] {strides = array<i32>} : memref<32784xf32, #tpu.memory_space<vmem>>, vector<16xf32>,
          %bitcast_convert_type3A_326 = tpu.bitcast %get3A_325 : vector<16xf32> -> vector<16xi32>
          %mul3A_327 = arith.constant 32 : i32
          %mul3A_328 = arith.muli %while3A_321, %mul3A_327 : i32
          %add3A_329 = arith.constant 16 : i32
          %add3A_330 = arith.addi %mul3A_328, %add3A_329 : i32
          %get3A_331 = arith.index_cast %add3A_330 : i32 to index
          %get3A_332 = tpu.vector_load %arg6[%get3A_331] {strides = array<i32>} : memref<32784xf32, #tpu.memory_space<vmem>>, vector<16xf32>,
          %bitcast_convert_type3A_333 = tpu.bitcast %get3A_332 : vector<16xf32> -> vector<16xi32>
          %ge3A_334 = arith.cmpi sge, %bitcast_convert_type3A_326, %broadcast_in_dim3A_301 : vector<16xi32>
          %convert_element_type3A_335 = arith.extui %ge3A_334 : vector<16xi1> to vector<16xi32>
          %add3A_336 = arith.addi %while3A_322, %convert_element_type3A_335 : vector<16xi32>
          %ge3A_337 = arith.cmpi sge, %bitcast_convert_type3A_333, %broadcast_in_dim3A_301 : vector<16xi32>
          %convert_element_type3A_338 = arith.extui %ge3A_337 : vector<16xi1> to vector<16xi32>
          %add3A_339 = arith.addi %add3A_336, %convert_element_type3A_338 : vector<16xi32>
          scf.yield %add3A_339 : vector<16xi32>
        }
        %reduce_sum3A_314 = arith.constant true
        %reduce_sum3A_315 = vector.broadcast %reduce_sum3A_314 : i1 to vector<16xi1>
        %reduce_sum3A_316 = tpu.scan <sum>, %while3A_313 masked %reduce_sum3A_315 : vector<16xi32>, vector<16xi1> -> vector<16xi32>
        %reduce_sum3A_317 = vector.extract %reduce_sum3A_316[15] : i32 from vector<16xi32>
        %ge3A_318 = arith.constant 128 : i32
        %ge3A_319 = arith.cmpi sge, %reduce_sum3A_317, %ge3A_318 : i32
        %select_n3A_320 = arith.select %ge3A_319, %or3A, %scan3A_294 : i32
        scf.yield %select_n3A_320 : i32
      }
      %scan3A_105 = arith.constant 25 : i32
      %add3A_106 = arith.addi %cond3A_98#1, %scan3A_104 : i32
      %xor3A_107 = arith.constant -2147483648 : i32
      %xor3A_108 = arith.xori %add3A_106, %xor3A_107 : i32
      %broadcast_in_dim3A_109 = vector.broadcast %xor3A_108 : i32 to vector<16xi32>
      %while3A_110 = arith.constant 0 : i32
      %while3A_111 = arith.subi %cond3A_98#0, %while3A_110 : i32
      %while3A_112 = arith.addi %while3A_110, %while3A_111 : i32
      %while3A_113 = arith.constant 1 : i32
      %while3A_114 = arith.divsi %while3A_111, %while3A_113 : i32
      %while3A_115 = arith.muli %while3A_114, %while3A_113 : i32
      %while3A_116 = arith.addi %while3A_110, %while3A_115 : i32
      %while3A_117 = arith.constant 1 : i32
      %while3A_118:2 = scf.for %while3A_293 = %while3A_110 to %while3A_116 step %while3A_117 iter_args(%while3A_294 = %broadcast_in_dim3A_5, %while3A_295 = %broadcast_in_dim3A_3) -> (vector<16xf32>, vector<16xi32>)  : i32 {
        %mul3A_296 = arith.constant 16 : i32
        %mul3A_297 = arith.muli %while3A_293, %mul3A_296 : i32
        %get3A = arith.index_cast %mul3A_297 : i32 to index
        %get3A_298 = tpu.vector_load %arg6[%get3A] {strides = array<i32>} : memref<32784xf32, #tpu.memory_space<vmem>>, vector<16xf32>,
        %bitcast_convert_type3A_299 = tpu.bitcast %get3A_298 : vector<16xf32> -> vector<16xi32>
        %gt3A_300 = arith.cmpi sgt, %bitcast_convert_type3A_299, %broadcast_in_dim3A_109 : vector<16xi32>
        %lt3A_301 = arith.constant 0 : i32
        %lt3A_302 = vector.broadcast %lt3A_301 : i32 to vector<16xi32>
        %lt3A_303 = arith.cmpi slt, %bitcast_convert_type3A_299, %lt3A_302 : vector<16xi32>
        %sub3A_304 = arith.constant -2147483648 : i32
        %sub3A_305 = vector.broadcast %sub3A_304 : i32 to vector<16xi32>
        %sub3A_306 = arith.subi %sub3A_305, %bitcast_convert_type3A_299 : vector<16xi32>
        %select_n3A_307 = arith.select %lt3A_303, %sub3A_306, %bitcast_convert_type3A_299 : vector<16xi1>, vector<16xi32>
        %bitcast_convert_type3A_308 = tpu.bitcast %select_n3A_307 : vector<16xi32> -> vector<16xf32>
        %jit3A_309 = arith.constant 0.000000e+00 : f32
        %broadcast_in_dim3A_310 = vector.broadcast %jit3A_309 : f32 to vector<16xf32>
        %select_n3A_311 = arith.select %gt3A_300, %bitcast_convert_type3A_308, %broadcast_in_dim3A_310 : vector<16xi1>, vector<16xf32>
        %add3A_312 = arith.addf %while3A_294, %select_n3A_311 : vector<16xf32>
        %convert_element_type3A_313 = arith.extui %gt3A_300 : vector<16xi1> to vector<16xi32>
        %add3A_314 = arith.addi %while3A_295, %convert_element_type3A_313 : vector<16xi32>
        scf.yield %add3A_312, %add3A_314 : vector<16xf32>, vector<16xi32>
      }
      %while3A_119 = arith.constant 1 : i32
      %while3A_120:2 = scf.for %while3A_293 = %while3A_116 to %while3A_112 step %while3A_119 iter_args(%while3A_294 = %while3A_118#0, %while3A_295 = %while3A_118#1) -> (vector<16xf32>, vector<16xi32>)  : i32 {
        %mul3A_296 = arith.constant 16 : i32
        %mul3A_297 = arith.muli %while3A_293, %mul3A_296 : i32
        %get3A = arith.index_cast %mul3A_297 : i32 to index
        %get3A_298 = tpu.vector_load %arg6[%get3A] {strides = array<i32>} : memref<32784xf32, #tpu.memory_space<vmem>>, vector<16xf32>,
        %bitcast_convert_type3A_299 = tpu.bitcast %get3A_298 : vector<16xf32> -> vector<16xi32>
        %gt3A_300 = arith.cmpi sgt, %bitcast_convert_type3A_299, %broadcast_in_dim3A_109 : vector<16xi32>
        %lt3A_301 = arith.constant 0 : i32
        %lt3A_302 = vector.broadcast %lt3A_301 : i32 to vector<16xi32>
        %lt3A_303 = arith.cmpi slt, %bitcast_convert_type3A_299, %lt3A_302 : vector<16xi32>
        %sub3A_304 = arith.constant -2147483648 : i32
        %sub3A_305 = vector.broadcast %sub3A_304 : i32 to vector<16xi32>
        %sub3A_306 = arith.subi %sub3A_305, %bitcast_convert_type3A_299 : vector<16xi32>
        %select_n3A_307 = arith.select %lt3A_303, %sub3A_306, %bitcast_convert_type3A_299 : vector<16xi1>, vector<16xi32>
        %bitcast_convert_type3A_308 = tpu.bitcast %select_n3A_307 : vector<16xi32> -> vector<16xf32>
        %jit3A_309 = arith.constant 0.000000e+00 : f32
        %broadcast_in_dim3A_310 = vector.broadcast %jit3A_309 : f32 to vector<16xf32>
        %select_n3A_311 = arith.select %gt3A_300, %bitcast_convert_type3A_308, %broadcast_in_dim3A_310 : vector<16xi1>, vector<16xf32>
        %add3A_312 = arith.addf %while3A_294, %select_n3A_311 : vector<16xf32>
        %convert_element_type3A_313 = arith.extui %gt3A_300 : vector<16xi1> to vector<16xi32>
        %add3A_314 = arith.addi %while3A_295, %convert_element_type3A_313 : vector<16xi32>
        scf.yield %add3A_312, %add3A_314 : vector<16xf32>, vector<16xi32>
      }
      %lt3A_121 = arith.constant 0 : i32
      %lt3A_122 = vector.broadcast %lt3A_121 : i32 to vector<16xi32>
      %lt3A_123 = arith.cmpi slt, %broadcast_in_dim3A_109, %lt3A_122 : vector<16xi32>
      %sub3A_124 = arith.constant -2147483648 : i32
      %sub3A_125 = vector.broadcast %sub3A_124 : i32 to vector<16xi32>
      %sub3A_126 = arith.subi %sub3A_125, %broadcast_in_dim3A_109 : vector<16xi32>
      %select_n3A_127 = arith.select %lt3A_123, %sub3A_126, %broadcast_in_dim3A_109 : vector<16xi1>, vector<16xi32>
      %bitcast_convert_type3A_128 = tpu.bitcast %select_n3A_127 : vector<16xi32> -> vector<16xf32>
      %reduce_sum3A_129 = arith.constant true
      %reduce_sum3A_130 = vector.broadcast %reduce_sum3A_129 : i1 to vector<16xi1>
      %reduce_sum3A_131 = tpu.scan <sum>, %while3A_120#0 masked %reduce_sum3A_130 : vector<16xf32>, vector<16xi1> -> vector<16xf32>
      %reduce_sum3A_132 = vector.extract %reduce_sum3A_131[15] : f32 from vector<16xf32>
      %broadcast_in_dim3A_133 = vector.broadcast %reduce_sum3A_132 : f32 to vector<16xf32>
      %reduce_sum3A_134 = arith.constant true
      %reduce_sum3A_135 = vector.broadcast %reduce_sum3A_134 : i1 to vector<16xi1>
      %reduce_sum3A_136 = tpu.scan <sum>, %while3A_120#1 masked %reduce_sum3A_135 : vector<16xi32>, vector<16xi1> -> vector<16xi32>
      %reduce_sum3A_137 = vector.extract %reduce_sum3A_136[15] : i32 from vector<16xi32>
      %sub3A_138 = arith.constant 128 : i32
      %sub3A_139 = arith.subi %sub3A_138, %reduce_sum3A_137 : i32
      %convert_element_type3A_140 = arith.sitofp %sub3A_139 : i32 to f32
      %broadcast_in_dim3A_141 = vector.broadcast %convert_element_type3A_140 : f32 to vector<16xf32>
      %mul3A_142 = arith.mulf %broadcast_in_dim3A_141, %bitcast_convert_type3A_128 : vector<16xf32>
      %add3A_143 = arith.addf %broadcast_in_dim3A_133, %mul3A_142 : vector<16xf32>
      %eq3A = vector.broadcast %add3A_38 : i32 to vector<16xi32>
      %eq3A_144 = arith.cmpi eq, %iota3A, %eq3A : vector<16xi32>
      %mul3A_145 = arith.constant 7.812500e-03 : f32
      %mul3A_146 = vector.broadcast %mul3A_145 : f32 to vector<16xf32>
      %mul3A_147 = arith.mulf %add3A_143, %mul3A_146 : vector<16xf32>
      %select_n3A_148 = arith.select %eq3A_144, %mul3A_147, %scan3A_33 : vector<16xi1>, vector<16xf32>
      %eq3A_149 = arith.constant 0 : i32
      %eq3A_150 = arith.cmpi eq, %scan3A_32, %eq3A_149 : i32
      %convert_element_type3A_151 = arith.extui %eq3A_150 : i1 to i32
      %cond3A_152 = arith.constant 0 : i32
      %cond3A_153 = arith.cmpi ne, %convert_element_type3A_151, %cond3A_152 : i32
      scf.if %cond3A_153 {
        %add3A_293 = arith.addi %mul3A_7, %add3A_38 : i32
        %add3A_294 = arith.constant 2 : i32
        %add3A_295 = arith.addi %add3A_293, %add3A_294 : i32
        %dma_start3A_296 = arith.constant 0 : i32
        %dma_start3A_297 = tpu.memref_slice %arg2[%add3A_295, %dma_start3A_296] : memref<128x32768xf32, #tpu.memory_space<hbm>> -> memref<1x32768xf32, #tpu.memory_space<hbm>>
        %dma_start3A_298 = tpu.memref_squeeze %dma_start3A_297 : memref<1x32768xf32, #tpu.memory_space<hbm>> -> memref<32768xf32, #tpu.memory_space<hbm>>
        %dma_start3A_299 = arith.constant 0 : i32
        %dma_start3A_300 = tpu.memref_slice %arg2[%add3A_295, %dma_start3A_299] : memref<128x32768xf32, #tpu.memory_space<hbm>> -> memref<1x32768xf32, #tpu.memory_space<hbm>>
        %dma_start3A_301 = tpu.memref_squeeze %dma_start3A_300 : memref<1x32768xf32, #tpu.memory_space<hbm>> -> memref<32768xf32, #tpu.memory_space<hbm>>
        tpu.enqueue_dma source(%dma_start3A_301 : memref<32768xf32, #tpu.memory_space<hbm>>) target(%arg4 : memref<32768xf32, #tpu.memory_space<vmem>>) target_semaphore(%arg9 : memref<!tpu.dma_semaphore, #tpu.memory_space<semaphore_mem>>)
      } else {
      }
      %sub3A_154 = arith.constant 1048576 : i32
      %sub3A_155 = arith.subi %add3A_106, %sub3A_154 : i32
      %mul3A_156 = arith.constant 2 : i32
      %mul3A_157 = arith.muli %scan3A_32, %mul3A_156 : i32
      %add3A_158 = arith.constant 1 : i32
      %add3A_159 = arith.addi %mul3A_157, %add3A_158 : i32
      %add3A_160 = arith.addi %mul3A_7, %add3A_159 : i32
      %dma_wait3A_161 = arith.constant 0 : i32
      %dma_wait3A_162 = tpu.memref_slice %arg2[%add3A_160, %dma_wait3A_161] : memref<128x32768xf32, #tpu.memory_space<hbm>> -> memref<1x32768xf32, #tpu.memory_space<hbm>>
      %dma_wait3A_163 = tpu.memref_squeeze %dma_wait3A_162 : memref<1x32768xf32, #tpu.memory_space<hbm>> -> memref<32768xf32, #tpu.memory_space<hbm>>
      %dma_wait3A_164 = arith.constant 0 : i32
      %dma_wait3A_165 = tpu.memref_slice %arg2[%add3A_160, %dma_wait3A_164] : memref<128x32768xf32, #tpu.memory_space<hbm>> -> memref<1x32768xf32, #tpu.memory_space<hbm>>
      %dma_wait3A_166 = tpu.memref_squeeze %dma_wait3A_165 : memref<1x32768xf32, #tpu.memory_space<hbm>> -> memref<32768xf32, #tpu.memory_space<hbm>>
      tpu.wait_dma2 semaphore(%arg10 : memref<!tpu.dma_semaphore, #tpu.memory_space<semaphore_mem>>) src(%dma_wait3A_166 : memref<32768xf32, #tpu.memory_space<hbm>>) dst(%arg5 : memref<32768xf32, #tpu.memory_space<vmem>>)
      %xor3A_167 = arith.constant -2147483648 : i32
      %xor3A_168 = arith.xori %sub3A_155, %xor3A_167 : i32
      %gt3A_169 = arith.constant 2113929216 : i32
      %gt3A_170 = arith.cmpi sgt, %xor3A_168, %gt3A_169 : i32
      %jit3A_171 = arith.constant -33554432 : i32
      %select_n3A_172 = arith.select %gt3A_170, %jit3A_171, %sub3A_155 : i32
      %xor3A_173 = arith.constant -2147483648 : i32
      %xor3A_174 = arith.xori %select_n3A_172, %xor3A_173 : i32
      %lt3A_175 = arith.constant 0 : i32
      %lt3A_176 = arith.cmpi slt, %xor3A_174, %lt3A_175 : i32
      %sub3A_177 = arith.constant -2147483648 : i32
      %sub3A_178 = arith.subi %sub3A_177, %xor3A_174 : i32
      %select_n3A_179 = arith.select %lt3A_176, %sub3A_178, %xor3A_174 : i32
      %broadcast_in_dim3A_180 = vector.broadcast %select_n3A_179 : i32 to vector<16xi32>
      %bitcast_convert_type3A_181 = tpu.bitcast %broadcast_in_dim3A_180 : vector<16xi32> -> vector<16xf32>
      %add3A_182 = arith.constant 33554432 : i32
      %add3A_183 = arith.addi %select_n3A_172, %add3A_182 : i32
      %xor3A_184 = arith.constant -2147483648 : i32
      %xor3A_185 = arith.xori %add3A_183, %xor3A_184 : i32
      %broadcast_in_dim3A_186 = vector.broadcast %xor3A_185 : i32 to vector<16xi32>
      %gt3A_187 = arith.constant 0 : i32
      %gt3A_188 = arith.cmpi sgt, %add3A_159, %gt3A_187 : i32
      %convert_element_type3A_189 = arith.extui %gt3A_188 : i1 to i32
      %cond3A_190 = arith.constant 0 : i32
      %cond3A_191 = arith.constant 0 : i32
      %cond3A_192 = arith.cmpi ne, %convert_element_type3A_189, %cond3A_191 : i32
      %cond3A_193 = scf.if %cond3A_192 -> (vector<16xi32>) {
        %parallel_loop3A_293 = arith.constant 0 : i32
        %parallel_loop3A_294 = arith.constant 2048 : i32
        %parallel_loop3A_295 = arith.constant 1 : i32
        %parallel_loop3A_296 = scf.for %parallel_loop3A_297 = %parallel_loop3A_293 to %parallel_loop3A_294 step %parallel_loop3A_295 iter_args(%parallel_loop3A_298 = %broadcast_in_dim3A_3) -> (vector<16xi32>)  : i32 {
          %parallel_loop3A_299 = arith.constant 16 : i32
          %parallel_loop3A_300 = arith.muli %parallel_loop3A_297, %parallel_loop3A_299 : i32
          %parallel_loop3A_301 = arith.index_cast %parallel_loop3A_300 : i32 to index
          %parallel_loop3A_302 = tpu.vector_load %arg5[%parallel_loop3A_301] {strides = array<i32>} : memref<32768xf32, #tpu.memory_space<vmem>>, vector<16xf32>,
          %parallel_loop3A_303 = arith.cmpf oge, %parallel_loop3A_302, %bitcast_convert_type3A_181 : vector<16xf32>
          %parallel_loop3A_304 = arith.constant 4 : i32
          %parallel_loop3A_305 = vector.broadcast %parallel_loop3A_304 : i32 to vector<16xi32>
          %parallel_loop3A_306 = arith.shli %parallel_loop3A_298, %parallel_loop3A_305 : vector<16xi32>
          %parallel_loop3A_307 = arith.addi %parallel_loop3A_306, %iota3A : vector<16xi32>
          tpu.vector_store_idx %arg6[%parallel_loop3A_307], %parallel_loop3A_302 masked %parallel_loop3A_303 : memref<32784xf32, #tpu.memory_space<vmem>>[vector<16xi32>], vector<16xf32>, vector<16xi1>
          %parallel_loop3A_308 = arith.extui %parallel_loop3A_303 : vector<16xi1> to vector<16xi32>
          %parallel_loop3A_309 = arith.addi %parallel_loop3A_298, %parallel_loop3A_308 : vector<16xi32>
          scf.yield %parallel_loop3A_309 : vector<16xi32>
        } {sc.loop_unroll_factor = 8 : i64, sc.parallel_access}
        scf.yield %parallel_loop3A_296 : vector<16xi32>
      } else {
        scf.yield %broadcast_in_dim3A_3 : vector<16xi32>
      }
      %reduce_max3A_194 = arith.constant true
      %reduce_max3A_195 = vector.broadcast %reduce_max3A_194 : i1 to vector<16xi1>
      %reduce_max3A_196 = arith.constant -2147483648 : i32
      %reduce_max3A_197 = vector.broadcast %reduce_max3A_196 : i32 to vector<16xi32>
      %reduce_max3A_198 = arith.xori %cond3A_193, %reduce_max3A_197 : vector<16xi32>
      %reduce_max3A_199 = tpu.scan <max>, %reduce_max3A_198 masked %reduce_max3A_195 : vector<16xi32>, vector<16xi1> -> vector<16xi32>
      %reduce_max3A_200 = arith.xori %reduce_max3A_199, %reduce_max3A_197 : vector<16xi32>
      %reduce_max3A_201 = vector.extract %reduce_max3A_200[15] : i32 from vector<16xi32>
      %add3A_202 = arith.constant 1 : i32
      %add3A_203 = arith.addi %reduce_max3A_201, %add3A_202 : i32
      %and3A_204 = arith.constant -2 : i32
      %and3A_205 = arith.andi %add3A_203, %and3A_204 : i32
      %while3A_206 = arith.constant 0 : i32
      %while3A_207 = arith.subi %and3A_205, %while3A_206 : i32
      %while3A_208 = arith.addi %while3A_206, %while3A_207 : i32
      %while3A_209 = arith.constant 1 : i32
      %while3A_210 = arith.divsi %while3A_207, %while3A_209 : i32
      %while3A_211 = arith.muli %while3A_210, %while3A_209 : i32
      %while3A_212 = arith.addi %while3A_206, %while3A_211 : i32
      %while3A_213 = arith.constant 1 : i32
      %while3A_214 = scf.for %while3A_293 = %while3A_206 to %while3A_212 step %while3A_213 iter_args(%while3A_294 = %broadcast_in_dim3A_3) -> (vector<16xi32>)  : i32 {
        %mul3A_295 = arith.constant 16 : i32
        %mul3A_296 = arith.muli %while3A_293, %mul3A_295 : i32
        %get3A = arith.index_cast %mul3A_296 : i32 to index
        %get3A_297 = tpu.vector_load %arg6[%get3A] {strides = array<i32>} : memref<32784xf32, #tpu.memory_space<vmem>>, vector<16xf32>,
        %bitcast_convert_type3A_298 = tpu.bitcast %get3A_297 : vector<16xf32> -> vector<16xi32>
        %lt3A_299 = arith.constant 0 : i32
        %lt3A_300 = vector.broadcast %lt3A_299 : i32 to vector<16xi32>
        %lt3A_301 = arith.cmpi slt, %bitcast_convert_type3A_298, %lt3A_300 : vector<16xi32>
        %sub3A_302 = arith.constant -2147483648 : i32
        %sub3A_303 = vector.broadcast %sub3A_302 : i32 to vector<16xi32>
        %sub3A_304 = arith.subi %sub3A_303, %bitcast_convert_type3A_298 : vector<16xi32>
        %select_n3A_305 = arith.select %lt3A_301, %sub3A_304, %bitcast_convert_type3A_298 : vector<16xi1>, vector<16xi32>
        %broadcast_in_dim3A_306 = vector.broadcast %while3A_293 : i32 to vector<16xi32>
        %lt3A_307 = arith.cmpi slt, %broadcast_in_dim3A_306, %cond3A_193 : vector<16xi32>
        %select_n3A_308 = arith.select %lt3A_307, %select_n3A_305, %broadcast_in_dim3A_24 : vector<16xi1>, vector<16xi32>
        %bitcast_convert_type3A_309 = tpu.bitcast %select_n3A_308 : vector<16xi32> -> vector<16xf32>
        %mul3A_310 = arith.constant 16 : i32
        %mul3A_311 = arith.muli %while3A_293, %mul3A_310 : i32
        %swap3A_312 = arith.index_cast %mul3A_311 : i32 to index
        %swap3A_313 = tpu.vector_load %arg6[%swap3A_312] {strides = array<i32>} : memref<32784xf32, #tpu.memory_space<vmem>>, vector<16xf32>,
        tpu.vector_store %arg6[%swap3A_312], %bitcast_convert_type3A_309 {strides = array<i32>} : memref<32784xf32, #tpu.memory_space<vmem>>, vector<16xf32>,
        %ge3A_314 = arith.cmpi sge, %select_n3A_305, %broadcast_in_dim3A_186 : vector<16xi32>
        %and3A_315 = arith.andi %lt3A_307, %ge3A_314 : vector<16xi1>
        %convert_element_type3A_316 = arith.extui %and3A_315 : vector<16xi1> to vector<16xi32>
        %add3A_317 = arith.addi %while3A_294, %convert_element_type3A_316 : vector<16xi32>
        scf.yield %add3A_317 : vector<16xi32>
      }
      %while3A_215 = arith.constant 1 : i32
      %while3A_216 = scf.for %while3A_293 = %while3A_212 to %while3A_208 step %while3A_215 iter_args(%while3A_294 = %while3A_214) -> (vector<16xi32>)  : i32 {
        %mul3A_295 = arith.constant 16 : i32
        %mul3A_296 = arith.muli %while3A_293, %mul3A_295 : i32
        %get3A = arith.index_cast %mul3A_296 : i32 to index
        %get3A_297 = tpu.vector_load %arg6[%get3A] {strides = array<i32>} : memref<32784xf32, #tpu.memory_space<vmem>>, vector<16xf32>,
        %bitcast_convert_type3A_298 = tpu.bitcast %get3A_297 : vector<16xf32> -> vector<16xi32>
        %lt3A_299 = arith.constant 0 : i32
        %lt3A_300 = vector.broadcast %lt3A_299 : i32 to vector<16xi32>
        %lt3A_301 = arith.cmpi slt, %bitcast_convert_type3A_298, %lt3A_300 : vector<16xi32>
        %sub3A_302 = arith.constant -2147483648 : i32
        %sub3A_303 = vector.broadcast %sub3A_302 : i32 to vector<16xi32>
        %sub3A_304 = arith.subi %sub3A_303, %bitcast_convert_type3A_298 : vector<16xi32>
        %select_n3A_305 = arith.select %lt3A_301, %sub3A_304, %bitcast_convert_type3A_298 : vector<16xi1>, vector<16xi32>
        %broadcast_in_dim3A_306 = vector.broadcast %while3A_293 : i32 to vector<16xi32>
        %lt3A_307 = arith.cmpi slt, %broadcast_in_dim3A_306, %cond3A_193 : vector<16xi32>
        %select_n3A_308 = arith.select %lt3A_307, %select_n3A_305, %broadcast_in_dim3A_24 : vector<16xi1>, vector<16xi32>
        %bitcast_convert_type3A_309 = tpu.bitcast %select_n3A_308 : vector<16xi32> -> vector<16xf32>
        %mul3A_310 = arith.constant 16 : i32
        %mul3A_311 = arith.muli %while3A_293, %mul3A_310 : i32
        %swap3A_312 = arith.index_cast %mul3A_311 : i32 to index
        %swap3A_313 = tpu.vector_load %arg6[%swap3A_312] {strides = array<i32>} : memref<32784xf32, #tpu.memory_space<vmem>>, vector<16xf32>,
        tpu.vector_store %arg6[%swap3A_312], %bitcast_convert_type3A_309 {strides = array<i32>} : memref<32784xf32, #tpu.memory_space<vmem>>, vector<16xf32>,
        %ge3A_314 = arith.cmpi sge, %select_n3A_305, %broadcast_in_dim3A_186 : vector<16xi32>
        %and3A_315 = arith.andi %lt3A_307, %ge3A_314 : vector<16xi1>
        %convert_element_type3A_316 = arith.extui %and3A_315 : vector<16xi1> to vector<16xi32>
        %add3A_317 = arith.addi %while3A_294, %convert_element_type3A_316 : vector<16xi32>
        scf.yield %add3A_317 : vector<16xi32>
      }
      %reduce_sum3A_217 = arith.constant true
      %reduce_sum3A_218 = vector.broadcast %reduce_sum3A_217 : i1 to vector<16xi1>
      %reduce_sum3A_219 = tpu.scan <sum>, %while3A_216 masked %reduce_sum3A_218 : vector<16xi32>, vector<16xi1> -> vector<16xi32>
      %reduce_sum3A_220 = vector.extract %reduce_sum3A_219[15] : i32 from vector<16xi32>
      %reduce_sum3A_221 = arith.constant true
      %reduce_sum3A_222 = vector.broadcast %reduce_sum3A_221 : i1 to vector<16xi1>
      %reduce_sum3A_223 = tpu.scan <sum>, %cond3A_193 masked %reduce_sum3A_222 : vector<16xi32>, vector<16xi1> -> vector<16xi32>
      %reduce_sum3A_224 = vector.extract %reduce_sum3A_223[15] : i32 from vector<16xi32>
      %ge3A_225 = arith.constant 128 : i32
      %ge3A_226 = arith.cmpi sge, %reduce_sum3A_224, %ge3A_225 : i32
      %lt3A_227 = arith.constant 128 : i32
      %lt3A_228 = arith.cmpi slt, %reduce_sum3A_220, %lt3A_227 : i32
      %and3A_229 = arith.andi %ge3A_226, %lt3A_228 : i1
      %convert_element_type3A_230 = arith.extui %and3A_229 : i1 to i32
      %cond3A_231 = arith.constant 0 : i32
      %cond3A_232 = arith.constant 0 : i32
      %cond3A_233 = arith.cmpi ne, %convert_element_type3A_230, %cond3A_232 : i32
      %cond3A_234:2 = scf.if %cond3A_233 -> (i32, i32) {
        scf.yield %and3A_205, %select_n3A_172 : i32, i32
      } else {
        %parallel_loop3A_293 = arith.constant 0 : i32
        %parallel_loop3A_294 = arith.constant 2048 : i32
        %parallel_loop3A_295 = arith.constant 1 : i32
        scf.for %parallel_loop3A_361 = %parallel_loop3A_293 to %parallel_loop3A_294 step %parallel_loop3A_295  : i32 {
          %parallel_loop3A_362 = arith.constant 16 : i32
          %parallel_loop3A_363 = arith.muli %parallel_loop3A_361, %parallel_loop3A_362 : i32
          %parallel_loop3A_364 = arith.index_cast %parallel_loop3A_363 : i32 to index
          %parallel_loop3A_365 = tpu.vector_load %arg5[%parallel_loop3A_364] {strides = array<i32>} : memref<32768xf32, #tpu.memory_space<vmem>>, vector<16xf32>,
          %parallel_loop3A_366 = tpu.bitcast %parallel_loop3A_365 : vector<16xf32> -> vector<16xi32>
          %parallel_loop3A_367 = arith.constant 24 : i32
          %parallel_loop3A_368 = vector.broadcast %parallel_loop3A_367 : i32 to vector<16xi32>
          %parallel_loop3A_369 = arith.shrsi %parallel_loop3A_366, %parallel_loop3A_368 : vector<16xi32>
          %parallel_loop3A_370 = arith.constant 255 : i32
          %parallel_loop3A_371 = vector.broadcast %parallel_loop3A_370 : i32 to vector<16xi32>
          %parallel_loop3A_372 = arith.andi %parallel_loop3A_369, %parallel_loop3A_371 : vector<16xi32>
          %parallel_loop3A_373 = arith.constant 4 : i32
          %parallel_loop3A_374 = vector.broadcast %parallel_loop3A_373 : i32 to vector<16xi32>
          %parallel_loop3A_375 = arith.shli %parallel_loop3A_372, %parallel_loop3A_374 : vector<16xi32>
          %parallel_loop3A_376 = arith.addi %parallel_loop3A_375, %iota3A : vector<16xi32>
          tpu.vector_store_idx %arg7[%parallel_loop3A_376], %broadcast_in_dim3A_1 {add = true} : memref<4096xi32, #tpu.memory_space<vmem>>[vector<16xi32>], vector<16xi32>,
        } {sc.loop_unroll_factor = 8 : i64, sc.parallel_access}
        %scan3A_296 = arith.constant 0 : i32
        %scan3A_297 = arith.constant 0 : i32
        %scan3A_298 = arith.constant 0 : i32
        %scan3A_299 = arith.constant 64 : i32
        %scan3A_300 = arith.addi %scan3A_298, %scan3A_299 : i32
        %scan3A_301 = arith.constant 1 : i32
        %scan3A_302:2 = scf.for %scan3A_361 = %scan3A_298 to %scan3A_300 step %scan3A_301 iter_args(%scan3A_362 = %scan3A_296, %scan3A_363 = %scan3A_297) -> (i32, i32)  : i32 {
          %mul3A_364 = arith.constant 4 : i32
          %mul3A_365 = arith.muli %scan3A_361, %mul3A_364 : i32
          %add3A_366 = arith.constant 0 : i32
          %add3A_367 = arith.addi %mul3A_365, %add3A_366 : i32
          %lt3A_368 = arith.constant 128 : i32
          %lt3A_369 = arith.cmpi slt, %add3A_367, %lt3A_368 : i32
          %sub3A_370 = arith.constant 127 : i32
          %sub3A_371 = arith.subi %sub3A_370, %add3A_367 : i32
          %select_n3A_372 = arith.select %lt3A_369, %sub3A_371, %add3A_367 : i32
          %mul3A_373 = arith.constant 16 : i32
          %mul3A_374 = arith.muli %select_n3A_372, %mul3A_373 : i32
          %get3A = arith.index_cast %mul3A_374 : i32 to index
          %get3A_375 = tpu.vector_load %arg7[%get3A] {strides = array<i32>} : memref<4096xi32, #tpu.memory_space<vmem>>, vector<16xi32>,
          %reduce_sum3A_376 = arith.constant true
          %reduce_sum3A_377 = vector.broadcast %reduce_sum3A_376 : i1 to vector<16xi1>
          %reduce_sum3A_378 = tpu.scan <sum>, %get3A_375 masked %reduce_sum3A_377 : vector<16xi32>, vector<16xi1> -> vector<16xi32>
          %reduce_sum3A_379 = vector.extract %reduce_sum3A_378[15] : i32 from vector<16xi32>
          %mul3A_380 = arith.constant 16 : i32
          %mul3A_381 = arith.muli %select_n3A_372, %mul3A_380 : i32
          %swap3A_382 = arith.index_cast %mul3A_381 : i32 to index
          %swap3A_383 = tpu.vector_load %arg7[%swap3A_382] {strides = array<i32>} : memref<4096xi32, #tpu.memory_space<vmem>>, vector<16xi32>,
          tpu.vector_store %arg7[%swap3A_382], %broadcast_in_dim3A_3 {strides = array<i32>} : memref<4096xi32, #tpu.memory_space<vmem>>, vector<16xi32>,
          %add3A_384 = arith.addi %scan3A_362, %reduce_sum3A_379 : i32
          %lt3A_385 = arith.constant 128 : i32
          %lt3A_386 = arith.cmpi slt, %scan3A_362, %lt3A_385 : i32
          %ge3A_387 = arith.constant 128 : i32
          %ge3A_388 = arith.cmpi sge, %add3A_384, %ge3A_387 : i32
          %and3A_389 = arith.andi %lt3A_386, %ge3A_388 : i1
          %select_n3A_390 = arith.select %and3A_389, %select_n3A_372, %scan3A_363 : i32
          %mul3A_391 = arith.constant 4 : i32
          %mul3A_392 = arith.muli %scan3A_361, %mul3A_391 : i32
          %add3A_393 = arith.constant 1 : i32
          %add3A_394 = arith.addi %mul3A_392, %add3A_393 : i32
          %lt3A_395 = arith.constant 128 : i32
          %lt3A_396 = arith.cmpi slt, %add3A_394, %lt3A_395 : i32
          %sub3A_397 = arith.constant 127 : i32
          %sub3A_398 = arith.subi %sub3A_397, %add3A_394 : i32
          %select_n3A_399 = arith.select %lt3A_396, %sub3A_398, %add3A_394 : i32
          %mul3A_400 = arith.constant 16 : i32
          %mul3A_401 = arith.muli %select_n3A_399, %mul3A_400 : i32
          %get3A_402 = arith.index_cast %mul3A_401 : i32 to index
          %get3A_403 = tpu.vector_load %arg7[%get3A_402] {strides = array<i32>} : memref<4096xi32, #tpu.memory_space<vmem>>, vector<16xi32>,
          %reduce_sum3A_404 = arith.constant true
          %reduce_sum3A_405 = vector.broadcast %reduce_sum3A_404 : i1 to vector<16xi1>
          %reduce_sum3A_406 = tpu.scan <sum>, %get3A_403 masked %reduce_sum3A_405 : vector<16xi32>, vector<16xi1> -> vector<16xi32>
          %reduce_sum3A_407 = vector.extract %reduce_sum3A_406[15] : i32 from vector<16xi32>
          %mul3A_408 = arith.constant 16 : i32
          %mul3A_409 = arith.muli %select_n3A_399, %mul3A_408 : i32
          %swap3A_410 = arith.index_cast %mul3A_409 : i32 to index
          %swap3A_411 = tpu.vector_load %arg7[%swap3A_410] {strides = array<i32>} : memref<4096xi32, #tpu.memory_space<vmem>>, vector<16xi32>,
          tpu.vector_store %arg7[%swap3A_410], %broadcast_in_dim3A_3 {strides = array<i32>} : memref<4096xi32, #tpu.memory_space<vmem>>, vector<16xi32>,
          %add3A_412 = arith.addi %add3A_384, %reduce_sum3A_407 : i32
          %lt3A_413 = arith.constant 128 : i32
          %lt3A_414 = arith.cmpi slt, %add3A_384, %lt3A_413 : i32
          %ge3A_415 = arith.constant 128 : i32
          %ge3A_416 = arith.cmpi sge, %add3A_412, %ge3A_415 : i32
          %and3A_417 = arith.andi %lt3A_414, %ge3A_416 : i1
          %select_n3A_418 = arith.select %and3A_417, %select_n3A_399, %select_n3A_390 : i32
          %mul3A_419 = arith.constant 4 : i32
          %mul3A_420 = arith.muli %scan3A_361, %mul3A_419 : i32
          %add3A_421 = arith.constant 2 : i32
          %add3A_422 = arith.addi %mul3A_420, %add3A_421 : i32
          %lt3A_423 = arith.constant 128 : i32
          %lt3A_424 = arith.cmpi slt, %add3A_422, %lt3A_423 : i32
          %sub3A_425 = arith.constant 127 : i32
          %sub3A_426 = arith.subi %sub3A_425, %add3A_422 : i32
          %select_n3A_427 = arith.select %lt3A_424, %sub3A_426, %add3A_422 : i32
          %mul3A_428 = arith.constant 16 : i32
          %mul3A_429 = arith.muli %select_n3A_427, %mul3A_428 : i32
          %get3A_430 = arith.index_cast %mul3A_429 : i32 to index
          %get3A_431 = tpu.vector_load %arg7[%get3A_430] {strides = array<i32>} : memref<4096xi32, #tpu.memory_space<vmem>>, vector<16xi32>,
          %reduce_sum3A_432 = arith.constant true
          %reduce_sum3A_433 = vector.broadcast %reduce_sum3A_432 : i1 to vector<16xi1>
          %reduce_sum3A_434 = tpu.scan <sum>, %get3A_431 masked %reduce_sum3A_433 : vector<16xi32>, vector<16xi1> -> vector<16xi32>
          %reduce_sum3A_435 = vector.extract %reduce_sum3A_434[15] : i32 from vector<16xi32>
          %mul3A_436 = arith.constant 16 : i32
          %mul3A_437 = arith.muli %select_n3A_427, %mul3A_436 : i32
          %swap3A_438 = arith.index_cast %mul3A_437 : i32 to index
          %swap3A_439 = tpu.vector_load %arg7[%swap3A_438] {strides = array<i32>} : memref<4096xi32, #tpu.memory_space<vmem>>, vector<16xi32>,
          tpu.vector_store %arg7[%swap3A_438], %broadcast_in_dim3A_3 {strides = array<i32>} : memref<4096xi32, #tpu.memory_space<vmem>>, vector<16xi32>,
          %add3A_440 = arith.addi %add3A_412, %reduce_sum3A_435 : i32
          %lt3A_441 = arith.constant 128 : i32
          %lt3A_442 = arith.cmpi slt, %add3A_412, %lt3A_441 : i32
          %ge3A_443 = arith.constant 128 : i32
          %ge3A_444 = arith.cmpi sge, %add3A_440, %ge3A_443 : i32
          %and3A_445 = arith.andi %lt3A_442, %ge3A_444 : i1
          %select_n3A_446 = arith.select %and3A_445, %select_n3A_427, %select_n3A_418 : i32
          %mul3A_447 = arith.constant 4 : i32
          %mul3A_448 = arith.muli %scan3A_361, %mul3A_447 : i32
          %add3A_449 = arith.constant 3 : i32
          %add3A_450 = arith.addi %mul3A_448, %add3A_449 : i32
          %lt3A_451 = arith.constant 128 : i32
          %lt3A_452 = arith.cmpi slt, %add3A_450, %lt3A_451 : i32
          %sub3A_453 = arith.constant 127 : i32
          %sub3A_454 = arith.subi %sub3A_453, %add3A_450 : i32
          %select_n3A_455 = arith.select %lt3A_452, %sub3A_454, %add3A_450 : i32
          %mul3A_456 = arith.constant 16 : i32
          %mul3A_457 = arith.muli %select_n3A_455, %mul3A_456 : i32
          %get3A_458 = arith.index_cast %mul3A_457 : i32 to index
          %get3A_459 = tpu.vector_load %arg7[%get3A_458] {strides = array<i32>} : memref<4096xi32, #tpu.memory_space<vmem>>, vector<16xi32>,
          %reduce_sum3A_460 = arith.constant true
          %reduce_sum3A_461 = vector.broadcast %reduce_sum3A_460 : i1 to vector<16xi1>
          %reduce_sum3A_462 = tpu.scan <sum>, %get3A_459 masked %reduce_sum3A_461 : vector<16xi32>, vector<16xi1> -> vector<16xi32>
          %reduce_sum3A_463 = vector.extract %reduce_sum3A_462[15] : i32 from vector<16xi32>
          %mul3A_464 = arith.constant 16 : i32
          %mul3A_465 = arith.muli %select_n3A_455, %mul3A_464 : i32
          %swap3A_466 = arith.index_cast %mul3A_465 : i32 to index
          %swap3A_467 = tpu.vector_load %arg7[%swap3A_466] {strides = array<i32>} : memref<4096xi32, #tpu.memory_space<vmem>>, vector<16xi32>,
          tpu.vector_store %arg7[%swap3A_466], %broadcast_in_dim3A_3 {strides = array<i32>} : memref<4096xi32, #tpu.memory_space<vmem>>, vector<16xi32>,
          %add3A_468 = arith.addi %add3A_440, %reduce_sum3A_463 : i32
          %lt3A_469 = arith.constant 128 : i32
          %lt3A_470 = arith.cmpi slt, %add3A_440, %lt3A_469 : i32
          %ge3A_471 = arith.constant 128 : i32
          %ge3A_472 = arith.cmpi sge, %add3A_468, %ge3A_471 : i32
          %and3A_473 = arith.andi %lt3A_470, %ge3A_472 : i1
          %select_n3A_474 = arith.select %and3A_473, %select_n3A_455, %select_n3A_446 : i32
          scf.yield %add3A_468, %select_n3A_474 : i32, i32
        }
        %scan3A_303 = arith.constant 64 : i32
        %lt3A_304 = arith.constant 128 : i32
        %lt3A_305 = arith.cmpi slt, %scan3A_302#1, %lt3A_304 : i32
        %shift_left3A = arith.constant 24 : i32
        %shift_left3A_306 = arith.shli %scan3A_302#1, %shift_left3A : i32
        %eq3A_307 = arith.constant 255 : i32
        %eq3A_308 = arith.cmpi eq, %scan3A_302#1, %eq3A_307 : i32
        %sub3A_309 = arith.constant 255 : i32
        %sub3A_310 = arith.subi %scan3A_302#1, %sub3A_309 : i32
        %shift_left3A_311 = arith.constant 24 : i32
        %shift_left3A_312 = arith.shli %sub3A_310, %shift_left3A_311 : i32
        %sub3A_313 = arith.constant 1 : i32
        %sub3A_314 = arith.subi %shift_left3A_312, %sub3A_313 : i32
        %jit3A_315 = arith.constant -8388608 : i32
        %select_n3A_316 = arith.select %eq3A_308, %jit3A_315, %sub3A_314 : i32
        %select_n3A_317 = arith.select %lt3A_305, %shift_left3A_306, %select_n3A_316 : i32
        %broadcast_in_dim3A_318 = vector.broadcast %select_n3A_317 : i32 to vector<16xi32>
        %bitcast_convert_type3A_319 = tpu.bitcast %broadcast_in_dim3A_318 : vector<16xi32> -> vector<16xf32>
        %parallel_loop3A_320 = arith.constant 0 : i32
        %parallel_loop3A_321 = arith.constant 2048 : i32
        %parallel_loop3A_322 = arith.constant 1 : i32
        %parallel_loop3A_323 = scf.for %parallel_loop3A_361 = %parallel_loop3A_320 to %parallel_loop3A_321 step %parallel_loop3A_322 iter_args(%parallel_loop3A_362 = %broadcast_in_dim3A_3) -> (vector<16xi32>)  : i32 {
          %parallel_loop3A_363 = arith.constant 16 : i32
          %parallel_loop3A_364 = arith.muli %parallel_loop3A_361, %parallel_loop3A_363 : i32
          %parallel_loop3A_365 = arith.index_cast %parallel_loop3A_364 : i32 to index
          %parallel_loop3A_366 = tpu.vector_load %arg5[%parallel_loop3A_365] {strides = array<i32>} : memref<32768xf32, #tpu.memory_space<vmem>>, vector<16xf32>,
          %parallel_loop3A_367 = arith.cmpf oge, %parallel_loop3A_366, %bitcast_convert_type3A_319 : vector<16xf32>
          %parallel_loop3A_368 = arith.constant 4 : i32
          %parallel_loop3A_369 = vector.broadcast %parallel_loop3A_368 : i32 to vector<16xi32>
          %parallel_loop3A_370 = arith.shli %parallel_loop3A_362, %parallel_loop3A_369 : vector<16xi32>
          %parallel_loop3A_371 = arith.addi %parallel_loop3A_370, %iota3A : vector<16xi32>
          tpu.vector_store_idx %arg6[%parallel_loop3A_371], %parallel_loop3A_366 masked %parallel_loop3A_367 : memref<32784xf32, #tpu.memory_space<vmem>>[vector<16xi32>], vector<16xf32>, vector<16xi1>
          %parallel_loop3A_372 = arith.extui %parallel_loop3A_367 : vector<16xi1> to vector<16xi32>
          %parallel_loop3A_373 = arith.addi %parallel_loop3A_362, %parallel_loop3A_372 : vector<16xi32>
          scf.yield %parallel_loop3A_373 : vector<16xi32>
        } {sc.loop_unroll_factor = 8 : i64, sc.parallel_access}
        %reduce_max3A_324 = arith.constant true
        %reduce_max3A_325 = vector.broadcast %reduce_max3A_324 : i1 to vector<16xi1>
        %reduce_max3A_326 = arith.constant -2147483648 : i32
        %reduce_max3A_327 = vector.broadcast %reduce_max3A_326 : i32 to vector<16xi32>
        %reduce_max3A_328 = arith.xori %parallel_loop3A_323, %reduce_max3A_327 : vector<16xi32>
        %reduce_max3A_329 = tpu.scan <max>, %reduce_max3A_328 masked %reduce_max3A_325 : vector<16xi32>, vector<16xi1> -> vector<16xi32>
        %reduce_max3A_330 = arith.xori %reduce_max3A_329, %reduce_max3A_327 : vector<16xi32>
        %reduce_max3A_331 = vector.extract %reduce_max3A_330[15] : i32 from vector<16xi32>
        %add3A_332 = arith.constant 1 : i32
        %add3A_333 = arith.addi %reduce_max3A_331, %add3A_332 : i32
        %and3A_334 = arith.constant -2 : i32
        %and3A_335 = arith.andi %add3A_333, %and3A_334 : i32
        %while3A_336 = arith.constant 0 : i32
        %while3A_337 = arith.subi %and3A_335, %while3A_336 : i32
        %while3A_338 = arith.addi %while3A_336, %while3A_337 : i32
        %while3A_339 = arith.constant 1 : i32
        %while3A_340 = arith.divsi %while3A_337, %while3A_339 : i32
        %while3A_341 = arith.muli %while3A_340, %while3A_339 : i32
        %while3A_342 = arith.addi %while3A_336, %while3A_341 : i32
        %while3A_343 = arith.constant 1 : i32
        %while3A_344 = scf.for %while3A_361 = %while3A_336 to %while3A_342 step %while3A_343 iter_args(%while3A_362 = %broadcast_in_dim3A_3) -> (vector<16xi32>)  : i32 {
          %mul3A_363 = arith.constant 16 : i32
          %mul3A_364 = arith.muli %while3A_361, %mul3A_363 : i32
          %get3A = arith.index_cast %mul3A_364 : i32 to index
          %get3A_365 = tpu.vector_load %arg6[%get3A] {strides = array<i32>} : memref<32784xf32, #tpu.memory_space<vmem>>, vector<16xf32>,
          %bitcast_convert_type3A_366 = tpu.bitcast %get3A_365 : vector<16xf32> -> vector<16xi32>
          %lt3A_367 = arith.constant 0 : i32
          %lt3A_368 = vector.broadcast %lt3A_367 : i32 to vector<16xi32>
          %lt3A_369 = arith.cmpi slt, %bitcast_convert_type3A_366, %lt3A_368 : vector<16xi32>
          %sub3A_370 = arith.constant -2147483648 : i32
          %sub3A_371 = vector.broadcast %sub3A_370 : i32 to vector<16xi32>
          %sub3A_372 = arith.subi %sub3A_371, %bitcast_convert_type3A_366 : vector<16xi32>
          %select_n3A_373 = arith.select %lt3A_369, %sub3A_372, %bitcast_convert_type3A_366 : vector<16xi1>, vector<16xi32>
          %broadcast_in_dim3A_374 = vector.broadcast %while3A_361 : i32 to vector<16xi32>
          %lt3A_375 = arith.cmpi slt, %broadcast_in_dim3A_374, %parallel_loop3A_323 : vector<16xi32>
          %select_n3A_376 = arith.select %lt3A_375, %select_n3A_373, %broadcast_in_dim3A_24 : vector<16xi1>, vector<16xi32>
          %bitcast_convert_type3A_377 = tpu.bitcast %select_n3A_376 : vector<16xi32> -> vector<16xf32>
          %mul3A_378 = arith.constant 16 : i32
          %mul3A_379 = arith.muli %while3A_361, %mul3A_378 : i32
          %swap3A_380 = arith.index_cast %mul3A_379 : i32 to index
          %swap3A_381 = tpu.vector_load %arg6[%swap3A_380] {strides = array<i32>} : memref<32784xf32, #tpu.memory_space<vmem>>, vector<16xf32>,
          tpu.vector_store %arg6[%swap3A_380], %bitcast_convert_type3A_377 {strides = array<i32>} : memref<32784xf32, #tpu.memory_space<vmem>>, vector<16xf32>,
          %ge3A_382 = arith.cmpi sge, %select_n3A_373, %broadcast_in_dim3A_186 : vector<16xi32>
          %and3A_383 = arith.andi %lt3A_375, %ge3A_382 : vector<16xi1>
          %convert_element_type3A_384 = arith.extui %and3A_383 : vector<16xi1> to vector<16xi32>
          %add3A_385 = arith.addi %while3A_362, %convert_element_type3A_384 : vector<16xi32>
          scf.yield %add3A_385 : vector<16xi32>
        }
        %while3A_345 = arith.constant 1 : i32
        %while3A_346 = scf.for %while3A_361 = %while3A_342 to %while3A_338 step %while3A_345 iter_args(%while3A_362 = %while3A_344) -> (vector<16xi32>)  : i32 {
          %mul3A_363 = arith.constant 16 : i32
          %mul3A_364 = arith.muli %while3A_361, %mul3A_363 : i32
          %get3A = arith.index_cast %mul3A_364 : i32 to index
          %get3A_365 = tpu.vector_load %arg6[%get3A] {strides = array<i32>} : memref<32784xf32, #tpu.memory_space<vmem>>, vector<16xf32>,
          %bitcast_convert_type3A_366 = tpu.bitcast %get3A_365 : vector<16xf32> -> vector<16xi32>
          %lt3A_367 = arith.constant 0 : i32
          %lt3A_368 = vector.broadcast %lt3A_367 : i32 to vector<16xi32>
          %lt3A_369 = arith.cmpi slt, %bitcast_convert_type3A_366, %lt3A_368 : vector<16xi32>
          %sub3A_370 = arith.constant -2147483648 : i32
          %sub3A_371 = vector.broadcast %sub3A_370 : i32 to vector<16xi32>
          %sub3A_372 = arith.subi %sub3A_371, %bitcast_convert_type3A_366 : vector<16xi32>
          %select_n3A_373 = arith.select %lt3A_369, %sub3A_372, %bitcast_convert_type3A_366 : vector<16xi1>, vector<16xi32>
          %broadcast_in_dim3A_374 = vector.broadcast %while3A_361 : i32 to vector<16xi32>
          %lt3A_375 = arith.cmpi slt, %broadcast_in_dim3A_374, %parallel_loop3A_323 : vector<16xi32>
          %select_n3A_376 = arith.select %lt3A_375, %select_n3A_373, %broadcast_in_dim3A_24 : vector<16xi1>, vector<16xi32>
          %bitcast_convert_type3A_377 = tpu.bitcast %select_n3A_376 : vector<16xi32> -> vector<16xf32>
          %mul3A_378 = arith.constant 16 : i32
          %mul3A_379 = arith.muli %while3A_361, %mul3A_378 : i32
          %swap3A_380 = arith.index_cast %mul3A_379 : i32 to index
          %swap3A_381 = tpu.vector_load %arg6[%swap3A_380] {strides = array<i32>} : memref<32784xf32, #tpu.memory_space<vmem>>, vector<16xf32>,
          tpu.vector_store %arg6[%swap3A_380], %bitcast_convert_type3A_377 {strides = array<i32>} : memref<32784xf32, #tpu.memory_space<vmem>>, vector<16xf32>,
          %ge3A_382 = arith.cmpi sge, %select_n3A_373, %broadcast_in_dim3A_186 : vector<16xi32>
          %and3A_383 = arith.andi %lt3A_375, %ge3A_382 : vector<16xi1>
          %convert_element_type3A_384 = arith.extui %and3A_383 : vector<16xi1> to vector<16xi32>
          %add3A_385 = arith.addi %while3A_362, %convert_element_type3A_384 : vector<16xi32>
          scf.yield %add3A_385 : vector<16xi32>
        }
        %reduce_sum3A_347 = arith.constant true
        %reduce_sum3A_348 = vector.broadcast %reduce_sum3A_347 : i1 to vector<16xi1>
        %reduce_sum3A_349 = tpu.scan <sum>, %while3A_346 masked %reduce_sum3A_348 : vector<16xi32>, vector<16xi1> -> vector<16xi32>
        %reduce_sum3A_350 = vector.extract %reduce_sum3A_349[15] : i32 from vector<16xi32>
        %lt3A_351 = arith.constant 128 : i32
        %lt3A_352 = arith.cmpi slt, %scan3A_302#1, %lt3A_351 : i32
        %add3A_353 = arith.constant 128 : i32
        %add3A_354 = arith.addi %scan3A_302#1, %add3A_353 : i32
        %sub3A_355 = arith.constant 255 : i32
        %sub3A_356 = arith.subi %sub3A_355, %scan3A_302#1 : i32
        %select_n3A_357 = arith.select %lt3A_352, %add3A_354, %sub3A_356 : i32
        %min3A = arith.constant 254 : i32
        %min3A_358 = arith.minsi %select_n3A_357, %min3A : i32
        %shift_left3A_359 = arith.constant 24 : i32
        %shift_left3A_360 = arith.shli %min3A_358, %shift_left3A_359 : i32
        scf.yield %and3A_335, %shift_left3A_360 : i32, i32
      }
      %scan3A_235 = arith.constant 0 : i32
      %scan3A_236 = arith.constant 0 : i32
      %scan3A_237 = arith.constant 25 : i32
      %scan3A_238 = arith.addi %scan3A_236, %scan3A_237 : i32
      %scan3A_239 = arith.constant 1 : i32
      %scan3A_240 = scf.for %scan3A_293 = %scan3A_236 to %scan3A_238 step %scan3A_239 iter_args(%scan3A_294 = %scan3A_235) -> (i32)  : i32 {
        %sub3A_295 = arith.constant 24 : i32
        %sub3A_296 = arith.subi %sub3A_295, %scan3A_293 : i32
        %shift_left3A = arith.constant 1 : i32
        %shift_left3A_297 = arith.shli %shift_left3A, %sub3A_296 : i32
        %or3A = arith.ori %scan3A_294, %shift_left3A_297 : i32
        %add3A_298 = arith.addi %cond3A_234#1, %or3A : i32
        %xor3A_299 = arith.constant -2147483648 : i32
        %xor3A_300 = arith.xori %add3A_298, %xor3A_299 : i32
        %broadcast_in_dim3A_301 = vector.broadcast %xor3A_300 : i32 to vector<16xi32>
        %shift_right_arithmetic3A = arith.constant 1 : i32
        %shift_right_arithmetic3A_302 = arith.shrsi %cond3A_234#0, %shift_right_arithmetic3A : i32
        %while3A_303 = arith.constant 0 : i32
        %while3A_304 = arith.subi %shift_right_arithmetic3A_302, %while3A_303 : i32
        %while3A_305 = arith.addi %while3A_303, %while3A_304 : i32
        %while3A_306 = arith.constant 1 : i32
        %while3A_307 = arith.divsi %while3A_304, %while3A_306 : i32
        %while3A_308 = arith.muli %while3A_307, %while3A_306 : i32
        %while3A_309 = arith.addi %while3A_303, %while3A_308 : i32
        %while3A_310 = arith.constant 1 : i32
        %while3A_311 = scf.for %while3A_321 = %while3A_303 to %while3A_309 step %while3A_310 iter_args(%while3A_322 = %broadcast_in_dim3A_3) -> (vector<16xi32>)  : i32 {
          %mul3A_323 = arith.constant 32 : i32
          %mul3A_324 = arith.muli %while3A_321, %mul3A_323 : i32
          %get3A = arith.index_cast %mul3A_324 : i32 to index
          %get3A_325 = tpu.vector_load %arg6[%get3A] {strides = array<i32>} : memref<32784xf32, #tpu.memory_space<vmem>>, vector<16xf32>,
          %bitcast_convert_type3A_326 = tpu.bitcast %get3A_325 : vector<16xf32> -> vector<16xi32>
          %mul3A_327 = arith.constant 32 : i32
          %mul3A_328 = arith.muli %while3A_321, %mul3A_327 : i32
          %add3A_329 = arith.constant 16 : i32
          %add3A_330 = arith.addi %mul3A_328, %add3A_329 : i32
          %get3A_331 = arith.index_cast %add3A_330 : i32 to index
          %get3A_332 = tpu.vector_load %arg6[%get3A_331] {strides = array<i32>} : memref<32784xf32, #tpu.memory_space<vmem>>, vector<16xf32>,
          %bitcast_convert_type3A_333 = tpu.bitcast %get3A_332 : vector<16xf32> -> vector<16xi32>
          %ge3A_334 = arith.cmpi sge, %bitcast_convert_type3A_326, %broadcast_in_dim3A_301 : vector<16xi32>
          %convert_element_type3A_335 = arith.extui %ge3A_334 : vector<16xi1> to vector<16xi32>
          %add3A_336 = arith.addi %while3A_322, %convert_element_type3A_335 : vector<16xi32>
          %ge3A_337 = arith.cmpi sge, %bitcast_convert_type3A_333, %broadcast_in_dim3A_301 : vector<16xi32>
          %convert_element_type3A_338 = arith.extui %ge3A_337 : vector<16xi1> to vector<16xi32>
          %add3A_339 = arith.addi %add3A_336, %convert_element_type3A_338 : vector<16xi32>
          scf.yield %add3A_339 : vector<16xi32>
        }
        %while3A_312 = arith.constant 1 : i32
        %while3A_313 = scf.for %while3A_321 = %while3A_309 to %while3A_305 step %while3A_312 iter_args(%while3A_322 = %while3A_311) -> (vector<16xi32>)  : i32 {
          %mul3A_323 = arith.constant 32 : i32
          %mul3A_324 = arith.muli %while3A_321, %mul3A_323 : i32
          %get3A = arith.index_cast %mul3A_324 : i32 to index
          %get3A_325 = tpu.vector_load %arg6[%get3A] {strides = array<i32>} : memref<32784xf32, #tpu.memory_space<vmem>>, vector<16xf32>,
          %bitcast_convert_type3A_326 = tpu.bitcast %get3A_325 : vector<16xf32> -> vector<16xi32>
          %mul3A_327 = arith.constant 32 : i32
          %mul3A_328 = arith.muli %while3A_321, %mul3A_327 : i32
          %add3A_329 = arith.constant 16 : i32
          %add3A_330 = arith.addi %mul3A_328, %add3A_329 : i32
          %get3A_331 = arith.index_cast %add3A_330 : i32 to index
          %get3A_332 = tpu.vector_load %arg6[%get3A_331] {strides = array<i32>} : memref<32784xf32, #tpu.memory_space<vmem>>, vector<16xf32>,
          %bitcast_convert_type3A_333 = tpu.bitcast %get3A_332 : vector<16xf32> -> vector<16xi32>
          %ge3A_334 = arith.cmpi sge, %bitcast_convert_type3A_326, %broadcast_in_dim3A_301 : vector<16xi32>
          %convert_element_type3A_335 = arith.extui %ge3A_334 : vector<16xi1> to vector<16xi32>
          %add3A_336 = arith.addi %while3A_322, %convert_element_type3A_335 : vector<16xi32>
          %ge3A_337 = arith.cmpi sge, %bitcast_convert_type3A_333, %broadcast_in_dim3A_301 : vector<16xi32>
          %convert_element_type3A_338 = arith.extui %ge3A_337 : vector<16xi1> to vector<16xi32>
          %add3A_339 = arith.addi %add3A_336, %convert_element_type3A_338 : vector<16xi32>
          scf.yield %add3A_339 : vector<16xi32>
        }
        %reduce_sum3A_314 = arith.constant true
        %reduce_sum3A_315 = vector.broadcast %reduce_sum3A_314 : i1 to vector<16xi1>
        %reduce_sum3A_316 = tpu.scan <sum>, %while3A_313 masked %reduce_sum3A_315 : vector<16xi32>, vector<16xi1> -> vector<16xi32>
        %reduce_sum3A_317 = vector.extract %reduce_sum3A_316[15] : i32 from vector<16xi32>
        %ge3A_318 = arith.constant 128 : i32
        %ge3A_319 = arith.cmpi sge, %reduce_sum3A_317, %ge3A_318 : i32
        %select_n3A_320 = arith.select %ge3A_319, %or3A, %scan3A_294 : i32
        scf.yield %select_n3A_320 : i32
      }
      %scan3A_241 = arith.constant 25 : i32
      %add3A_242 = arith.addi %cond3A_234#1, %scan3A_240 : i32
      %xor3A_243 = arith.constant -2147483648 : i32
      %xor3A_244 = arith.xori %add3A_242, %xor3A_243 : i32
      %broadcast_in_dim3A_245 = vector.broadcast %xor3A_244 : i32 to vector<16xi32>
      %while3A_246 = arith.constant 0 : i32
      %while3A_247 = arith.subi %cond3A_234#0, %while3A_246 : i32
      %while3A_248 = arith.addi %while3A_246, %while3A_247 : i32
      %while3A_249 = arith.constant 1 : i32
      %while3A_250 = arith.divsi %while3A_247, %while3A_249 : i32
      %while3A_251 = arith.muli %while3A_250, %while3A_249 : i32
      %while3A_252 = arith.addi %while3A_246, %while3A_251 : i32
      %while3A_253 = arith.constant 1 : i32
      %while3A_254:2 = scf.for %while3A_293 = %while3A_246 to %while3A_252 step %while3A_253 iter_args(%while3A_294 = %broadcast_in_dim3A_5, %while3A_295 = %broadcast_in_dim3A_3) -> (vector<16xf32>, vector<16xi32>)  : i32 {
        %mul3A_296 = arith.constant 16 : i32
        %mul3A_297 = arith.muli %while3A_293, %mul3A_296 : i32
        %get3A = arith.index_cast %mul3A_297 : i32 to index
        %get3A_298 = tpu.vector_load %arg6[%get3A] {strides = array<i32>} : memref<32784xf32, #tpu.memory_space<vmem>>, vector<16xf32>,
        %bitcast_convert_type3A_299 = tpu.bitcast %get3A_298 : vector<16xf32> -> vector<16xi32>
        %gt3A_300 = arith.cmpi sgt, %bitcast_convert_type3A_299, %broadcast_in_dim3A_245 : vector<16xi32>
        %lt3A_301 = arith.constant 0 : i32
        %lt3A_302 = vector.broadcast %lt3A_301 : i32 to vector<16xi32>
        %lt3A_303 = arith.cmpi slt, %bitcast_convert_type3A_299, %lt3A_302 : vector<16xi32>
        %sub3A_304 = arith.constant -2147483648 : i32
        %sub3A_305 = vector.broadcast %sub3A_304 : i32 to vector<16xi32>
        %sub3A_306 = arith.subi %sub3A_305, %bitcast_convert_type3A_299 : vector<16xi32>
        %select_n3A_307 = arith.select %lt3A_303, %sub3A_306, %bitcast_convert_type3A_299 : vector<16xi1>, vector<16xi32>
        %bitcast_convert_type3A_308 = tpu.bitcast %select_n3A_307 : vector<16xi32> -> vector<16xf32>
        %jit3A_309 = arith.constant 0.000000e+00 : f32
        %broadcast_in_dim3A_310 = vector.broadcast %jit3A_309 : f32 to vector<16xf32>
        %select_n3A_311 = arith.select %gt3A_300, %bitcast_convert_type3A_308, %broadcast_in_dim3A_310 : vector<16xi1>, vector<16xf32>
        %add3A_312 = arith.addf %while3A_294, %select_n3A_311 : vector<16xf32>
        %convert_element_type3A_313 = arith.extui %gt3A_300 : vector<16xi1> to vector<16xi32>
        %add3A_314 = arith.addi %while3A_295, %convert_element_type3A_313 : vector<16xi32>
        scf.yield %add3A_312, %add3A_314 : vector<16xf32>, vector<16xi32>
      }
      %while3A_255 = arith.constant 1 : i32
      %while3A_256:2 = scf.for %while3A_293 = %while3A_252 to %while3A_248 step %while3A_255 iter_args(%while3A_294 = %while3A_254#0, %while3A_295 = %while3A_254#1) -> (vector<16xf32>, vector<16xi32>)  : i32 {
        %mul3A_296 = arith.constant 16 : i32
        %mul3A_297 = arith.muli %while3A_293, %mul3A_296 : i32
        %get3A = arith.index_cast %mul3A_297 : i32 to index
        %get3A_298 = tpu.vector_load %arg6[%get3A] {strides = array<i32>} : memref<32784xf32, #tpu.memory_space<vmem>>, vector<16xf32>,
        %bitcast_convert_type3A_299 = tpu.bitcast %get3A_298 : vector<16xf32> -> vector<16xi32>
        %gt3A_300 = arith.cmpi sgt, %bitcast_convert_type3A_299, %broadcast_in_dim3A_245 : vector<16xi32>
        %lt3A_301 = arith.constant 0 : i32
        %lt3A_302 = vector.broadcast %lt3A_301 : i32 to vector<16xi32>
        %lt3A_303 = arith.cmpi slt, %bitcast_convert_type3A_299, %lt3A_302 : vector<16xi32>
        %sub3A_304 = arith.constant -2147483648 : i32
        %sub3A_305 = vector.broadcast %sub3A_304 : i32 to vector<16xi32>
        %sub3A_306 = arith.subi %sub3A_305, %bitcast_convert_type3A_299 : vector<16xi32>
        %select_n3A_307 = arith.select %lt3A_303, %sub3A_306, %bitcast_convert_type3A_299 : vector<16xi1>, vector<16xi32>
        %bitcast_convert_type3A_308 = tpu.bitcast %select_n3A_307 : vector<16xi32> -> vector<16xf32>
        %jit3A_309 = arith.constant 0.000000e+00 : f32
        %broadcast_in_dim3A_310 = vector.broadcast %jit3A_309 : f32 to vector<16xf32>
        %select_n3A_311 = arith.select %gt3A_300, %bitcast_convert_type3A_308, %broadcast_in_dim3A_310 : vector<16xi1>, vector<16xf32>
        %add3A_312 = arith.addf %while3A_294, %select_n3A_311 : vector<16xf32>
        %convert_element_type3A_313 = arith.extui %gt3A_300 : vector<16xi1> to vector<16xi32>
        %add3A_314 = arith.addi %while3A_295, %convert_element_type3A_313 : vector<16xi32>
        scf.yield %add3A_312, %add3A_314 : vector<16xf32>, vector<16xi32>
      }
      %lt3A_257 = arith.constant 0 : i32
      %lt3A_258 = vector.broadcast %lt3A_257 : i32 to vector<16xi32>
      %lt3A_259 = arith.cmpi slt, %broadcast_in_dim3A_245, %lt3A_258 : vector<16xi32>
      %sub3A_260 = arith.constant -2147483648 : i32
      %sub3A_261 = vector.broadcast %sub3A_260 : i32 to vector<16xi32>
      %sub3A_262 = arith.subi %sub3A_261, %broadcast_in_dim3A_245 : vector<16xi32>
      %select_n3A_263 = arith.select %lt3A_259, %sub3A_262, %broadcast_in_dim3A_245 : vector<16xi1>, vector<16xi32>
      %bitcast_convert_type3A_264 = tpu.bitcast %select_n3A_263 : vector<16xi32> -> vector<16xf32>
      %reduce_sum3A_265 = arith.constant true
      %reduce_sum3A_266 = vector.broadcast %reduce_sum3A_265 : i1 to vector<16xi1>
      %reduce_sum3A_267 = tpu.scan <sum>, %while3A_256#0 masked %reduce_sum3A_266 : vector<16xf32>, vector<16xi1> -> vector<16xf32>
      %reduce_sum3A_268 = vector.extract %reduce_sum3A_267[15] : f32 from vector<16xf32>
      %broadcast_in_dim3A_269 = vector.broadcast %reduce_sum3A_268 : f32 to vector<16xf32>
      %reduce_sum3A_270 = arith.constant true
      %reduce_sum3A_271 = vector.broadcast %reduce_sum3A_270 : i1 to vector<16xi1>
      %reduce_sum3A_272 = tpu.scan <sum>, %while3A_256#1 masked %reduce_sum3A_271 : vector<16xi32>, vector<16xi1> -> vector<16xi32>
      %reduce_sum3A_273 = vector.extract %reduce_sum3A_272[15] : i32 from vector<16xi32>
      %sub3A_274 = arith.constant 128 : i32
      %sub3A_275 = arith.subi %sub3A_274, %reduce_sum3A_273 : i32
      %convert_element_type3A_276 = arith.sitofp %sub3A_275 : i32 to f32
      %broadcast_in_dim3A_277 = vector.broadcast %convert_element_type3A_276 : f32 to vector<16xf32>
      %mul3A_278 = arith.mulf %broadcast_in_dim3A_277, %bitcast_convert_type3A_264 : vector<16xf32>
      %add3A_279 = arith.addf %broadcast_in_dim3A_269, %mul3A_278 : vector<16xf32>
      %eq3A_280 = vector.broadcast %add3A_159 : i32 to vector<16xi32>
      %eq3A_281 = arith.cmpi eq, %iota3A, %eq3A_280 : vector<16xi32>
      %mul3A_282 = arith.constant 7.812500e-03 : f32
      %mul3A_283 = vector.broadcast %mul3A_282 : f32 to vector<16xf32>
      %mul3A_284 = arith.mulf %add3A_279, %mul3A_283 : vector<16xf32>
      %select_n3A_285 = arith.select %eq3A_281, %mul3A_284, %select_n3A_148 : vector<16xi1>, vector<16xf32>
      %eq3A_286 = arith.constant 0 : i32
      %eq3A_287 = arith.cmpi eq, %scan3A_32, %eq3A_286 : i32
      %convert_element_type3A_288 = arith.extui %eq3A_287 : i1 to i32
      %cond3A_289 = arith.constant 0 : i32
      %cond3A_290 = arith.cmpi ne, %convert_element_type3A_288, %cond3A_289 : i32
      scf.if %cond3A_290 {
        %add3A_293 = arith.addi %mul3A_7, %add3A_159 : i32
        %add3A_294 = arith.constant 2 : i32
        %add3A_295 = arith.addi %add3A_293, %add3A_294 : i32
        %dma_start3A_296 = arith.constant 0 : i32
        %dma_start3A_297 = tpu.memref_slice %arg2[%add3A_295, %dma_start3A_296] : memref<128x32768xf32, #tpu.memory_space<hbm>> -> memref<1x32768xf32, #tpu.memory_space<hbm>>
        %dma_start3A_298 = tpu.memref_squeeze %dma_start3A_297 : memref<1x32768xf32, #tpu.memory_space<hbm>> -> memref<32768xf32, #tpu.memory_space<hbm>>
        %dma_start3A_299 = arith.constant 0 : i32
        %dma_start3A_300 = tpu.memref_slice %arg2[%add3A_295, %dma_start3A_299] : memref<128x32768xf32, #tpu.memory_space<hbm>> -> memref<1x32768xf32, #tpu.memory_space<hbm>>
        %dma_start3A_301 = tpu.memref_squeeze %dma_start3A_300 : memref<1x32768xf32, #tpu.memory_space<hbm>> -> memref<32768xf32, #tpu.memory_space<hbm>>
        tpu.enqueue_dma source(%dma_start3A_301 : memref<32768xf32, #tpu.memory_space<hbm>>) target(%arg5 : memref<32768xf32, #tpu.memory_space<vmem>>) target_semaphore(%arg10 : memref<!tpu.dma_semaphore, #tpu.memory_space<semaphore_mem>>)
      } else {
      }
      %sub3A_291 = arith.constant 1048576 : i32
      %sub3A_292 = arith.subi %add3A_242, %sub3A_291 : i32
      scf.yield %select_n3A_285, %sub3A_292 : vector<16xf32>, i32
    }
    %scan3A_30 = arith.constant 2 : i32
    %swap3A = arith.constant 0 : index
    %swap3A_31 = tpu.vector_load %arg8[%swap3A] {strides = array<i32>} : memref<16xf32, #tpu.memory_space<vmem>>, vector<16xf32>,
    tpu.vector_store %arg8[%swap3A], %scan3A_29#0 {strides = array<i32>} : memref<16xf32, #tpu.memory_space<vmem>>, vector<16xf32>,
    "tpu.region"() ({
      %run_scoped3A = tpu.sem_alloc : memref<!tpu.dma_semaphore, #tpu.memory_space<semaphore_mem>>
      %dma_start3A_32 = arith.constant 0 : i32
      %dma_start3A_33 = tpu.memref_slice %arg3[%add3A, %dma_start3A_32] : memref<32x16xf32, #tpu.memory_space<hbm>> -> memref<1x16xf32, #tpu.memory_space<hbm>>
      %dma_start3A_34 = tpu.memref_squeeze %dma_start3A_33 : memref<1x16xf32, #tpu.memory_space<hbm>> -> memref<16xf32, #tpu.memory_space<hbm>>
      %dma_start3A_35 = arith.constant 0 : i32
      %dma_start3A_36 = tpu.memref_slice %arg3[%add3A, %dma_start3A_35] : memref<32x16xf32, #tpu.memory_space<hbm>> -> memref<1x16xf32, #tpu.memory_space<hbm>>
      %dma_start3A_37 = tpu.memref_squeeze %dma_start3A_36 : memref<1x16xf32, #tpu.memory_space<hbm>> -> memref<16xf32, #tpu.memory_space<hbm>>
      tpu.enqueue_dma source(%arg8 : memref<16xf32, #tpu.memory_space<vmem>>) target(%dma_start3A_37 : memref<16xf32, #tpu.memory_space<hbm>>) target_semaphore(%run_scoped3A : memref<!tpu.dma_semaphore, #tpu.memory_space<semaphore_mem>>)
      %dma_wait3A = arith.constant 0 : i32
      %dma_wait3A_38 = tpu.memref_slice %arg3[%add3A, %dma_wait3A] : memref<32x16xf32, #tpu.memory_space<hbm>> -> memref<1x16xf32, #tpu.memory_space<hbm>>
      %dma_wait3A_39 = tpu.memref_squeeze %dma_wait3A_38 : memref<1x16xf32, #tpu.memory_space<hbm>> -> memref<16xf32, #tpu.memory_space<hbm>>
      %dma_wait3A_40 = arith.constant 0 : i32
      %dma_wait3A_41 = tpu.memref_slice %arg3[%add3A, %dma_wait3A_40] : memref<32x16xf32, #tpu.memory_space<hbm>> -> memref<1x16xf32, #tpu.memory_space<hbm>>
      %dma_wait3A_42 = tpu.memref_squeeze %dma_wait3A_41 : memref<1x16xf32, #tpu.memory_space<hbm>> -> memref<16xf32, #tpu.memory_space<hbm>>
      tpu.wait_dma2 semaphore(%run_scoped3A : memref<!tpu.dma_semaphore, #tpu.memory_space<semaphore_mem>>) src(%arg8 : memref<16xf32, #tpu.memory_space<vmem>>) dst(%dma_wait3A_42 : memref<16xf32, #tpu.memory_space<hbm>>)
      tpu.yield
    }) : () -> ()
    return
  }
}

</mosaic_0001>

<sc_bundles>
// kernel: kernel.3.cloned.1.call-start
scs
__scs_entry_jumppad:
0x0: {  	(pc) =	sbr.rel $0x88, $3  }
0x1: {  	(tag) =	ssettag $0x0;
	lr =	simm.s32 $0x1  }
0x2: {  	[smem:$0x3FA0] =	sst lr;
	_ =	strace $0xD0000000  }
0x3: {  	_ = 	snop  }
0x4: {  	_ = 	snop  }
0x5: {  	_ = 	snop  }
0x6: {  	_ = 	snop  }
0x7: {  	_ = 	snop  }
__scs_overlays_trampoline_lowered:
0x8: {  	[smem:$0x3FAF] =	sst s0  }
0x9: {  	[smem:$0x3FB0] =	sst s1  }
0xa: {  	[smem:$0x3FB1] =	sst s2  }
0xb: {  	[smem:$0x3FB2] =	sst s3  }
0xc: {  	[smem:$0x3FB3] =	sst s4  }
0xd: {  	[smem:$0x3FB4] =	sst s5  }
0xe: {  	[smem:$0x3FB5] =	sst s6  }
0xf: {  	[smem:$0x3FB6] =	sst s7  }
0x10: {  	[smem:$0x3FB7] =	sst s8  }
0x11: {  	[smem:$0x3FB8] =	sst s9;
	s0 =	simm.s32 @!p0 $0x0  }
0x12: {  	s1 =	sld [smem:$0x3F9E];
	s0 =	simm.s32 @p0 $0x1  }
0x13: {  	[smem:$0x3FB9] =	sst s0;
	s0 =	simm.s32 @!p1 $0x0  }
0x14: {  	s2 =	sld [smem:$0x3F9D];
	s0 =	simm.s32 @p1 $0x1  }
0x15: {  	[smem:$0x3FBA] =	sst s0;
	s0 =	simm.s32 @!p2 $0x0  }
0x16: {  	s3 =	sld [smem:$0x3FDB];
	s0 =	simm.s32 @p2 $0x1  }
0x17: {  	s4 =	simm.s32 $0x1BF5;
	[smem:$0x3FBC] =	sst s0  }
0x18: {  	s0 =	sld [smem:$0x3F9F];
	_ =	swait.ge [sflag:s4], $0x0  }
0x19: {  	s7 =	sld [smem:$0x3FA0]  }
0x1a: {  	s8 =	sadd.s32 $0xFFFFE003, lr  }
0x1b: {  	s9 =	sadd.s32 $0xFFFFFEF7, lr;
	s5 =	simm.s32 $0xFFFFFFFF;
	p2 =	slt.u32 s8, $0xFFFFF086  }
0x1c: {  	p1 =	slt.u32 s9, $0xF7A;
	s5 =	simm.s32 @!p2 $0x0  }
0x1d: {  	s5 =	simm.s32 @p1 $0x1;
	p0 =	seq.s32 s7, s2  }
0x1e: {  	s7 =	smul.u32 @!p0 $0xF7A, s2;
	p2 =	seq.s32 @!p0 s5, $0x0  }
0x1f: {  	s9 =	smul.u32 $0xF7A, s1;
	s8 =	simm.s32 @!p0 $0x1BF5;
	p2 =	por !p2, p0  }
0x20: {  	[sflag:s8] =	ssyncset.s32 @!p0 $0xFFFFF086;
	s6 =	sadd.s32 @!p0 s3, s7;
	s7 =	simm.s32 @!p0 $0x108  }
0x21: {  	s3 =	sadd.s32 s3, s9;
	s6 =	sadd.s32 @!p0 $0x88, s6;
	s7 =	simm.s32 @p2 $0x1082  }
0x22: {  	[simem:s7], [sflag:s8] =	dma.local @!p0 [hbm:s6], $0xF7A  }
0x23: {  	s9 =	sor.u32 $0xD0000000, s2;
	s6 =	simm.s32 $0x108;
	_ =	swait.ge @!p0 [sflag:s8], $0x0  }
0x24: {  	s3 =	sadd.s32 $0x88, s3;
	s6 =	simm.s32 @!p1 $0x1082;
	[sflag:s4] =	ssyncset.s32 $0xFFFFF086  }
0x25: {  	[simem:s6], [sflag:s4] =	dma.local [hbm:s3], $0xF7A  }
0x26: {  	[smem:$0x3FA0] =	sst s1;
	(tag) =	ssettag s2;
	_ =	strace s9  }
0x27: {  	s1 =	sld [smem:$0x3FB0]  }
0x28: {  	s2 =	sld [smem:$0x3FB1]  }
0x29: {  	s4 =	sld [smem:$0x3FB3]  }
0x2a: {  	p0 =	seq.s32 s5, $0x0;
	s5 =	sld [smem:$0x3FB4]  }
0x2b: {  	s6 =	sld [smem:$0x3FB5]  }
0x2c: {  	s7 =	sld [smem:$0x3FB6]  }
0x2d: {  	s3 =	simm.s32 $0x108;
	s8 =	sld [smem:$0x3FB7]  }
0x2e: {  	s3 =	simm.s32 @!p0 $0x1082;
	s9 =	sld [smem:$0x3FB8]  }
0x2f: {  	lr =	sadd.s32 s0, s3;
	s0 =	sld [smem:$0x3FAF]  }
0x30: {  	s3 =	sld [smem:$0x3FB2]  }
0x31: {  	[smem:$0x3FBB] =	sst s10  }
0x32: {  	s10 =	sld [smem:$0x3FB9];
	_ =	sdelay $0x3  }
0x33: {  	p0 =	seq.s32 s10, $0x1;
	s10 =	sld [smem:$0x3FBB];
	_ =	sdelay $0x3  }
0x34: {  	[smem:$0x3FBB] =	sst s10  }
0x35: {  	s10 =	sld [smem:$0x3FBA];
	_ =	sdelay $0x3  }
0x36: {  	p1 =	seq.s32 s10, $0x1;
	s10 =	sld [smem:$0x3FBB];
	_ =	sdelay $0x3  }
0x37: {  	[smem:$0x3FBB] =	sst s10  }
0x38: {  	s10 =	sld [smem:$0x3FBC]  }
0x39: {  	_ = 	snop;
	(pc) =	sbr.ind lr, $3  }
0x3a: {  	_ = 	snop  }
0x3b: {  	_ = 	snop  }
0x3c: {  	p2 =	seq.s32 s10, $0x1;
	s10 =	sld [smem:$0x3FBB]  }
0x3d: {  	_ =	shalt  }
0x3e: {  	_ =	shalt  }
0x3f: {  	_ =	shalt  }
0x40: {  	_ =	shalt  }
0x41: {  	_ =	shalt  }
0x42: {  	_ =	shalt  }
0x43: {  	_ =	shalt  }
0x44: {  	_ =	shalt  }
0x45: {  	_ =	shalt  }
0x46: {  	_ =	shalt  }
0x47: {  	_ =	shalt  }
0x48: {  	_ =	shalt  }
0x49: {  	_ =	shalt  }
0x4a: {  	_ =	shalt  }
0x4b: {  	_ =	shalt  }
0x4c: {  	_ =	shalt  }
0x4d: {  	_ =	shalt  }
0x4e: {  	_ =	shalt  }
0x4f: {  	_ =	shalt  }
0x50: {  	_ =	shalt  }
0x51: {  	_ =	shalt  }
0x52: {  	_ =	shalt  }
0x53: {  	_ =	shalt  }
0x54: {  	_ =	shalt  }
0x55: {  	_ =	shalt  }
0x56: {  	_ =	shalt  }
0x57: {  	_ =	shalt  }
0x58: {  	_ =	shalt  }
0x59: {  	_ =	shalt  }
0x5a: {  	_ =	shalt  }
0x5b: {  	_ =	shalt  }
0x5c: {  	_ =	shalt  }
0x5d: {  	_ =	shalt  }
0x5e: {  	_ =	shalt  }
0x5f: {  	_ =	shalt  }
0x60: {  	_ =	shalt  }
0x61: {  	_ =	shalt  }
0x62: {  	_ =	shalt  }
0x63: {  	_ =	shalt  }
0x64: {  	_ =	shalt  }
0x65: {  	_ =	shalt  }
0x66: {  	_ =	shalt  }
0x67: {  	_ =	shalt  }
0x68: {  	_ =	shalt  }
0x69: {  	_ =	shalt  }
0x6a: {  	_ =	shalt  }
0x6b: {  	_ =	shalt  }
0x6c: {  	_ =	shalt  }
0x6d: {  	_ =	shalt  }
0x6e: {  	_ =	shalt  }
0x6f: {  	_ =	shalt  }
0x70: {  	_ =	shalt  }
0x71: {  	_ =	shalt  }
0x72: {  	_ =	shalt  }
0x73: {  	_ =	shalt  }
0x74: {  	_ =	shalt  }
0x75: {  	_ =	shalt  }
0x76: {  	_ =	shalt  }
0x77: {  	_ =	shalt  }
0x78: {  	_ =	shalt  }
0x79: {  	_ =	shalt  }
0x7a: {  	_ =	shalt  }
0x7b: {  	_ =	shalt  }
0x7c: {  	_ =	shalt  }
0x7d: {  	_ =	shalt  }
0x7e: {  	_ =	shalt  }
0x7f: {  	_ =	shalt  }
0x80: {  	_ =	shalt  }
0x81: {  	_ =	shalt  }
0x82: {  	_ =	shalt  }
0x83: {  	_ =	shalt  }
0x84: {  	_ =	shalt  }
0x85: {  	_ =	shalt  }
0x86: {  	_ =	shalt  }
0x87: {  	_ =	shalt  }
.Lfunc_end0:
.L_simem_size_0:
called_computation_lowered:
.L_overlay_start_0:
0x88: {  	s2 =	sld [smem:$0x3FD9]  }
0x89: {  	s3 =	sld [smem:$0x3FFE];
	_ =	sdelay $0x1  }
0x8a: {  	s1 =	srdreg.scid  }
0x8b: {  	s0 =	sand.u32 $0x1, s1  }
0x8c: {  	s17 =	sshll.u32 s0, $0xA;
	s2 =	sadd.s32 s3, s2  }
0x8d: {  	s2 =	sadd.s32 s2, s17  }
0x8e: {  	[smem:$0x3FC7] =	sst s2  }
0x8f: {  	_ = 	snop  }
0x90: {  	s2 =	sld [smem:$0x3FC9];
	(tm) =	ssettm $0x1  }
0x91: {  	s18 =	sld [smem:$0x3FFB];
	_ =	sdelay $0x3  }
0x92: {  	_ =	strace s18  }
0x93: {  	s3 =	sld [smem:$0x3FFC];
	_ =	sdelay $0x3  }
0x94: {  	_ =	strace s3  }
0x95: {  	s3 =	sld [smem:$0x3FFD];
	_ =	sdelay $0x3  }
0x96: {  	_ =	strace s3  }
0x97: {  	_ =	strace $0x8FFFFFFF  }
0x98: {  	s19 =	sld [smem:$0x3FDB];
	_ =	sdelay $0x1  }
0x99: {  	s4 =	simm.s32 $_scs_section_size  }
0x9a: {  	s5 =	simm.s32 $_size__tile_overlayer_lowered;
	s6 =	simm.s32 $_tile_overlayer_lowered  }
0x9b: {  	s22 =	simm.s32 $0x1BFF;
	s21 =	sshll.u32 s6, $0x1;
	s3 =	sadd.s32 s4, s19  }
0x9c: {  	s7 =	simm.s32 $0x0;
	s20 =	sshll.u32 s5, $0x1;
	s5 =	sadd.s32 s21, s3  }
0x9d: {  	[timem:s7], [sflag:s22] =	dma.local [hbm:s5], s20  }
0x9e: {  	_ =	swait.ge [sflag:s22], s20  }
0x9f: {  	s4 =	ssub.s32 $0x0, s20;
	[sflag:s22] =	ssyncset.done $0x0  }
0xa0: {  	[sflag:s22] =	ssyncadd.s32 s4;
	_ =	sdelay $0x1  }
0xa1: {  	s23 =	simm.s32 $0x1B8B  }
0xa2: {  	_ =	swait.ge [sflag:s23], $0x1  }
0xa3: {  	[sflag:s23] =	ssyncset.done $0x0  }
0xa4: {  	s25 =	simm.s32 $0x1B8E;
	s24 =	sld [smem:$0x3FFE];
	[sflag:s23] =	ssyncadd.s32 $0xFFFFFFFF  }
0xa5: {  	s26 =	simm.s32 $execute0_lowered;
	[smem:$0x3FD2] =	sst s25  }
0xa6: {  	s5 =	sshll.u32 s26, $0x1;
	_ =	strace $0x80000046;
	[dreg:$0x1] =	wrdreg $0xFFFFFFFF  }
0xa7: {  	s28 =	simm.s32 $_size_execute0_lowered;
	s3 =	sadd.s32 s3, s5;
	[dreg:$0x0] =	wrdreg $0x0  }
0xa8: {  	s5 =	sshll.u32 s28, $0x1;
	[dreg:$0x2] =	wrdreg s3  }
0xa9: {  	[dreg:$0x3] =	wrdreg s5  }
0xaa: {  	[dreg:$0x4] =	wrdreg $0xC0  }
0xab: {  	_ =	task [dreg:s7], $0x5FFFF  }
0xac: {  	[dreg:$0x1] =	wrdreg $0xFFFFFFFF  }
0xad: {  	[dreg:$0x0] =	wrdreg $0x60  }
0xae: {  	[dreg:$0x2] =	wrdreg s2  }
0xaf: {  	[dreg:$0x3] =	wrdreg s24  }
0xb0: {  	[dreg:$0x4] =	wrdreg $0x9  }
0xb1: {  	_ =	task.clear_ibuf [dreg:s7], $0x5FFFF;
	_ =	strace $0x90000046  }
0xb2: {  	s29 =	simm.s32 $0x9;
	_ =	strace $0x80000048  }
0xb3: {  	_ =	swait.ge [sflag:s29], $0x1  }
0xb4: {  	[sflag:s29] =	ssyncadd.s32 $0xFFFFFFFF  }
0xb5: {  	_ =	strace $0x90000048  }
0xb6: {  	_ =	sfence  }
0xb7: {  	s30 =	sld [smem:$0x0];
	_ =	sdelay $0x2  }
0xb8: {  	s31 =	sshll.u32 s1, $0xD;
	s1 =	sshrl.u32 s1, $0x2  }
0xb9: {  	s3 =	sand.u32 $0x4000, s31;
	s1 =	sadd.s32 s1, s30  }
0xba: {  	s0 =	sor.u32 s3, s0;
	s1 =	sshll.u32 s1, $0x11  }
0xbb: {  	s0 =	sor.u32 s1, s0  }
0xbc: {  	s0 =	sadd.s32 $0x8F2B, s0  }
0xbd: {  	[sflag:s0] =	ssyncadd.remote.s32 $0x1  }
0xbe: {  	_ =	sfence.sel $0xFFFF  }
0xbf: {  	[dreg:$0x0] =	wrdreg $0xFFFFFFFF;
	(pc) =	sbr.abs _section_cstart, $3  }
0xc0: {  	[dreg:$0x1] =	wrdreg $0xFFFFFFFF  }
0xc1: {  	_ =	task.clear_ibuf [dreg:s7], $0x2FFFF;
	_ =	strace $0x9FFFFFFF  }
0xc2: {  	(tm) =	ssettm $0x7FFFFFFF  }
0xc3: {  	_ =	shalt  }
tec
execute0_lowered:
.L_overlay_start_1:
0x0: {  	(tag) =	ssettag $0x1  }
0x1: {  	s0 =	rddreg [dreg:$0x0]  }
0x2: {  	s1 =	rddreg [dreg:$0x1];
	s2 =	simm.s32 $0x0  }
0x3: {  	s24 =	srdreg.scid;
	s7 =	stileid.u32;
	s12 =	simm.s32 $0x1  }
0x4: {  	s13 =	simm.s32 $0x1000000;
	[smem:$0x7FF] =	sst s2;
	s2 =	sand.u32 $0x1, s24  }
0x5: {  	s6 =	sshll.u32 s7, $0xF;
	s29 =	sshll.u32 s7, $0x5;
	_ =	strace $0x80000047  }
0x6: {  	s3 =	sshll.u32 s2, $0x4;
	s4 =	ssub.s32 $0x2, s2;
	s2 =	sshll.u32 s2, $0x6  }
0x7: {  	s5 =	sshrl.u32 s4, $0x1;
	s1 =	sadd.s32 s3, s1;
	s26 =	sor.u32 s2, s6  }
0x8: {  	s25 =	ssub.s32 s4, s5;
	s28 =	sadd.s32 s0, s26;
	s0 =	sadd.s32 s0, s6  }
0x9: {  	s1 =	sadd.s32 s29, s1;
	[dreg:$0x3] =	wrdreg s28;
	s5 =	sadd.s32 $0x10, s28  }
.Ltmp0:
0xa: {  	s30 =	sadd.s32 $0x400, s1;
	[dreg:$0x4] =	wrdreg s5;
	(pc) =	sbr.rel .LBB2_1-.Ltmp0, $4  }
0xb: {  	s0 =	sadd.s32 s2, s0;
	s31 =	smax.u32 s25, $0x1;
	[dreg:$0x7] =	wrdreg s30  }
0xc: {  	s14 =	simm.s32 $0x2;
	s2 =	sadd.s32 $0x20, s0;
	[dreg:$0x8] =	wrdreg s31  }
0xd: {  	s15 =	simm.s32 $0x10000;
	s0 =	sadd.s32 $0x30, s0;
	[dreg:$0x5] =	wrdreg s2  }
0xe: {  	v0 =	vimm.s32 $0x0;
	v1 =	vlaneseq.u32;
	v2 =	vimm.s32 $0x1;
	s18 =	simm.s32 $0x18080;
	[dreg:$0x6] =	wrdreg s0;
	s2 =	simm.s32 $0x0  }
.LBB2_77:
0xf: {  	s0 =	simm.s32 $0x0  }
0x10: {  	[tilespmem:$0x19080] =	vst v3;
	s1 =	rddreg [dreg:$0x7];
	s2 =	simm.s32 $0x19080;
	s29 =	simm.s32 $0x3  }
0x11: {  	[hbm4b:s1+s0] =	stream.linear.scatter [tilespmem:s2], [sflag:$0x3], $0x80, $0x38;
	[tilespmem:$0x19100] =	vst v63  }
0x12: {  	_ =	swait.ge [sflag:s29], $0x80  }
0x13: {  	s30 =	rddreg [dreg:$0x9]  }
0x14: {  	s31 =	rddreg [dreg:$0x8];
	s2 =	sadd.s32 $0x1, s30  }
0x15: {  	p0 =	sne.s32 s2, s31  }
.Ltmp1:
0x16: {  	_ = 	snop;
	(pc) =	sbr.rel @!p0 .LBB2_78-.Ltmp1, $3  }
0x17: {  	_ =	sdelay $0x1  }
0x18: {  	[sflag:s29] =	ssyncset.done $0x0  }
0x19: {  	[sflag:s29] =	ssyncadd.s32 $0xFFFFFF80  }
.LBB2_1:
0x1a: {  	[dreg:$0x9] =	wrdreg s2;
	s0 =	simm.s32 $0x180C0  }
0x1b: {  	[tilespmem:s0+$0xFFFFFFC0] =	vst v0  }
0x1c: {  	[tilespmem:s0+$0x30] =	vst v0  }
0x1d: {  	[tilespmem:s0+$0x20] =	vst v0  }
0x1e: {  	[tilespmem:s0+$0x10] =	vst v0  }
0x1f: {  	[tilespmem:s0+$0x0] =	vst v0  }
0x20: {  	[tilespmem:s0+$0xFFFFFFF0] =	vst v0  }
0x21: {  	s1 =	simm.s32 $0x0;
	[tilespmem:s0+$0xFFFFFFE0] =	vst v0  }
.LBB2_2:
0x22: {  	s1 =	sadd.s32 $0x8, s1;
	[tilespmem:s0+$0xFFFFFFD0] =	vst v0;
	s0 =	sadd.s32 $0x80, s0  }
0x23: {  	[tilespmem:s0+$0xFFFFFFC0] =	vst v0;
	p0 =	slt.u32 s1, $0xF8  }
0x24: {  	[tilespmem:s0+$0x30] =	vst v0  }
.Ltmp2:
0x25: {  	[tilespmem:s0+$0x20] =	vst v0;
	(pc) =	sbr.rel @p0 .LBB2_2-.Ltmp2, $4  }
0x26: {  	[tilespmem:s0+$0x10] =	vst v0  }
0x27: {  	[tilespmem:s0+$0x0] =	vst v0  }
0x28: {  	[tilespmem:s0+$0xFFFFFFF0] =	vst v0  }
0x29: {  	[tilespmem:s0+$0xFFFFFFE0] =	vst v0  }
0x2a: {  	[tilespmem:s0+$0xFFFFFFD0] =	vst v0;
	s20 =	simm.s32 $0x0;
	s1 =	simm.s32 $0x80  }
0x2b: {  	s2 =	simm.s32 $0x400;
	s3 =	simm.s32 $0x8000;
	s0 =	rddreg [dreg:$0x3]  }
0x2c: {  	[tilespmem:s20], [sflag:$0x1] =	stream.strided.gather [hbm4b:s0+s1], $0x8000, s2, s1, $0x38;
	[tilespmem:$0x19100] =	vst v63  }
0x2d: {  	p6 =	por $0x1, $0x1;
	s31 =	rddreg [dreg:$0x4];
	s0 =	simm.s32 $0x1  }
0x2e: {  	v3 =	vimm.f32 $0.0e+00;
	[tilespmem:s3], [sflag:$0x2] =	stream.strided.gather [hbm4b:s31+s1], $0x8000, s2, s1, $0x38;
	[tilespmem:$0x19100] =	vst v63  }
.LBB2_4:
.Ltmp3:
0x2f: {  	(pc) =	sbr.rel @p6 .LBB2_8-.Ltmp3, $4  }
0x30: {  	_ = 	snop  }
0x31: {  	_ =	swait.ge [sflag:s12], $0x8000  }
0x32: {  	[sflag:s12] =	ssyncset.done $0x0  }
0x33: {  	s21 =	smin.u32 s0, $0xFE000000;
	v4 =	vimm.s32 $0x0;
	v5 =	vimm.s32 $0x0;
	[sflag:s12] =	ssyncadd.s32 $0xFFFF8000  }
0x34: {  	s0 =	sxor.u32 $0x80000000, s21;
	s1 =	simm.s32 $0x40  }
0x35: {  	p0 =	slt.s32 s21, $0x0;
	s2 =	ssub.s32 $0x80000000, s0;
	v8 =	vld [tilespmem:s1+$0xFFFFFFC0]  }
0x36: {  	v11 =	vld [tilespmem:s1+$0xFFFFFFD0];
	s2 =	smov.u32 @p0 s0  }
0x37: {  	v5 =	vmov s2  }
0x38: {  	v12 =	vld [tilespmem:s1+$0xFFFFFFE0];
	v5 =	vbroadcast v5, $0x0  }
0x39: {  	v7 =	vld [tilespmem:s1+$0x0]  }
0x3a: {  	v13 =	vld [tilespmem:s1+$0xFFFFFFF0];
	vm2 =	vge.f32 v8, v5  }
0x3b: {  	v9 =	vshll.u32 v4, $0x4;
	v6 =	vld [tilespmem:s1+$0x10];
	vm3 =	vge.f32 v11, v5;
	v10 =	vsel vm2, $0x1, v0  }
0x3c: {  	v14 =	vor.u32 v1, v9;
	v9 =	vadd.s32 v10, v4;
	v10 =	vsel vm3, $0x1, v0  }
0x3d: {  	vm4 =	vge.f32 v12, v5;
	v15 =	vshll.u32 v9, $0x4;
	v10 =	vadd.s32 v10, v9;
	v9 =	vld [tilespmem:s1+$0x20]  }
0x3e: {  	v16 =	vsel vm4, $0x1, v0;
	v15 =	vor.u32 v1, v15;
	v17 =	vshll.u32 v10, $0x4  }
0x3f: {  	vm0 =	vge.f32 v7, v5;
	v16 =	vadd.s32 v16, v10;
	v17 =	vor.u32 v1, v17  }
0x40: {  	vm1 =	vge.f32 v6, v5;
	vm5 =	vge.f32 v13, v5;
	v18 =	vshll.u32 v16, $0x4  }
0x41: {  	v19 =	vsel vm5, $0x1, v0;
	v20 =	vsel vm0, $0x1, v0;
	v10 =	vld [tilespmem:s1+$0x30];
	v18 =	vor.u32 v1, v18  }
0x42: {  	[tilespmem:v14+s15+$0x0] =	vst.idx.msk vm2, v8;
	v14 =	vadd.s32 v19, v16;
	v16 =	vsel vm1, $0x1, v0;
	vm2 =	vge.f32 v9, v5  }
0x43: {  	s0 =	simm.s32 $0xC0;
	[tilespmem:v15+s15+$0x0] =	vst.idx.msk vm3, v11;
	v11 =	vshll.u32 v14, $0x4;
	v14 =	vadd.s32 v20, v14;
	v19 =	vsel vm2, $0x1, v0  }
0x44: {  	v8 =	vld [tilespmem:s0+$0x0];
	[tilespmem:v17+s15+$0x0] =	vst.idx.msk vm4, v12;
	v17 =	vor.u32 v1, v11;
	v11 =	vshll.u32 v14, $0x4;
	v16 =	vadd.s32 v16, v14  }
0x45: {  	v14 =	vld [tilespmem:s0+$0xFFFFFFC0];
	v15 =	vor.u32 v1, v11;
	v19 =	vadd.s32 v19, v16;
	v11 =	vshll.u32 v16, $0x4  }
0x46: {  	vm3 =	vge.f32 v10, v5;
	v12 =	vld [tilespmem:s0+$0xFFFFFFD0];
	[tilespmem:v18+s15+$0x0] =	vst.idx.msk vm5, v13;
	v16 =	vshll.u32 v19, $0x4;
	v18 =	vor.u32 v1, v11  }
0x47: {  	v20 =	vsel vm3, $0x1, v0;
	v13 =	vld [tilespmem:s0+$0xFFFFFFE0];
	v16 =	vor.u32 v1, v16  }
0x48: {  	s2 =	simm.s32 $0x140;
	s1 =	simm.s32 $0x8;
	v11 =	vld [tilespmem:s0+$0xFFFFFFF0];
	v19 =	vadd.s32 v20, v19  }
.LBB2_6:
0x49: {  	s1 =	sadd.s32 $0x8, s1;
	[tilespmem:v17+s15+$0x0] =	vst.idx.msk vm0, v7;
	v7 =	vmov v8;
	v8 =	vld [tilespmem:s2+$0x0]  }
0x4a: {  	v17 =	vshll.u32 v19, $0x4;
	p1 =	slt.u32 s1, $0x7F8;
	vm6 =	vge.f32 v14, v5;
	vm0 =	vge.f32 v7, v5;
	[tilespmem:v15+s15+$0x0] =	vst.idx.msk vm1, v6;
	v6 =	vld [tilespmem:s0+$0x10]  }
0x4b: {  	v15 =	vor.u32 v1, v17;
	v17 =	vsel vm6, $0x1, v0;
	vm4 =	vge.f32 v12, v5;
	[tilespmem:v18+s15+$0x0] =	vst.idx.msk vm2, v9  }
0x4c: {  	v9 =	vadd.s32 v17, v19;
	v17 =	vsel vm4, $0x1, v0;
	vm5 =	vge.f32 v13, v5;
	[tilespmem:v16+s15+$0x0] =	vst.idx.msk vm3, v10  }
0x4d: {  	v10 =	vshll.u32 v9, $0x4;
	v16 =	vadd.s32 v17, v9;
	v17 =	vsel vm5, $0x1, v0;
	v9 =	vld [tilespmem:s0+$0x20]  }
0x4e: {  	v18 =	vor.u32 v1, v10;
	v10 =	vshll.u32 v16, $0x4;
	v16 =	vadd.s32 v17, v16  }
0x4f: {  	v17 =	vor.u32 v1, v10;
	v19 =	vshll.u32 v16, $0x4;
	vm1 =	vge.f32 v6, v5;
	v10 =	vld [tilespmem:s0+$0x30];
	s0 =	smov.u32 s2  }
0x50: {  	vm3 =	vge.f32 v11, v5;
	[tilespmem:v15+s15+$0x0] =	vst.idx.msk vm6, v14;
	v19 =	vor.u32 v1, v19  }
0x51: {  	v14 =	vsel vm3, $0x1, v0;
	v15 =	vsel vm0, $0x1, v0  }
0x52: {  	v14 =	vadd.s32 v14, v16;
	v16 =	vsel vm1, $0x1, v0;
	vm2 =	vge.f32 v9, v5  }
0x53: {  	[tilespmem:v18+s15+$0x0] =	vst.idx.msk vm4, v12;
	v12 =	vshll.u32 v14, $0x4;
	v14 =	vadd.s32 v15, v14;
	v18 =	vsel vm2, $0x1, v0  }
.Ltmp4:
0x54: {  	[tilespmem:v17+s15+$0x0] =	vst.idx.msk vm5, v13;
	v17 =	vor.u32 v1, v12;
	v12 =	vshll.u32 v14, $0x4;
	v13 =	vadd.s32 v16, v14;
	(pc) =	sbr.rel @p1 .LBB2_6-.Ltmp4, $4  }
0x55: {  	v14 =	vld [tilespmem:s2+$0xFFFFFFC0];
	v15 =	vor.u32 v1, v12;
	v16 =	vshll.u32 v13, $0x4;
	v20 =	vadd.s32 v18, v13  }
0x56: {  	v12 =	vld [tilespmem:s2+$0xFFFFFFD0];
	[tilespmem:v19+s15+$0x0] =	vst.idx.msk vm3, v11;
	v18 =	vor.u32 v1, v16;
	vm3 =	vge.f32 v10, v5;
	v11 =	vshll.u32 v20, $0x4  }
0x57: {  	v13 =	vld [tilespmem:s2+$0xFFFFFFE0];
	v16 =	vor.u32 v1, v11;
	v19 =	vsel vm3, $0x1, v0  }
0x58: {  	s2 =	sadd.s32 $0x80, s2;
	v11 =	vld [tilespmem:s0+$0xFFFFFFF0];
	v19 =	vadd.s32 v19, v20  }
0x59: {  	v20 =	vshll.u32 v19, $0x4  }
0x5a: {  	v21 =	vld [tilespmem:s0+$0x10];
	vm4 =	vge.f32 v8, v5;
	vm5 =	vge.f32 v14, v5;
	v20 =	vor.u32 v1, v20  }
0x5b: {  	v23 =	vld [tilespmem:s0+$0x20];
	v26 =	vsel vm4, $0x1, v0;
	v22 =	vsel vm5, $0x1, v0;
	vm6 =	vge.f32 v12, v5  }
0x5c: {  	v52 =	vadd.s32 v22, v19;
	v53 =	vsel vm6, $0x1, v0;
	vm7 =	vge.f32 v13, v5  }
0x5d: {  	v22 =	vadd.s32 v53, v52;
	v19 =	vshll.u32 v52, $0x4;
	v24 =	vsel vm7, $0x1, v0  }
0x5e: {  	vm9 =	vge.f32 v11, v5;
	v25 =	vshll.u32 v22, $0x4;
	v19 =	vor.u32 v1, v19  }
0x5f: {  	v22 =	vadd.s32 v24, v22;
	vm8 =	vge.f32 v21, v5;
	v57 =	vsel vm9, $0x1, v0  }
0x60: {  	[tilespmem:v17+s15+$0x0] =	vst.idx.msk vm0, v7;
	v7 =	vld [tilespmem:s0+$0x30];
	vm14 =	vge.f32 v23, v5;
	v54 =	vor.u32 v1, v25;
	v55 =	vshll.u32 v22, $0x4  }
0x61: {  	[tilespmem:v15+s15+$0x0] =	vst.idx.msk vm1, v6;
	v6 =	vadd.s32 v57, v22;
	v58 =	vsel vm8, $0x1, v0;
	v60 =	vsel vm14, $0x1, v0  }
0x62: {  	[tilespmem:v18+s15+$0x0] =	vst.idx.msk vm2, v9;
	v56 =	vor.u32 v1, v55;
	v59 =	vshll.u32 v6, $0x4;
	v6 =	vadd.s32 v26, v6  }
0x63: {  	[tilespmem:v16+s15+$0x0] =	vst.idx.msk vm3, v10;
	v9 =	vor.u32 v1, v59;
	v61 =	vadd.s32 v58, v6;
	v6 =	vshll.u32 v6, $0x4  }
0x64: {  	[tilespmem:v20+s15+$0x0] =	vst.idx.msk vm5, v14;
	v6 =	vor.u32 v1, v6;
	v62 =	vadd.s32 v60, v61;
	v10 =	vshll.u32 v61, $0x4  }
0x65: {  	vm15 =	vge.f32 v7, v5;
	[tilespmem:v19+s15+$0x0] =	vst.idx.msk vm6, v12;
	v10 =	vor.u32 v1, v10;
	v5 =	vshll.u32 v62, $0x4  }
0x66: {  	[tilespmem:v54+s15+$0x0] =	vst.idx.msk vm7, v13;
	v63 =	vor.u32 v1, v5  }
0x67: {  	[tilespmem:v56+s15+$0x0] =	vst.idx.msk vm9, v11  }
0x68: {  	[tilespmem:v9+s15+$0x0] =	vst.idx.msk vm4, v8  }
0x69: {  	[tilespmem:v6+s15+$0x0] =	vst.idx.msk vm8, v21  }
0x6a: {  	v5 =	vsel vm15, $0x1, v0;
	[tilespmem:v10+s15+$0x0] =	vst.idx.msk vm14, v23  }
0x6b: {  	v5 =	vadd.s32 v5, v62;
	[tilespmem:v63+s15+$0x0] =	vst.idx.msk vm15, v7  }
.LBB2_8:
0x6c: {  	v6 =	vxor.u32 $0x80000000, v5  }
0x6d: {  	(xrf0) =	vmax.scan.msk.u32 $0xffff, v6;
	_ =	sdelay $0x5  }
0x6e: {  	v6, _, _ =	vpop (xrf0)  }
0x6f: {  	(v2sf) =	vpush v6, $0xF;
	_ =	sdelay $0xe  }
0x70: {  	s0 =	spop (v2sf)  }
0x71: {  	s0 =	sadd.s32 $0x80000001, s0  }
0x72: {  	p0 =	slt.s32 s0, $0x2  }
.Ltmp5:
0x73: {  	_ = 	snop;
	(pc) =	sbr.rel @p0 .LBB2_12-.Ltmp5, $2  }
0x74: {  	_ =	sdelay $0x2  }
0x75: {  	s0 =	sand.u32 $0xFFFFFFFE, s0  }
0x76: {  	s1 =	simm.s32 $0x10000  }
0x77: {  	v7 =	vld [tilespmem:s1+$0x0]  }
0x78: {  	p0 =	sne.s32 s0, $0x1  }
.Ltmp6:
0x79: {  	_ = 	snop;
	(pc) =	sbr.rel @!p0 .LBB2_11-.Ltmp6, $4  }
0x7a: {  	_ = 	snop  }
0x7b: {  	s2 =	simm.s32 $0x0  }
0x7c: {  	s3 =	sadd.s32 $0x82000000, s21;
	v9 =	vmov s2;
	vm0 =	vlt.s32 v7, $0x0;
	v8 =	vsub.s32 $0x80000000, v7  }
0x7d: {  	v6 =	vmov s3;
	s2 =	simm.s32 $0x1;
	v7 =	vsel vm0, v8, v7;
	vm0 =	vlt.s32 v9, v5  }
.LBB2_10:
0x7e: {  	v8 =	vnsel vm0, $0x80000000, v7;
	vm1 =	vge.s32 v7, v6;
	s3 =	smov.u32 s2;
	s2 =	sadd.s32 $0x1, s2  }
0x7f: {  	p0 =	sne.s32 s0, s2;
	[tilespmem:s1+$0x0] =	vst v8;
	vm0 =	vmand vm0, vm1;
	s1 =	sadd.s32 $0x10, s1  }
0x80: {  	v7 =	vld [tilespmem:s1+$0x0];
	v8 =	vsel vm0, $0x1, v0  }
0x81: {  	v4 =	vadd.s32 v8, v4  }
.Ltmp7:
0x82: {  	(pc) =	sbr.rel @p0 .LBB2_10-.Ltmp7, $3  }
0x83: {  	_ =	sdelay $0x1  }
0x84: {  	v9 =	vmov s3;
	vm0 =	vlt.s32 v7, $0x0;
	v8 =	vsub.s32 $0x80000000, v7  }
0x85: {  	v7 =	vsel vm0, v8, v7;
	vm0 =	vlt.s32 v9, v5  }
.LBB2_11:
0x86: {  	vm1 =	vge.s32 v7, v6  }
0x87: {  	vm1 =	vmand vm0, vm1  }
0x88: {  	v6 =	vnsel vm0, $0x80000000, v7;
	v7 =	vsel vm1, $0x1, v0  }
0x89: {  	[tilespmem:s1+$0x0] =	vst v6;
	v4 =	vadd.s32 v7, v4  }
.LBB2_12:
0x8a: {  	(xrf0) =	vadd.scan.msk.s32 $0xffff, v4  }
0x8b: {  	(xrf0) =	vadd.scan.msk.s32 $0xffff, v5;
	_ =	sdelay $0x4  }
0x8c: {  	v4, _, _ =	vpop (xrf0)  }
0x8d: {  	(v2sf) =	vpush v4, $0xF;
	v4, _, _ =	vpop (xrf0)  }
0x8e: {  	(v2sf) =	vpush v4, $0xF;
	_ =	sdelay $0xd  }
0x8f: {  	s1 =	spop (v2sf)  }
0x90: {  	s2 =	spop (v2sf)  }
0x91: {  	p1 =	slt.s32 s2, $0x80  }
0x92: {  	p0 =	slt.s32 @!p1 s1, $0x80  }
0x93: {  	p0 =	por p1, !p0  }
.Ltmp8:
0x94: {  	_ = 	snop;
	(pc) =	sbr.rel @!p0 .LBB2_30-.Ltmp8, $1  }
0x95: {  	_ =	sdelay $0x3  }
0x96: {  	s1 =	simm.s32 $0x40  }
0x97: {  	s1 =	simm.s32 @p1 $0x40  }
0x98: {  	v4 =	vld [tilespmem:s1+$0x30]  }
0x99: {  	v5 =	vld [tilespmem:s1+$0xFFFFFFD0]  }
0x9a: {  	v6 =	vld [tilespmem:s1+$0xFFFFFFE0]  }
0x9b: {  	v7 =	vld [tilespmem:s1+$0xFFFFFFF0];
	_ =	sdelay $0x1  }
0x9c: {  	v8 =	vld [tilespmem:s1+$0x0];
	v4 =	vshrl.u32 v4, $0x14  }
0x9d: {  	v9 =	vld [tilespmem:s1+$0x10];
	v5 =	vshrl.u32 v5, $0x14;
	v4 =	vand.u32 $0xFF0, v4  }
0x9e: {  	s0 =	simm.s32 $0xFFFFFFF8;
	v12 =	vld [tilespmem:s1+$0xFFFFFFC0];
	v6 =	vshrl.u32 v6, $0x14;
	v5 =	vand.u32 $0xFF0, v5;
	v11 =	vor.u32 v1, v4  }
0x9f: {  	s0 =	simm.s32 @p1 $0xFFFFFFF8;
	v10 =	vld [tilespmem:s1+$0x20];
	v5 =	vor.u32 v1, v5;
	v4 =	vand.u32 $0xFF0, v6;
	v6 =	vshrl.u32 v7, $0x14  }
0xa0: {  	s0 =	sadd.s32 $0x8, s0;
	v7 =	vor.u32 v1, v4;
	v4 =	vand.u32 $0xFF0, v6  }
0xa1: {  	p0 =	slt.u32 s0, $0x7F8;
	v6 =	vshrl.u32 v8, $0x14;
	v8 =	vor.u32 v1, v4  }
.Ltmp9:
0xa2: {  	_ = 	snop;
	(pc) =	sbr.rel @!p0 .LBB2_15-.Ltmp9, $4  }
0xa3: {  	v62 =	vshrl.u32 v12, $0x14;
	v4 =	vand.u32 $0xFF0, v6;
	v6 =	vshrl.u32 v9, $0x14;
	[tilespmem:v11+s18+$0x0] =	vst.idx.add.s32.msk $0xffff, v2  }
0xa4: {  	v61 =	vshrl.u32 v10, $0x14;
	v63 =	vand.u32 $0xFF0, v62;
	v6 =	vand.u32 $0xFF0, v6;
	[tilespmem:v5+s18+$0x0] =	vst.idx.add.s32.msk $0xffff, v2  }
0xa5: {  	v4 =	vor.u32 v1, v4;
	v5 =	vor.u32 v1, v6;
	v6 =	vand.u32 $0xFF0, v61;
	[tilespmem:v7+s18+$0x0] =	vst.idx.add.s32.msk $0xffff, v2  }
0xa6: {  	s22 =	simm.s32 $0x3;
	s8 =	simm.s32 $0x0;
	s1 =	sadd.s32 $0x80, s1;
	v6 =	vor.u32 v1, v6;
	v7 =	vor.u32 v1, v63;
	[tilespmem:v8+s18+$0x0] =	vst.idx.add.s32.msk $0xffff, v2  }
.LBB2_14:
0xa7: {  	v8 =	vld [tilespmem:s1+$0x30];
	s0 =	sadd.s32 $0x8, s0  }
0xa8: {  	v9 =	vld [tilespmem:s1+$0xFFFFFFD0];
	p1 =	slt.u32 s0, $0x7F8  }
0xa9: {  	v10 =	vld [tilespmem:s1+$0xFFFFFFE0]  }
0xaa: {  	v11 =	vld [tilespmem:s1+$0xFFFFFFF0]  }
0xab: {  	v12 =	vld [tilespmem:s1+$0x0]  }
0xac: {  	v13 =	vld [tilespmem:s1+$0x10];
	v8 =	vshrl.u32 v8, $0x14  }
0xad: {  	v9 =	vshrl.u32 v9, $0x14;
	v14 =	vld [tilespmem:s1+$0x20];
	v8 =	vand.u32 $0xFF0, v8  }
0xae: {  	v15 =	vld [tilespmem:s1+$0xFFFFFFC0];
	v9 =	vand.u32 $0xFF0, v9;
	v10 =	vshrl.u32 v10, $0x14;
	v8 =	vor.u32 v1, v8  }
0xaf: {  	v9 =	vor.u32 v1, v9;
	v10 =	vand.u32 $0xFF0, v10;
	v11 =	vshrl.u32 v11, $0x14;
	[tilespmem:v7+s18+$0x0] =	vst.idx.add.s32.msk $0xffff, v2  }
0xb0: {  	v10 =	vor.u32 v1, v10;
	v7 =	vand.u32 $0xFF0, v11;
	v11 =	vshrl.u32 v12, $0x14;
	[tilespmem:v4+s18+$0x0] =	vst.idx.add.s32.msk $0xffff, v2  }
0xb1: {  	v12 =	vor.u32 v1, v7;
	v4 =	vand.u32 $0xFF0, v11;
	v7 =	vshrl.u32 v13, $0x14;
	[tilespmem:v5+s18+$0x0] =	vst.idx.add.s32.msk $0xffff, v2  }
.Ltmp10:
0xb2: {  	v4 =	vor.u32 v1, v4;
	v5 =	vand.u32 $0xFF0, v7;
	v7 =	vshrl.u32 v14, $0x14;
	[tilespmem:v6+s18+$0x0] =	vst.idx.add.s32.msk $0xffff, v2;
	(pc) =	sbr.rel @p1 .LBB2_14-.Ltmp10, $4  }
0xb3: {  	v6 =	vshrl.u32 v15, $0x14;
	v5 =	vor.u32 v1, v5;
	v7 =	vand.u32 $0xFF0, v7;
	[tilespmem:v8+s18+$0x0] =	vst.idx.add.s32.msk $0xffff, v2  }
0xb4: {  	v8 =	vand.u32 $0xFF0, v6;
	[tilespmem:v9+s18+$0x0] =	vst.idx.add.s32.msk $0xffff, v2;
	v6 =	vor.u32 v1, v7  }
0xb5: {  	v7 =	vor.u32 v1, v8;
	[tilespmem:v10+s18+$0x0] =	vst.idx.add.s32.msk $0xffff, v2  }
0xb6: {  	s1 =	sadd.s32 $0x80, s1;
	[tilespmem:v12+s18+$0x0] =	vst.idx.add.s32.msk $0xffff, v2  }
.LBB2_15:
0xb7: {  	_ =	sdelay $0x1  }
0xb8: {  	s28 =	sadd.s32 $0x4, s22  }
0xb9: {  	p0 =	sne.s32 s22, $0xFF;
	s0 =	sadd.s32 $0x7D, s8;
	s25 =	sadd.s32 $0xFFFFFFFD, s22  }
.Ltmp11:
0xba: {  	[tilespmem:v7+s18+$0x0] =	vst.idx.add.s32.msk $0xffff, v2;
	p3 =	slt.u32 s8, $0x20;
	s1 =	sadd.s32 $0x7F, s8;
	(pc) =	sbr.rel @!p0 .LBB2_16-.Ltmp11, $4  }
0xbb: {  	[tilespmem:v4+s18+$0x0] =	vst.idx.add.s32.msk $0xffff, v2;
	s2 =	sadd.s32 $0x7E, s8;
	s23 =	sadd.s32 $0xFFFFFFFE, s22;
	s25 =	smov.u32 @p3 s1  }
0xbc: {  	[tilespmem:v5+s18+$0x0] =	vst.idx.add.s32.msk $0xffff, v2;
	s30 =	sadd.s32 $0x7C, s8;
	s23 =	smov.u32 @p3 s2;
	s3 =	sshll.u32 s25, $0x6  }
0xbd: {  	[tilespmem:v6+s18+$0x0] =	vst.idx.add.s32.msk $0xffff, v2;
	p1 =	por $0x0, $0x0;
	s2 =	sshll.u32 s23, $0x6;
	s19 =	sshra.s32 s3, $0x2  }
0xbe: {  	p2 =	por $0x0, $0x0;
	s1 =	sadd.s32 $0xFFFFFFFF, s22;
	s17 =	sshra.s32 s2, $0x2;
	v4 =	vld [tilespmem:s19+$0x18080]  }
0xbf: {  	s1 =	smov.u32 @p3 s0  }
0xc0: {  	[tilespmem:s19+$0x18080] =	vst v0;
	s22 =	smov.u32 @p3 s30;
	s0 =	sshll.u32 s1, $0x6  }
0xc1: {  	v5 =	vld [tilespmem:s17+$0x18080];
	[tilespmem:s17+$0x18080] =	vst v0;
	s2 =	sshll.u32 s22, $0x6;
	s0 =	sshra.s32 s0, $0x2  }
0xc2: {  	s4 =	sshra.s32 s2, $0x2;
	v6 =	vld [tilespmem:s0+$0x18080];
	[tilespmem:s0+$0x18080] =	vst v0  }
0xc3: {  	v7 =	vld [tilespmem:s4+$0x18080];
	_ =	sdelay $0x1  }
0xc4: {  	(xrf0) =	vadd.scan.msk.s32 $0xffff, v4  }
0xc5: {  	(xrf0) =	vadd.scan.msk.s32 $0xffff, v5  }
0xc6: {  	(xrf0) =	vadd.scan.msk.s32 $0xffff, v6  }
0xc7: {  	s24 =	sadd.s32 $0x4, s28;
	p0 =	sne.s32 s28, $0xFF;
	(xrf0) =	vadd.scan.msk.s32 $0xffff, v7  }
0xc8: {  	s3 =	sadd.s32 $0xFFFFFFFC, s8;
	s16 =	sadd.s32 $0xFFFFFFFD, s28;
	s2 =	sadd.s32 $0x1, s8  }
.Ltmp12:
0xc9: {  	p3 =	slt.u32 s2, $0x20;
	s0 =	sadd.s32 $0x7F, s3;
	(pc) =	sbr.rel @!p0 .LBB2_18-.Ltmp12, $4  }
0xca: {  	s31 =	sadd.s32 $0xFFFFFFFE, s28;
	s7 =	sadd.s32 $0x7E, s3;
	s16 =	smov.u32 @p3 s0;
	v4, _, _ =	vpop (xrf0)  }
0xcb: {  	s29 =	sadd.s32 $0xFFFFFFFF, s28;
	s31 =	smov.u32 @p3 s7;
	s9 =	sshll.u32 s16, $0x6;
	(v2sf) =	vpush v4, $0xF;
	v4, _, _ =	vpop (xrf0)  }
0xcc: {  	p1 =	por $0x1, $0x1;
	[tilespmem:s4+$0x18080] =	vst v0;
	s26 =	sshll.u32 s31, $0x6;
	s19 =	sshra.s32 s9, $0x2;
	(v2sf) =	vpush v4, $0xF;
	v4, _, _ =	vpop (xrf0)  }
0xcd: {  	s30 =	sadd.s32 $0x7C, s3;
	s0 =	sadd.s32 $0x7D, s3;
	s17 =	sshra.s32 s26, $0x2;
	(v2sf) =	vpush v4, $0xF;
	v5, _, _ =	vpop (xrf0);
	v4 =	vld [tilespmem:s19+$0x18080]  }
0xce: {  	_ =	sdelay $0x4  }
0xcf: {  	(v2sf) =	vpush v5, $0xF;
	_ =	sdelay $0x1  }
0xd0: {  	s4 =	simm.s32 @!p6 $0x0;
	s29 =	smov.u32 @p3 s0;
	s28 =	smov.u32 @p3 s30  }
0xd1: {  	s11 =	sadd.s32 $0x4, s24;
	p2 =	slt.s32 s8, $0x80;
	s21 =	smov.u32 s8  }
0xd2: {  	[tilespmem:s19+$0x18080] =	vst v0;
	s26 =	sadd.s32 $0xFFFFFFFF, s24;
	s4 =	simm.s32 @p6 $0x1;
	s0 =	sshll.u32 s29, $0x6  }
0xd3: {  	v5 =	vld [tilespmem:s17+$0x18080];
	[tilespmem:s17+$0x18080] =	vst v0;
	s6 =	sshll.u32 s28, $0x6;
	p6 =	sne.s32 s24, $0xFF;
	s0 =	sshra.s32 s0, $0x2  }
0xd4: {  	[smem:$0x7FD] =	sst s4;
	s9 =	sshra.s32 s6, $0x2;
	s4 =	sadd.s32 $0xFFFFFFFC, s3;
	v6 =	vld [tilespmem:s0+$0x18080];
	[tilespmem:s0+$0x18080] =	vst v0  }
0xd5: {  	s17 =	smov.u32 s8;
	s0 =	sadd.s32 $0x7D, s4;
	v7 =	vld [tilespmem:s9+$0x18080];
	s7 =	spop (v2sf)  }
0xd6: {  	s30 =	sadd.s32 $0x7C, s4;
	s6 =	sadd.s32 $0x7F, s4;
	(xrf0) =	vadd.scan.msk.s32 $0xffff, v4;
	s3 =	sadd.s32 s8, s7  }
0xd7: {  	s7 =	sadd.s32 $0x1, s2;
	s2 =	sadd.s32 $0x7E, s4;
	s10 =	spop (v2sf)  }
0xd8: {  	(xrf0) =	vadd.scan.msk.s32 $0xffff, v5;
	p0 =	sgt.s32 s3, $0x7F;
	s19 =	sadd.s32 s3, s10;
	s5 =	spop (v2sf)  }
0xd9: {  	(xrf0) =	vadd.scan.msk.s32 $0xffff, v6;
	p3 =	slt.u32 s7, $0x20;
	s17 =	smov.u32 @p0 s25;
	s25 =	sadd.s32 $0xFFFFFFFD, s24  }
0xda: {  	(xrf0) =	vadd.scan.msk.s32 $0xffff, v7;
	p0 =	slt.s32 s3, $0x80;
	p4 =	slt.s32 s19, $0x80;
	s3 =	sadd.s32 s19, s5  }
0xdb: {  	s21 =	smov.u32 @p2 s17;
	s17 =	sadd.s32 $0xFFFFFFFE, s24;
	p2 =	sgt.s32 s19, $0x7F  }
.Ltmp13:
0xdc: {  	v4, _, _ =	vpop (xrf0);
	s25 =	smov.u32 @p3 s6;
	s10 =	smov.u32 s21;
	(pc) =	sbr.rel @!p6 .LBB2_20-.Ltmp13, $4  }
0xdd: {  	(v2sf) =	vpush v4, $0xF;
	s6 =	spop (v2sf);
	s10 =	smov.u32 @p2 s23;
	s23 =	smov.u32 s17  }
0xde: {  	v4, _, _ =	vpop (xrf0);
	p5 =	sgt.s32 s3, $0x7F;
	s19 =	sshll.u32 s25, $0x6;
	s23 =	smov.u32 @p3 s2  }
0xdf: {  	[tilespmem:s9+$0x18080] =	vst v0;
	(v2sf) =	vpush v4, $0xF;
	v4, _, _ =	vpop (xrf0);
	s19 =	sshra.s32 s19, $0x2;
	p2 =	por $0x1, $0x1;
	s5 =	sshll.u32 s23, $0x6  }
0xe0: {  	(v2sf) =	vpush v4, $0xF;
	v5, _, _ =	vpop (xrf0);
	v4 =	vld [tilespmem:s19+$0x18080];
	s21 =	smov.u32 @p0 s10;
	s2 =	sadd.s32 s3, s6;
	s17 =	sshra.s32 s5, $0x2  }
.LBB2_21:
0xe1: {  	s6 =	smov.u32 s21  }
0xe2: {  	p0 =	sgt.s32 s2, $0x7F;
	s10 =	smov.u32 s16;
	s24 =	smov.u32 @p3 s30  }
0xe3: {  	s6 =	smov.u32 @p5 s1;
	s1 =	smov.u32 s29;
	s29 =	smov.u32 s26  }
0xe4: {  	[tilespmem:s19+$0x18080] =	vst v0;
	(v2sf) =	vpush v5, $0xF;
	s29 =	smov.u32 @p3 s0;
	s0 =	smov.u32 s11;
	s21 =	smov.u32 @p4 s6  }
0xe5: {  	p4 =	slt.s32 s3, $0x80;
	v5 =	vld [tilespmem:s17+$0x18080];
	s9 =	sshll.u32 s29, $0x6;
	s6 =	smov.u32 s21  }
0xe6: {  	p6 =	sne.s32 s11, $0xFF;
	[tilespmem:s17+$0x18080] =	vst v0;
	s3 =	sshra.s32 s9, $0x2;
	s6 =	smov.u32 @p0 s22  }
0xe7: {  	s16 =	sshll.u32 s24, $0x6;
	s9 =	sadd.s32 $0x4, s11;
	v6 =	vld [tilespmem:s3+$0x18080];
	s21 =	smov.u32 @p4 s6  }
0xe8: {  	s4 =	sadd.s32 $0xFFFFFFFC, s4;
	s22 =	smov.u32 s28;
	[tilespmem:s3+$0x18080] =	vst v0;
	s3 =	sshra.s32 s16, $0x2;
	(xrf0) =	vadd.scan.msk.s32 $0xffff, v4  }
0xe9: {  	s28 =	smov.u32 s24;
	s24 =	smov.u32 s0;
	s16 =	smov.u32 s25;
	v4 =	vld [tilespmem:s3+$0x18080]  }
0xea: {  	s7 =	sadd.s32 $0x1, s7;
	[tilespmem:s3+$0x18080] =	vst v0;
	(xrf0) =	vadd.scan.msk.s32 $0xffff, v5;
	s3 =	smov.u32 s31;
	s31 =	smov.u32 s23  }
0xeb: {  	s30 =	sadd.s32 $0x7C, s4;
	p3 =	slt.s32 s2, $0x80;
	s0 =	sadd.s32 $0x7D, s4  }
0xec: {  	s6 =	sadd.s32 $0x7E, s4;
	s26 =	sadd.s32 $0xFFFFFFFF, s24;
	(xrf0) =	vadd.scan.msk.s32 $0xffff, v6;
	s11 =	spop (v2sf)  }
0xed: {  	s25 =	sadd.s32 $0xFFFFFFFD, s24;
	s23 =	sadd.s32 $0xFFFFFFFE, s24;
	s11 =	sadd.s32 s2, s11  }
0xee: {  	s17 =	smov.u32 s21;
	p0 =	sgt.s32 s11, $0x7F;
	s2 =	spop (v2sf)  }
0xef: {  	v5, _, _ =	vpop (xrf0);
	(xrf0) =	vadd.scan.msk.s32 $0xffff, v4;
	s17 =	smov.u32 @p0 s10;
	s2 =	sadd.s32 s11, s2;
	p0 =	slt.s32 s11, $0x80  }
0xf0: {  	(v2sf) =	vpush v5, $0xF;
	s11 =	sadd.s32 $0x7F, s4;
	s21 =	smov.u32 @p3 s17;
	p5 =	sgt.s32 s2, $0x7F  }
0xf1: {  	v4, _, _ =	vpop (xrf0);
	s10 =	spop (v2sf);
	p3 =	slt.u32 s7, $0x20;
	p4 =	slt.s32 s2, $0x80  }
.Ltmp14:
0xf2: {  	(v2sf) =	vpush v4, $0xF;
	s25 =	smov.u32 @p3 s11;
	s11 =	smov.u32 s21;
	(pc) =	sbr.rel @p6 .LBB2_21-.Ltmp14, $4  }
0xf3: {  	v4, _, _ =	vpop (xrf0);
	s11 =	smov.u32 @p5 s3;
	s3 =	sadd.s32 s2, s10;
	s2 =	sshll.u32 s25, $0x6  }
0xf4: {  	s23 =	smov.u32 @p3 s6;
	(v2sf) =	vpush v4, $0xF;
	s6 =	spop (v2sf);
	s19 =	sshra.s32 s2, $0x2  }
0xf5: {  	s2 =	sshll.u32 s23, $0x6;
	p5 =	sgt.s32 s3, $0x7F;
	s21 =	smov.u32 @p0 s11;
	v5, _, _ =	vpop (xrf0)  }
0xf6: {  	s11 =	smov.u32 s9;
	s17 =	sshra.s32 s2, $0x2;
	s2 =	sadd.s32 s3, s6;
	v4 =	vld [tilespmem:s19+$0x18080]  }
0xf7: {  	s5 =	sld [smem:$0x7FD]  }
0xf8: {  	s4 =	smov.u32 s1  }
0xf9: {  	s7 =	smov.u32 s22;
	s1 =	smov.u32 s29;
	s11 =	smov.u32 s16  }
0xfa: {  	s22 =	smov.u32 s28;
	s9 =	smov.u32 s31;
	p6 =	seq.s32 s5, $0x1  }
.LBB2_23:
0xfb: {  	[tilespmem:s19+$0x18080] =	vst v0  }
0xfc: {  	s26 =	smov.u32 @p3 s0;
	v6 =	vld [tilespmem:s17+$0x18080]  }
0xfd: {  	s0 =	sshll.u32 s26, $0x6  }
0xfe: {  	(xrf0) =	vadd.scan.msk.s32 $0xffff, v4;
	[tilespmem:s17+$0x18080] =	vst v0;
	s0 =	sshra.s32 s0, $0x2  }
0xff: {  	(v2sf) =	vpush @p1 v5, $0xF;
	s24 =	smov.u32 @p3 s30;
	v4 =	vld [tilespmem:s0+$0x18080]  }
0x100: {  	s6 =	sshll.u32 s24, $0x6  }
0x101: {  	p0 =	por !p5, !p2;
	p3 =	por !p4, !p2;
	s19 =	sshra.s32 s6, $0x2;
	[tilespmem:s0+$0x18080] =	vst v0;
	(xrf0) =	vadd.scan.msk.s32 $0xffff, v6  }
0x102: {  	s1 =	smov.u32 @p1 s1;
	s4 =	smov.u32 @p0 s21;
	p0 =	sgt.s32 @p2 s2, $0x7F;
	v5 =	vld [tilespmem:s19+$0x18080]  }
0x103: {  	s4 =	smov.u32 @p3 s21;
	p3 =	slt.s32 @p2 s3, $0x80;
	p0 =	por !p0, !p2  }
0x104: {  	s6 =	smov.u32 @p1 s11;
	s7 =	smov.u32 @p0 s4;
	p0 =	por !p3, !p2;
	(xrf0) =	vadd.scan.msk.s32 $0xffff, v4;
	v4, _, _ =	vpop (xrf0)  }
0x105: {  	s3 =	spop @p1 (v2sf);
	s7 =	smov.u32 @p0 s4;
	s4 =	smov.u32 @p1 s9;
	(v2sf) =	vpush v4, $0xF  }
0x106: {  	p0 =	slt.s32 @p1 s2, $0x80;
	s9 =	smov.u32 s8;
	s3 =	sadd.s32 @p1 s2, s3  }
0x107: {  	s9 =	smov.u32 @p2 s7;
	p3 =	sgt.s32 @p1 s3, $0x7F;
	s2 =	spop @p1 (v2sf);
	(xrf0) =	vadd.scan.msk.s32 $0xffff, v5;
	v4, _, _ =	vpop (xrf0)  }
0x108: {  	p0 =	por !p0, !p1;
	p2 =	por !p3, !p1;
	s2 =	sadd.s32 @p1 s3, s2;
	(v2sf) =	vpush v4, $0xF  }
0x109: {  	p3 =	slt.s32 @p1 s3, $0x80;
	s6 =	smov.u32 @p2 s9;
	p2 =	sgt.s32 @p1 s2, $0x7F  }
0x10a: {  	s7 =	spop @p1 (v2sf);
	s6 =	smov.u32 @p0 s9;
	p0 =	por !p2, !p1;
	v4, _, _ =	vpop (xrf0)  }
0x10b: {  	p3 =	por !p3, !p1;
	s3 =	sadd.s32 @p1 s2, s7;
	s4 =	smov.u32 @p0 s6;
	(v2sf) =	vpush v4, $0xF  }
0x10c: {  	p2 =	sgt.s32 @p1 s3, $0x7F;
	p0 =	slt.s32 @p1 s2, $0x80;
	s4 =	smov.u32 @p3 s6  }
0x10d: {  	p2 =	por @!p1 p0, p0;
	s6 =	smov.u32 s8;
	p0 =	por @!p1 p0, p0;
	v4, _, _ =	vpop (xrf0)  }
0x10e: {  	s4 =	smov.u32 @p1 s4;
	p2 =	por !p2, !p1;
	s7 =	spop @p1 (v2sf);
	(v2sf) =	vpush v4, $0xF  }
0x10f: {  	p0 =	por !p0, !p1;
	s1 =	smov.u32 @p2 s4;
	s2 =	sadd.s32 @p1 s3, s7  }
0x110: {  	s1 =	smov.u32 @p0 s4;
	s6 =	smov.u32 @p1 s2  }
0x111: {  	s7 =	smov.u32 @p1 s22;
	s2 =	smov.u32 @p1 s3;
	p2 =	sgt.s32 @p1 s6, $0x7F  }
0x112: {  	s3 =	smov.u32 @p1 s7;
	p0 =	slt.s32 @p1 s2, $0x80;
	p2 =	por !p2, !p1  }
0x113: {  	p0 =	por !p0, !p1;
	s3 =	smov.u32 @p2 s1  }
0x114: {  	s3 =	smov.u32 @p0 s1;
	s22 =	spop (v2sf)  }
0x115: {  	s8 =	smov.u32 @p1 s3;
	s1 =	sadd.s32 s6, s22  }
0x116: {  	s2 =	smov.u32 s8;
	p0 =	sgt.s32 s1, $0x7F  }
0x117: {  	p1 =	slt.s32 s6, $0x80;
	s2 =	smov.u32 @p0 s25;
	s28 =	spop (v2sf)  }
0x118: {  	s8 =	smov.u32 @p1 s2;
	s3 =	sadd.s32 s1, s28  }
0x119: {  	s2 =	smov.u32 s8;
	p0 =	sgt.s32 s3, $0x7F  }
0x11a: {  	p1 =	slt.s32 s1, $0x80;
	s29 =	spop (v2sf);
	s2 =	smov.u32 @p0 s23  }
0x11b: {  	s1 =	sadd.s32 s3, s29;
	s8 =	smov.u32 @p1 s2  }
0x11c: {  	p0 =	sgt.s32 s1, $0x7F;
	s2 =	smov.u32 s8  }
0x11d: {  	s30 =	spop (v2sf);
	p1 =	slt.s32 s3, $0x80;
	s2 =	smov.u32 @p0 s26  }
0x11e: {  	s3 =	sadd.s32 s1, s30;
	s8 =	smov.u32 @p1 s2  }
0x11f: {  	p0 =	sgt.s32 s3, $0x7F;
	s2 =	smov.u32 s8  }
0x120: {  	p1 =	slt.s32 s1, $0x80;
	s2 =	smov.u32 @p0 s24  }
0x121: {  	s8 =	smov.u32 @p1 s2  }
0x122: {  	s1 =	sshll.u32 s8, $0x18  }
0x123: {  	s31 =	simm.s32 $0x40;
	[tilespmem:s19+$0x18080] =	vst v0;
	p0 =	seq.s32 s8, $0xFF;
	s0 =	sor.u32 $0xFFFFFF, s1  }
0x124: {  	v7 =	vld [tilespmem:s31+$0xFFFFFFC0];
	p1 =	slt.s32 s8, $0x80;
	s0 =	simm.s32 @p0 $0xFF800000  }
0x125: {  	v10 =	vld [tilespmem:s31+$0xFFFFFFD0];
	s0 =	smov.u32 @p1 s1  }
0x126: {  	v4 =	vmov s0  }
0x127: {  	v11 =	vld [tilespmem:s31+$0xFFFFFFE0];
	v6 =	vbroadcast v4, $0x0  }
0x128: {  	v12 =	vld [tilespmem:s31+$0xFFFFFFF0]  }
0x129: {  	v8 =	vimm.s32 $0x0;
	v5 =	vld [tilespmem:s31+$0x10];
	vm2 =	vge.f32 v7, v6  }
0x12a: {  	v9 =	vshll.u32 v8, $0x4;
	v4 =	vld [tilespmem:s31+$0x0];
	vm3 =	vge.f32 v10, v6;
	v13 =	vsel vm2, $0x1, v0  }
0x12b: {  	v14 =	vor.u32 v1, v9;
	v9 =	vsel vm3, $0x1, v0;
	v8 =	vadd.s32 v13, v8  }
0x12c: {  	vm4 =	vge.f32 v11, v6;
	v13 =	vshll.u32 v8, $0x4;
	v9 =	vadd.s32 v9, v8;
	v8 =	vld [tilespmem:s31+$0x20]  }
0x12d: {  	v15 =	vsel vm4, $0x1, v0;
	v13 =	vor.u32 v1, v13;
	v16 =	vshll.u32 v9, $0x4  }
0x12e: {  	vm1 =	vge.f32 v5, v6;
	v15 =	vadd.s32 v15, v9;
	v16 =	vor.u32 v1, v16  }
0x12f: {  	vm5 =	vge.f32 v12, v6;
	vm0 =	vge.f32 v4, v6;
	v17 =	vshll.u32 v15, $0x4  }
0x130: {  	v18 =	vsel vm5, $0x1, v0;
	v9 =	vld [tilespmem:s31+$0x30];
	v19 =	vsel vm0, $0x1, v0;
	v17 =	vor.u32 v1, v17  }
0x131: {  	[tilespmem:v14+s15+$0x0] =	vst.idx.msk vm2, v7;
	v14 =	vadd.s32 v18, v15;
	v18 =	vsel vm1, $0x1, v0;
	vm2 =	vge.f32 v8, v6  }
0x132: {  	s0 =	simm.s32 $0xC0;
	[tilespmem:v13+s15+$0x0] =	vst.idx.msk vm3, v10;
	v10 =	vshll.u32 v14, $0x4;
	v13 =	vadd.s32 v19, v14;
	v19 =	vsel vm2, $0x1, v0  }
0x133: {  	v7 =	vld [tilespmem:s0+$0x0];
	[tilespmem:v16+s15+$0x0] =	vst.idx.msk vm4, v11;
	v15 =	vor.u32 v1, v10;
	v10 =	vshll.u32 v13, $0x4;
	v16 =	vadd.s32 v18, v13  }
0x134: {  	v13 =	vld [tilespmem:s0+$0xFFFFFFC0];
	v14 =	vor.u32 v1, v10;
	v18 =	vadd.s32 v19, v16;
	v10 =	vshll.u32 v16, $0x4  }
0x135: {  	vm3 =	vge.f32 v9, v6;
	v11 =	vld [tilespmem:s0+$0xFFFFFFD0];
	[tilespmem:v17+s15+$0x0] =	vst.idx.msk vm5, v12;
	v16 =	vshll.u32 v18, $0x4;
	v17 =	vor.u32 v1, v10  }
0x136: {  	v12 =	vld [tilespmem:s0+$0xFFFFFFE0];
	v19 =	vsel vm3, $0x1, v0;
	v16 =	vor.u32 v1, v16  }
0x137: {  	s2 =	simm.s32 $0x140;
	s1 =	simm.s32 $0x8;
	v10 =	vld [tilespmem:s0+$0xFFFFFFF0];
	v18 =	vadd.s32 v19, v18  }
.LBB2_24:
0x138: {  	s1 =	sadd.s32 $0x8, s1;
	[tilespmem:v15+s15+$0x0] =	vst.idx.msk vm0, v4;
	v4 =	vmov v7;
	v7 =	vld [tilespmem:s2+$0x0]  }
0x139: {  	v15 =	vshll.u32 v18, $0x4;
	p2 =	slt.u32 s1, $0x7F8;
	vm6 =	vge.f32 v13, v6;
	vm0 =	vge.f32 v4, v6;
	[tilespmem:v14+s15+$0x0] =	vst.idx.msk vm1, v5;
	v5 =	vld [tilespmem:s0+$0x10]  }
0x13a: {  	v14 =	vor.u32 v1, v15;
	v15 =	vsel vm6, $0x1, v0;
	vm4 =	vge.f32 v11, v6;
	[tilespmem:v17+s15+$0x0] =	vst.idx.msk vm2, v8  }
0x13b: {  	v8 =	vadd.s32 v15, v18;
	v15 =	vsel vm4, $0x1, v0;
	vm5 =	vge.f32 v12, v6;
	[tilespmem:v16+s15+$0x0] =	vst.idx.msk vm3, v9  }
0x13c: {  	v9 =	vshll.u32 v8, $0x4;
	v15 =	vadd.s32 v15, v8;
	v16 =	vsel vm5, $0x1, v0;
	v8 =	vld [tilespmem:s0+$0x20]  }
0x13d: {  	v17 =	vor.u32 v1, v9;
	v9 =	vshll.u32 v15, $0x4;
	v15 =	vadd.s32 v16, v15  }
0x13e: {  	v16 =	vor.u32 v1, v9;
	v18 =	vshll.u32 v15, $0x4;
	vm1 =	vge.f32 v5, v6;
	v9 =	vld [tilespmem:s0+$0x30];
	s0 =	smov.u32 s2  }
0x13f: {  	vm3 =	vge.f32 v10, v6;
	[tilespmem:v14+s15+$0x0] =	vst.idx.msk vm6, v13;
	v18 =	vor.u32 v1, v18  }
0x140: {  	v13 =	vsel vm3, $0x1, v0;
	v14 =	vsel vm0, $0x1, v0  }
0x141: {  	v19 =	vsel vm1, $0x1, v0;
	v13 =	vadd.s32 v13, v15;
	vm2 =	vge.f32 v8, v6  }
0x142: {  	[tilespmem:v17+s15+$0x0] =	vst.idx.msk vm4, v11;
	v11 =	vshll.u32 v13, $0x4;
	v13 =	vadd.s32 v14, v13;
	v17 =	vsel vm2, $0x1, v0  }
.Ltmp15:
0x143: {  	[tilespmem:v16+s15+$0x0] =	vst.idx.msk vm5, v12;
	v15 =	vor.u32 v1, v11;
	v11 =	vshll.u32 v13, $0x4;
	v12 =	vadd.s32 v19, v13;
	(pc) =	sbr.rel @p2 .LBB2_24-.Ltmp15, $4  }
0x144: {  	v13 =	vld [tilespmem:s2+$0xFFFFFFC0];
	v14 =	vor.u32 v1, v11;
	v16 =	vshll.u32 v12, $0x4;
	v19 =	vadd.s32 v17, v12  }
0x145: {  	v11 =	vld [tilespmem:s2+$0xFFFFFFD0];
	[tilespmem:v18+s15+$0x0] =	vst.idx.msk vm3, v10;
	v17 =	vor.u32 v1, v16;
	vm3 =	vge.f32 v9, v6;
	v10 =	vshll.u32 v19, $0x4  }
0x146: {  	v12 =	vld [tilespmem:s2+$0xFFFFFFE0];
	v16 =	vor.u32 v1, v10;
	v18 =	vsel vm3, $0x1, v0  }
0x147: {  	s2 =	sadd.s32 $0x80, s2;
	v10 =	vld [tilespmem:s0+$0xFFFFFFF0];
	v18 =	vadd.s32 v18, v19  }
0x148: {  	_ = 	snop  }
0x149: {  	v19 =	vld [tilespmem:s0+$0x10];
	vm4 =	vge.f32 v13, v6  }
0x14a: {  	v21 =	vld [tilespmem:s0+$0x20];
	v20 =	vsel vm4, $0x1, v0;
	vm5 =	vge.f32 v11, v6  }
0x14b: {  	v23 =	vld [tilespmem:s0+$0x30];
	v20 =	vadd.s32 v20, v18;
	v22 =	vsel vm5, $0x1, v0;
	vm6 =	vge.f32 v12, v6  }
0x14c: {  	v22 =	vadd.s32 v22, v20;
	v24 =	vsel vm6, $0x1, v0;
	vm8 =	vge.f32 v10, v6  }
0x14d: {  	vm7 =	vge.f32 v7, v6;
	v24 =	vadd.s32 v24, v22;
	v25 =	vsel vm8, $0x1, v0  }
0x14e: {  	v26 =	vsel vm7, $0x1, v0;
	vm9 =	vge.f32 v19, v6;
	v25 =	vadd.s32 v25, v24  }
0x14f: {  	vm10 =	vge.f32 v21, v6;
	v27 =	vsel vm9, $0x1, v0;
	v26 =	vadd.s32 v26, v25  }
0x150: {  	vm11 =	vge.f32 v23, v6;
	v28 =	vsel vm10, $0x1, v0;
	v27 =	vadd.s32 v27, v26  }
0x151: {  	v6 =	vsel vm11, $0x1, v0;
	v28 =	vadd.s32 v28, v27  }
0x152: {  	v6 =	vadd.s32 v6, v28  }
0x153: {  	v29 =	vxor.u32 $0x80000000, v6  }
0x154: {  	(xrf0) =	vmax.scan.msk.u32 $0xffff, v29;
	_ =	sdelay $0x5  }
0x155: {  	v29, _, _ =	vpop (xrf0)  }
0x156: {  	(v2sf) =	vpush v29, $0xF;
	_ =	sdelay $0x8  }
0x157: {  	v55 =	vshll.u32 v18, $0x4  }
0x158: {  	v18 =	vor.u32 v1, v55;
	v20 =	vshll.u32 v20, $0x4  }
0x159: {  	[tilespmem:v15+s15+$0x0] =	vst.idx.msk vm0, v4;
	v4 =	vor.u32 v1, v20;
	v56 =	vshll.u32 v22, $0x4  }
0x15a: {  	[tilespmem:v14+s15+$0x0] =	vst.idx.msk vm1, v5;
	v5 =	vor.u32 v1, v56;
	v57 =	vshll.u32 v24, $0x4  }
0x15b: {  	[tilespmem:v17+s15+$0x0] =	vst.idx.msk vm2, v8;
	v8 =	vor.u32 v1, v57;
	v58 =	vshll.u32 v25, $0x4  }
0x15c: {  	[tilespmem:v16+s15+$0x0] =	vst.idx.msk vm3, v9;
	v59 =	vor.u32 v1, v58;
	v60 =	vshll.u32 v26, $0x4  }
0x15d: {  	[tilespmem:v18+s15+$0x0] =	vst.idx.msk vm4, v13;
	v61 =	vor.u32 v1, v60;
	v62 =	vshll.u32 v27, $0x4;
	s31 =	spop (v2sf)  }
0x15e: {  	[tilespmem:v4+s15+$0x0] =	vst.idx.msk vm5, v11;
	v4 =	vor.u32 v1, v62;
	v63 =	vshll.u32 v28, $0x4;
	s0 =	sadd.s32 $0x80000001, s31  }
0x15f: {  	[tilespmem:v5+s15+$0x0] =	vst.idx.msk vm6, v12;
	v5 =	vor.u32 v1, v63;
	p0 =	slt.s32 s0, $0x2  }
.Ltmp16:
0x160: {  	[tilespmem:v8+s15+$0x0] =	vst.idx.msk vm8, v10;
	(pc) =	sbr.rel @p0 .LBB2_29-.Ltmp16, $4  }
0x161: {  	[tilespmem:v59+s15+$0x0] =	vst.idx.msk vm7, v7  }
0x162: {  	[tilespmem:v61+s15+$0x0] =	vst.idx.msk vm9, v19  }
0x163: {  	[tilespmem:v4+s15+$0x0] =	vst.idx.msk vm10, v21  }
0x164: {  	[tilespmem:v5+s15+$0x0] =	vst.idx.msk vm11, v23;
	s0 =	sand.u32 $0xFFFFFFFE, s0  }
0x165: {  	s1 =	simm.s32 $0x10000  }
0x166: {  	v4 =	vld [tilespmem:s1+$0x0];
	_ =	sdelay $0x1  }
0x167: {  	p0 =	sne.s32 s0, $0x1  }
.Ltmp17:
0x168: {  	_ = 	snop;
	(pc) =	sbr.rel @!p0 .LBB2_28-.Ltmp17, $4  }
0x169: {  	s2 =	simm.s32 $0x0  }
0x16a: {  	v7 =	vmov s2;
	vm0 =	vlt.s32 v4, $0x0;
	v5 =	vsub.s32 $0x80000000, v4  }
0x16b: {  	vm15 =	vlt.s32 v7, v6;
	v4 =	vsel vm0, v5, v4  }
0x16c: {  	s2 =	simm.s32 $0x1;
	v4 =	vnsel vm15, $0x80000000, v4  }
.LBB2_27:
0x16d: {  	[tilespmem:s1+$0x0] =	vst v4;
	s1 =	sadd.s32 $0x10, s1;
	s3 =	smov.u32 s2;
	s2 =	sadd.s32 $0x1, s2  }
0x16e: {  	v4 =	vld [tilespmem:s1+$0x0];
	p0 =	sne.s32 s0, s2;
	_ =	sdelay $0x2  }
.Ltmp18:
0x16f: {  	(pc) =	sbr.rel @p0 .LBB2_27-.Ltmp18, $4  }
0x170: {  	_ = 	snop  }
0x171: {  	v7 =	vmov s3;
	vm0 =	vlt.s32 v4, $0x0;
	v5 =	vsub.s32 $0x80000000, v4  }
0x172: {  	v4 =	vsel vm0, v5, v4;
	vm0 =	vlt.s32 v7, v6  }
0x173: {  	v4 =	vnsel vm0, $0x80000000, v4  }
.LBB2_28:
0x174: {  	[tilespmem:s1+$0x0] =	vst v4  }
.LBB2_29:
0x175: {  	s1 =	sadd.s32 $0x80, s8;
	s2 =	ssub.s32 $0xFF, s8  }
0x176: {  	s2 =	smov.u32 @p1 s1  }
0x177: {  	p0 =	slt.s32 s2, $0xFE  }
0x178: {  	s2 =	simm.s32 @!p0 $0xFE  }
0x179: {  	s21 =	sshll.u32 s2, $0x18  }
.LBB2_30:
.Ltmp19:
0x17a: {  	(pc) =	sbr.rel .LBB2_31-.Ltmp19, $3  }
0x17b: {  	_ =	sdelay $0x1  }
0x17c: {  	s2 =	sshra.s32 s0, $0x1  }
0x17d: {  	s1 =	simm.s32 $0x0;
	s3 =	simm.s32 $0x0;
	p1 =	slt.s32 s2, $0x1  }
.LBB2_34:
0x17e: {  	v7 =	vsel vm0, $0x1, v0;
	vm15 =	vge.s32 v6, v5  }
0x17f: {  	v4 =	vadd.s32 v7, v4;
	v5 =	vsel vm15, $0x1, v0  }
0x180: {  	v4 =	vadd.s32 v5, v4  }
.LBB2_35:
0x181: {  	(xrf0) =	vadd.scan.msk.s32 $0xffff, v4;
	_ =	sdelay $0x5  }
0x182: {  	v4, _, _ =	vpop (xrf0)  }
0x183: {  	(v2sf) =	vpush v4, $0xF;
	_ =	sdelay $0xa  }
0x184: {  	s3 =	sadd.s32 $0x1, s3  }
0x185: {  	p2 =	sne.s32 s3, $0x19  }
.Ltmp20:
0x186: {  	_ = 	snop;
	(pc) =	sbr.rel @!p2 .LBB2_36-.Ltmp20, $4  }
0x187: {  	_ = 	snop  }
0x188: {  	s6 =	spop (v2sf)  }
0x189: {  	p0 =	sgt.s32 s6, $0x7F  }
0x18a: {  	s1 =	smov.u32 @p0 s4  }
.LBB2_31:
.Ltmp21:
0x18b: {  	(pc) =	sbr.rel @p1 .LBB2_35-.Ltmp21, $3  }
0x18c: {  	_ =	sdelay $0x1  }
0x18d: {  	s4 =	sshrl.u32 s13, s3  }
0x18e: {  	v4 =	vimm.s32 $0x0;
	s4 =	sor.u32 s4, s1  }
0x18f: {  	s6 =	simm.s32 $0x10010  }
0x190: {  	p0 =	sne.s32 s2, $0x1;
	v7 =	vld [tilespmem:s6+$0xFFFFFFF0]  }
.Ltmp22:
0x191: {  	v6 =	vld [tilespmem:s6+$0x0];
	(pc) =	sbr.rel @!p0 .LBB2_34-.Ltmp22, $4  }
0x192: {  	s7 =	sadd.s32 s21, s4  }
0x193: {  	s7 =	sxor.u32 $0x80000000, s7  }
0x194: {  	v5 =	vmov s7  }
0x195: {  	s8 =	simm.s32 $0x10030;
	s7 =	sadd.s32 $0xFFFFFFFF, s2;
	vm0 =	vge.s32 v7, v5  }
.LBB2_33:
0x196: {  	v7 =	vld [tilespmem:s8+$0xFFFFFFF0];
	p0 =	sne.s32 s7, $0x1;
	s7 =	sadd.s32 $0xFFFFFFFF, s7;
	v8 =	vsel vm0, $0x1, v0;
	vm0 =	vge.s32 v6, v5  }
.Ltmp23:
0x197: {  	v6 =	vld [tilespmem:s8+$0x0];
	v4 =	vadd.s32 v8, v4;
	v8 =	vsel vm0, $0x1, v0;
	(pc) =	sbr.rel @p0 .LBB2_33-.Ltmp23, $2  }
0x198: {  	v4 =	vadd.s32 v8, v4;
	_ =	sdelay $0x2  }
0x199: {  	s8 =	sadd.s32 $0x20, s8;
	vm0 =	vge.s32 v7, v5  }
.Ltmp24:
0x19a: {  	_ = 	snop;
	(pc) =	sbr.rel .LBB2_34-.Ltmp24, $1  }
0x19b: {  	_ =	sdelay $0x3  }
.LBB2_36:
0x19c: {  	p0 =	slt.s32 s0, $0x1  }
.Ltmp25:
0x19d: {  	_ = 	snop;
	(pc) =	sbr.rel @p0 .LBB2_37-.Ltmp25, $4  }
0x19e: {  	_ = 	snop  }
0x19f: {  	s1 =	sadd.s32 s21, s1  }
0x1a0: {  	s2 =	sxor.u32 $0x80000000, s1  }
0x1a1: {  	v5 =	vimm.f32 $0.0e+00;
	v7 =	vimm.s32 $0x0;
	v4 =	vmov s2;
	s2 =	simm.s32 $0x10000  }
0x1a2: {  	v6 =	vld [tilespmem:s2+$0x0];
	p0 =	sne.s32 s0, $0x1  }
.Ltmp26:
0x1a3: {  	_ = 	snop;
	(pc) =	sbr.rel @!p0 .LBB2_40-.Ltmp26, $2  }
0x1a4: {  	_ =	sdelay $0x2  }
0x1a5: {  	s0 =	sadd.s32 $0xFFFFFFFF, s0;
	s2 =	sadd.s32 $0x10, s2;
	v8 =	vimm.s32 $0x0;
	vm0 =	vlt.s32 v6, $0x0;
	v9 =	vsub.s32 $0x80000000, v6  }
.LBB2_39:
0x1a6: {  	p0 =	sne.s32 s0, $0x1;
	s0 =	sadd.s32 $0xFFFFFFFF, s0;
	vm1 =	vgt.s32 v6, v4;
	v9 =	vsel vm0, v9, v6;
	v6 =	vld [tilespmem:s2+$0x0]  }
.Ltmp27:
0x1a7: {  	v9 =	vnsel vm1, $0x0, v9;
	v10 =	vsel vm1, $0x1, v0;
	(pc) =	sbr.rel @p0 .LBB2_39-.Ltmp27, $2  }
0x1a8: {  	v5 =	vadd.f32 v9, v5;
	v8 =	vadd.s32 v10, v8;
	_ =	sdelay $0x2  }
0x1a9: {  	s2 =	sadd.s32 $0x10, s2;
	vm0 =	vlt.s32 v6, $0x0;
	v9 =	vsub.s32 $0x80000000, v6  }
.LBB2_40:
.Ltmp28:
0x1aa: {  	(pc) =	sbr.rel .LBB2_41-.Ltmp28, $4  }
0x1ab: {  	_ = 	snop  }
0x1ac: {  	vm1 =	vgt.s32 v6, v4;
	v6 =	vsel vm0, v9, v6  }
0x1ad: {  	v6 =	vnsel vm1, $0x0, v6;
	v63 =	vsel vm1, $0x1, v0  }
0x1ae: {  	v5 =	vadd.f32 v6, v5;
	v6 =	vadd.s32 v63, v8  }
.LBB2_37:
0x1af: {  	v6 =	vimm.s32 $0x0  }
.LBB2_41:
0x1b0: {  	(xrf0) =	vadd.scan.msk.s32 $0xffff, v6;
	_ =	sdelay $0x5  }
0x1b1: {  	v6, _, _ =	vpop (xrf0)  }
0x1b2: {  	(v2sf) =	vpush v6, $0xF;
	_ =	sdelay $0x5  }
0x1b3: {  	(xrf2) =	vadd.scan.msk.f32 $0xffff, v5;
	_ =	sdelay $0x5  }
0x1b4: {  	s0 =	simm.s32 @p6 $0x80  }
0x1b5: {  	s2 =	simm.s32 @p6 $0x400;
	s3 =	simm.s32 @p6 $0x0;
	s4 =	rddreg [dreg:$0x5]  }
0x1b6: {  	[tilespmem:s3], [sflag:$0x1] =	stream.strided.gather @p6 [hbm4b:s4+s0], $0x8000, s2, s0, $0x38;
	[tilespmem:$0x19100] =	vst v63  }
0x1b7: {  	s29 =	spop (v2sf)  }
0x1b8: {  	s30 =	sadd.s32 $0x7FF00000, s1;
	s21 =	sadd.s32 $0xFFF00000, s1;
	v5, _, _ =	vpop (xrf2);
	s0 =	ssub.s32 $0x80, s29  }
0x1b9: {  	vm0 =	vlt.s32 v4, $0x0;
	p0 =	sgt.s32 s30, $0x7E000000;
	v6 =	vsub.s32 $0x80000000, v4;
	_ =	swait.ge [sflag:s14], $0x8000;
	s0 =	scvt.s32.f32 s0  }
0x1ba: {  	s21 =	simm.s32 @p0 $0xFE000000;
	v4 =	vsel vm0, v6, v4;
	[sflag:s14] =	ssyncset.done $0x0  }
0x1bb: {  	s31 =	simm.s32 $0x8040;
	[sflag:s14] =	ssyncadd.s32 $0xFFFF8000;
	v4 =	vmul.f32 s0, v4;
	s0 =	sxor.u32 $0x80000000, s21  }
0x1bc: {  	p0 =	slt.s32 s21, $0x0;
	v5 =	vbroadcast v5, $0xF;
	v10 =	vld [tilespmem:s31+$0xFFFFFFC0];
	s2 =	ssub.s32 $0x80000000, s0  }
0x1bd: {  	v11 =	vld [tilespmem:s31+$0xFFFFFFD0];
	s2 =	smov.u32 @p0 s0  }
0x1be: {  	v4 =	vadd.f32 v4, v5;
	v5 =	vmov s2  }
0x1bf: {  	v12 =	vld [tilespmem:s31+$0xFFFFFFE0];
	v6 =	vbroadcast v5, $0x0  }
0x1c0: {  	v8 =	vmov s20;
	v16 =	vld [tilespmem:s31+$0xFFFFFFF0];
	v9 =	vmul.f32 $7.812500000e-03, v4  }
0x1c1: {  	vm0 =	veq.s32 v8, v1;
	v8 =	vshll.u32 v7, $0x4;
	vm2 =	vge.f32 v10, v6  }
0x1c2: {  	v4 =	vld [tilespmem:s31+$0x0];
	v3 =	vsel vm0, v9, v3;
	vm3 =	vge.f32 v11, v6;
	v9 =	vsel vm2, $0x1, v0  }
0x1c3: {  	v13 =	vor.u32 v1, v8;
	v5 =	vld [tilespmem:s31+$0x10];
	v8 =	vsel vm3, $0x1, v0;
	v7 =	vadd.s32 v9, v7  }
0x1c4: {  	vm4 =	vge.f32 v12, v6;
	v9 =	vshll.u32 v7, $0x4;
	v7 =	vadd.s32 v8, v7;
	v8 =	vld [tilespmem:s31+$0x20]  }
0x1c5: {  	vm5 =	vge.f32 v16, v6;
	v14 =	vsel vm4, $0x1, v0;
	v15 =	vor.u32 v1, v9  }
0x1c6: {  	v18 =	vsel vm5, $0x1, v0;
	v9 =	vshll.u32 v7, $0x4;
	v7 =	vadd.s32 v14, v7  }
0x1c7: {  	vm0 =	vge.f32 v4, v6;
	v14 =	vor.u32 v1, v9;
	v17 =	vshll.u32 v7, $0x4  }
0x1c8: {  	vm1 =	vge.f32 v5, v6;
	v19 =	vsel vm0, $0x1, v0;
	v9 =	vld [tilespmem:s31+$0x30];
	v17 =	vor.u32 v1, v17  }
0x1c9: {  	[tilespmem:v13+s15+$0x0] =	vst.idx.msk vm2, v10;
	v10 =	vadd.s32 v18, v7;
	v13 =	vsel vm1, $0x1, v0;
	vm2 =	vge.f32 v8, v6  }
0x1ca: {  	s0 =	simm.s32 $0x80C0;
	[tilespmem:v15+s15+$0x0] =	vst.idx.msk vm3, v11;
	v11 =	vshll.u32 v10, $0x4;
	v10 =	vadd.s32 v19, v10;
	v18 =	vsel vm2, $0x1, v0  }
0x1cb: {  	v7 =	vld [tilespmem:s0+$0x0];
	v15 =	vor.u32 v1, v11;
	v11 =	vshll.u32 v10, $0x4;
	v10 =	vadd.s32 v13, v10  }
0x1cc: {  	[tilespmem:v14+s15+$0x0] =	vst.idx.msk vm4, v12;
	v13 =	vld [tilespmem:s0+$0xFFFFFFC0];
	v14 =	vor.u32 v1, v11;
	v18 =	vadd.s32 v18, v10;
	v10 =	vshll.u32 v10, $0x4  }
0x1cd: {  	vm3 =	vge.f32 v9, v6;
	v11 =	vld [tilespmem:s0+$0xFFFFFFD0];
	[tilespmem:v17+s15+$0x0] =	vst.idx.msk vm5, v16;
	v16 =	vshll.u32 v18, $0x4;
	v17 =	vor.u32 v1, v10  }
0x1ce: {  	v12 =	vld [tilespmem:s0+$0xFFFFFFE0];
	v19 =	vsel vm3, $0x1, v0;
	v16 =	vor.u32 v1, v16  }
0x1cf: {  	s1 =	simm.s32 $0x8;
	s2 =	simm.s32 $0x8140;
	v10 =	vld [tilespmem:s0+$0xFFFFFFF0];
	v18 =	vadd.s32 v19, v18  }
.LBB2_42:
0x1d0: {  	s1 =	sadd.s32 $0x8, s1;
	[tilespmem:v15+s15+$0x0] =	vst.idx.msk vm0, v4;
	v4 =	vmov v7;
	v7 =	vld [tilespmem:s2+$0x0]  }
0x1d1: {  	v15 =	vshll.u32 v18, $0x4;
	p1 =	slt.u32 s1, $0x7F8;
	vm6 =	vge.f32 v13, v6;
	vm0 =	vge.f32 v4, v6;
	[tilespmem:v14+s15+$0x0] =	vst.idx.msk vm1, v5;
	v5 =	vld [tilespmem:s0+$0x10]  }
0x1d2: {  	v14 =	vor.u32 v1, v15;
	v15 =	vsel vm6, $0x1, v0;
	vm4 =	vge.f32 v11, v6;
	[tilespmem:v17+s15+$0x0] =	vst.idx.msk vm2, v8  }
0x1d3: {  	v8 =	vadd.s32 v15, v18;
	v15 =	vsel vm4, $0x1, v0;
	vm5 =	vge.f32 v12, v6;
	[tilespmem:v16+s15+$0x0] =	vst.idx.msk vm3, v9  }
0x1d4: {  	v9 =	vshll.u32 v8, $0x4;
	v15 =	vadd.s32 v15, v8;
	v16 =	vsel vm5, $0x1, v0;
	v8 =	vld [tilespmem:s0+$0x20]  }
0x1d5: {  	v17 =	vor.u32 v1, v9;
	v9 =	vshll.u32 v15, $0x4;
	v15 =	vadd.s32 v16, v15  }
0x1d6: {  	v16 =	vor.u32 v1, v9;
	v18 =	vshll.u32 v15, $0x4;
	vm1 =	vge.f32 v5, v6;
	v9 =	vld [tilespmem:s0+$0x30];
	s0 =	smov.u32 s2  }
0x1d7: {  	vm3 =	vge.f32 v10, v6;
	[tilespmem:v14+s15+$0x0] =	vst.idx.msk vm6, v13;
	v18 =	vor.u32 v1, v18  }
0x1d8: {  	v13 =	vsel vm3, $0x1, v0;
	v14 =	vsel vm0, $0x1, v0  }
0x1d9: {  	v19 =	vsel vm1, $0x1, v0;
	v13 =	vadd.s32 v13, v15;
	vm2 =	vge.f32 v8, v6  }
0x1da: {  	[tilespmem:v17+s15+$0x0] =	vst.idx.msk vm4, v11;
	v11 =	vshll.u32 v13, $0x4;
	v13 =	vadd.s32 v14, v13;
	v17 =	vsel vm2, $0x1, v0  }
.Ltmp29:
0x1db: {  	[tilespmem:v16+s15+$0x0] =	vst.idx.msk vm5, v12;
	v15 =	vor.u32 v1, v11;
	v11 =	vshll.u32 v13, $0x4;
	v12 =	vadd.s32 v19, v13;
	(pc) =	sbr.rel @p1 .LBB2_42-.Ltmp29, $4  }
0x1dc: {  	v13 =	vld [tilespmem:s2+$0xFFFFFFC0];
	v14 =	vor.u32 v1, v11;
	v16 =	vshll.u32 v12, $0x4;
	v19 =	vadd.s32 v17, v12  }
0x1dd: {  	v11 =	vld [tilespmem:s2+$0xFFFFFFD0];
	[tilespmem:v18+s15+$0x0] =	vst.idx.msk vm3, v10;
	v17 =	vor.u32 v1, v16;
	vm3 =	vge.f32 v9, v6;
	v10 =	vshll.u32 v19, $0x4  }
0x1de: {  	v12 =	vld [tilespmem:s2+$0xFFFFFFE0];
	v16 =	vor.u32 v1, v10;
	v18 =	vsel vm3, $0x1, v0  }
0x1df: {  	s2 =	sadd.s32 $0x80, s2;
	v10 =	vld [tilespmem:s0+$0xFFFFFFF0];
	v18 =	vadd.s32 v18, v19  }
0x1e0: {  	_ = 	snop  }
0x1e1: {  	v19 =	vld [tilespmem:s0+$0x10];
	vm4 =	vge.f32 v13, v6  }
0x1e2: {  	v21 =	vld [tilespmem:s0+$0x20];
	v20 =	vsel vm4, $0x1, v0;
	vm5 =	vge.f32 v11, v6  }
0x1e3: {  	v23 =	vld [tilespmem:s0+$0x30];
	v20 =	vadd.s32 v20, v18;
	v22 =	vsel vm5, $0x1, v0;
	vm6 =	vge.f32 v12, v6  }
0x1e4: {  	v22 =	vadd.s32 v22, v20;
	v24 =	vsel vm6, $0x1, v0;
	vm8 =	vge.f32 v10, v6  }
0x1e5: {  	vm7 =	vge.f32 v7, v6;
	v24 =	vadd.s32 v24, v22;
	v25 =	vsel vm8, $0x1, v0  }
0x1e6: {  	v26 =	vsel vm7, $0x1, v0;
	vm9 =	vge.f32 v19, v6;
	v25 =	vadd.s32 v25, v24  }
0x1e7: {  	vm10 =	vge.f32 v21, v6;
	v27 =	vsel vm9, $0x1, v0;
	v26 =	vadd.s32 v26, v25  }
0x1e8: {  	vm11 =	vge.f32 v23, v6;
	v28 =	vsel vm10, $0x1, v0;
	v27 =	vadd.s32 v27, v26  }
0x1e9: {  	v6 =	vsel vm11, $0x1, v0;
	v28 =	vadd.s32 v28, v27  }
0x1ea: {  	v6 =	vadd.s32 v6, v28  }
0x1eb: {  	v29 =	vxor.u32 $0x80000000, v6  }
0x1ec: {  	(xrf0) =	vmax.scan.msk.u32 $0xffff, v29;
	_ =	sdelay $0x5  }
0x1ed: {  	v29, _, _ =	vpop (xrf0)  }
0x1ee: {  	(v2sf) =	vpush v29, $0xF;
	_ =	sdelay $0x8  }
0x1ef: {  	v55 =	vshll.u32 v18, $0x4  }
0x1f0: {  	v18 =	vor.u32 v1, v55;
	v20 =	vshll.u32 v20, $0x4  }
0x1f1: {  	[tilespmem:v15+s15+$0x0] =	vst.idx.msk vm0, v4;
	v4 =	vor.u32 v1, v20;
	v56 =	vshll.u32 v22, $0x4  }
0x1f2: {  	[tilespmem:v14+s15+$0x0] =	vst.idx.msk vm1, v5;
	v5 =	vor.u32 v1, v56;
	v57 =	vshll.u32 v24, $0x4  }
0x1f3: {  	[tilespmem:v17+s15+$0x0] =	vst.idx.msk vm2, v8;
	v8 =	vor.u32 v1, v57;
	v58 =	vshll.u32 v25, $0x4  }
0x1f4: {  	[tilespmem:v16+s15+$0x0] =	vst.idx.msk vm3, v9;
	v59 =	vor.u32 v1, v58;
	v60 =	vshll.u32 v26, $0x4  }
0x1f5: {  	[tilespmem:v18+s15+$0x0] =	vst.idx.msk vm4, v13;
	v61 =	vor.u32 v1, v60;
	v62 =	vshll.u32 v27, $0x4;
	s31 =	spop (v2sf)  }
0x1f6: {  	[tilespmem:v4+s15+$0x0] =	vst.idx.msk vm5, v11;
	v4 =	vor.u32 v1, v62;
	v63 =	vshll.u32 v28, $0x4;
	s0 =	sadd.s32 $0x80000001, s31  }
0x1f7: {  	[tilespmem:v5+s15+$0x0] =	vst.idx.msk vm6, v12;
	v5 =	vor.u32 v1, v63;
	p0 =	slt.s32 s0, $0x2  }
.Ltmp30:
0x1f8: {  	[tilespmem:v8+s15+$0x0] =	vst.idx.msk vm8, v10;
	(pc) =	sbr.rel @p0 .LBB2_47-.Ltmp30, $4  }
0x1f9: {  	[tilespmem:v59+s15+$0x0] =	vst.idx.msk vm7, v7  }
0x1fa: {  	[tilespmem:v61+s15+$0x0] =	vst.idx.msk vm9, v19  }
0x1fb: {  	[tilespmem:v4+s15+$0x0] =	vst.idx.msk vm10, v21  }
0x1fc: {  	v4 =	vimm.s32 $0x0;
	[tilespmem:v5+s15+$0x0] =	vst.idx.msk vm11, v23;
	s0 =	sand.u32 $0xFFFFFFFE, s0  }
0x1fd: {  	s1 =	simm.s32 $0x10000  }
0x1fe: {  	v7 =	vld [tilespmem:s1+$0x0]  }
0x1ff: {  	p0 =	sne.s32 s0, $0x1  }
.Ltmp31:
0x200: {  	_ = 	snop;
	(pc) =	sbr.rel @!p0 .LBB2_46-.Ltmp31, $4  }
0x201: {  	_ = 	snop  }
0x202: {  	s2 =	simm.s32 $0x0  }
0x203: {  	s3 =	sadd.s32 $0x82000000, s21;
	v9 =	vmov s2;
	vm0 =	vlt.s32 v7, $0x0;
	v8 =	vsub.s32 $0x80000000, v7  }
0x204: {  	v5 =	vmov s3;
	s2 =	simm.s32 $0x1;
	v7 =	vsel vm0, v8, v7;
	vm0 =	vlt.s32 v9, v6  }
.LBB2_45:
0x205: {  	v8 =	vnsel vm0, $0x80000000, v7;
	vm1 =	vge.s32 v7, v5;
	s3 =	smov.u32 s2;
	s2 =	sadd.s32 $0x1, s2  }
0x206: {  	p0 =	sne.s32 s0, s2;
	[tilespmem:s1+$0x0] =	vst v8;
	vm0 =	vmand vm0, vm1;
	s1 =	sadd.s32 $0x10, s1  }
0x207: {  	v7 =	vld [tilespmem:s1+$0x0];
	v8 =	vsel vm0, $0x1, v0  }
0x208: {  	v4 =	vadd.s32 v8, v4  }
.Ltmp32:
0x209: {  	(pc) =	sbr.rel @p0 .LBB2_45-.Ltmp32, $3  }
0x20a: {  	_ =	sdelay $0x1  }
0x20b: {  	v9 =	vmov s3;
	vm0 =	vlt.s32 v7, $0x0;
	v8 =	vsub.s32 $0x80000000, v7  }
0x20c: {  	v7 =	vsel vm0, v8, v7;
	vm0 =	vlt.s32 v9, v6  }
.LBB2_46:
0x20d: {  	vm1 =	vge.s32 v7, v5  }
0x20e: {  	vm1 =	vmand vm0, vm1  }
0x20f: {  	v5 =	vnsel vm0, $0x80000000, v7;
	v7 =	vsel vm1, $0x1, v0  }
0x210: {  	[tilespmem:s1+$0x0] =	vst v5;
	v4 =	vadd.s32 v7, v4  }
.LBB2_47:
0x211: {  	(xrf0) =	vadd.scan.msk.s32 $0xffff, v4  }
0x212: {  	(xrf0) =	vadd.scan.msk.s32 $0xffff, v6;
	_ =	sdelay $0x4  }
0x213: {  	v4, _, _ =	vpop (xrf0)  }
0x214: {  	(v2sf) =	vpush v4, $0xF;
	v4, _, _ =	vpop (xrf0)  }
0x215: {  	(v2sf) =	vpush v4, $0xF;
	_ =	sdelay $0xd  }
0x216: {  	s1 =	spop (v2sf)  }
0x217: {  	s2 =	spop (v2sf)  }
0x218: {  	p0 =	slt.s32 s2, $0x80  }
0x219: {  	p1 =	slt.s32 @!p0 s1, $0x80  }
0x21a: {  	p1 =	por p0, !p1  }
.Ltmp33:
0x21b: {  	_ = 	snop;
	(pc) =	sbr.rel @!p1 .LBB2_65-.Ltmp33, $1  }
0x21c: {  	_ =	sdelay $0x3  }
0x21d: {  	s1 =	simm.s32 $0x8040  }
0x21e: {  	s1 =	simm.s32 @p0 $0x8040  }
0x21f: {  	v4 =	vld [tilespmem:s1+$0x30]  }
0x220: {  	v5 =	vld [tilespmem:s1+$0xFFFFFFD0]  }
0x221: {  	v6 =	vld [tilespmem:s1+$0xFFFFFFE0]  }
0x222: {  	v7 =	vld [tilespmem:s1+$0xFFFFFFF0];
	_ =	sdelay $0x1  }
0x223: {  	v8 =	vld [tilespmem:s1+$0x0];
	v4 =	vshrl.u32 v4, $0x14  }
0x224: {  	v9 =	vld [tilespmem:s1+$0x10];
	v5 =	vshrl.u32 v5, $0x14;
	v4 =	vand.u32 $0xFF0, v4  }
0x225: {  	s0 =	simm.s32 $0xFFFFFFF8;
	v12 =	vld [tilespmem:s1+$0xFFFFFFC0];
	v6 =	vshrl.u32 v6, $0x14;
	v5 =	vand.u32 $0xFF0, v5;
	v11 =	vor.u32 v1, v4  }
0x226: {  	s0 =	simm.s32 @p0 $0xFFFFFFF8;
	v10 =	vld [tilespmem:s1+$0x20];
	v5 =	vor.u32 v1, v5;
	v4 =	vand.u32 $0xFF0, v6;
	v6 =	vshrl.u32 v7, $0x14  }
0x227: {  	s0 =	sadd.s32 $0x8, s0;
	v7 =	vor.u32 v1, v4;
	v4 =	vand.u32 $0xFF0, v6  }
0x228: {  	p0 =	slt.u32 s0, $0x7F8;
	v6 =	vshrl.u32 v8, $0x14;
	v8 =	vor.u32 v1, v4  }
.Ltmp34:
0x229: {  	_ = 	snop;
	(pc) =	sbr.rel @!p0 .LBB2_50-.Ltmp34, $4  }
0x22a: {  	v62 =	vshrl.u32 v12, $0x14;
	v4 =	vand.u32 $0xFF0, v6;
	v6 =	vshrl.u32 v9, $0x14;
	[tilespmem:v11+s18+$0x0] =	vst.idx.add.s32.msk $0xffff, v2  }
0x22b: {  	v61 =	vshrl.u32 v10, $0x14;
	v63 =	vand.u32 $0xFF0, v62;
	v6 =	vand.u32 $0xFF0, v6;
	[tilespmem:v5+s18+$0x0] =	vst.idx.add.s32.msk $0xffff, v2  }
0x22c: {  	v4 =	vor.u32 v1, v4;
	v5 =	vor.u32 v1, v6;
	v6 =	vand.u32 $0xFF0, v61;
	[tilespmem:v7+s18+$0x0] =	vst.idx.add.s32.msk $0xffff, v2  }
0x22d: {  	s22 =	simm.s32 $0x3;
	s21 =	simm.s32 $0x0;
	s1 =	sadd.s32 $0x80, s1;
	v6 =	vor.u32 v1, v6;
	v7 =	vor.u32 v1, v63;
	[tilespmem:v8+s18+$0x0] =	vst.idx.add.s32.msk $0xffff, v2  }
.LBB2_49:
0x22e: {  	v8 =	vld [tilespmem:s1+$0x30];
	s0 =	sadd.s32 $0x8, s0  }
0x22f: {  	v9 =	vld [tilespmem:s1+$0xFFFFFFD0];
	p1 =	slt.u32 s0, $0x7F8  }
0x230: {  	v10 =	vld [tilespmem:s1+$0xFFFFFFE0]  }
0x231: {  	v11 =	vld [tilespmem:s1+$0xFFFFFFF0]  }
0x232: {  	v12 =	vld [tilespmem:s1+$0x0]  }
0x233: {  	v13 =	vld [tilespmem:s1+$0x10];
	v8 =	vshrl.u32 v8, $0x14  }
0x234: {  	v9 =	vshrl.u32 v9, $0x14;
	v14 =	vld [tilespmem:s1+$0x20];
	v8 =	vand.u32 $0xFF0, v8  }
0x235: {  	v15 =	vld [tilespmem:s1+$0xFFFFFFC0];
	v9 =	vand.u32 $0xFF0, v9;
	v10 =	vshrl.u32 v10, $0x14;
	v8 =	vor.u32 v1, v8  }
0x236: {  	v9 =	vor.u32 v1, v9;
	v10 =	vand.u32 $0xFF0, v10;
	v11 =	vshrl.u32 v11, $0x14;
	[tilespmem:v7+s18+$0x0] =	vst.idx.add.s32.msk $0xffff, v2  }
0x237: {  	v10 =	vor.u32 v1, v10;
	v7 =	vand.u32 $0xFF0, v11;
	v11 =	vshrl.u32 v12, $0x14;
	[tilespmem:v4+s18+$0x0] =	vst.idx.add.s32.msk $0xffff, v2  }
0x238: {  	v12 =	vor.u32 v1, v7;
	v4 =	vand.u32 $0xFF0, v11;
	v7 =	vshrl.u32 v13, $0x14;
	[tilespmem:v5+s18+$0x0] =	vst.idx.add.s32.msk $0xffff, v2  }
.Ltmp35:
0x239: {  	v4 =	vor.u32 v1, v4;
	v5 =	vand.u32 $0xFF0, v7;
	v7 =	vshrl.u32 v14, $0x14;
	[tilespmem:v6+s18+$0x0] =	vst.idx.add.s32.msk $0xffff, v2;
	(pc) =	sbr.rel @p1 .LBB2_49-.Ltmp35, $4  }
0x23a: {  	v6 =	vshrl.u32 v15, $0x14;
	v5 =	vor.u32 v1, v5;
	v7 =	vand.u32 $0xFF0, v7;
	[tilespmem:v8+s18+$0x0] =	vst.idx.add.s32.msk $0xffff, v2  }
0x23b: {  	v8 =	vand.u32 $0xFF0, v6;
	[tilespmem:v9+s18+$0x0] =	vst.idx.add.s32.msk $0xffff, v2;
	v6 =	vor.u32 v1, v7  }
0x23c: {  	v7 =	vor.u32 v1, v8;
	[tilespmem:v10+s18+$0x0] =	vst.idx.add.s32.msk $0xffff, v2  }
0x23d: {  	s1 =	sadd.s32 $0x80, s1;
	[tilespmem:v12+s18+$0x0] =	vst.idx.add.s32.msk $0xffff, v2  }
.LBB2_50:
0x23e: {  	_ =	sdelay $0x1  }
0x23f: {  	s28 =	sadd.s32 $0x4, s22  }
0x240: {  	p0 =	sne.s32 s22, $0xFF;
	s0 =	sadd.s32 $0x7D, s21;
	s25 =	sadd.s32 $0xFFFFFFFD, s22  }
.Ltmp36:
0x241: {  	[tilespmem:v7+s18+$0x0] =	vst.idx.add.s32.msk $0xffff, v2;
	p3 =	slt.u32 s21, $0x20;
	s1 =	sadd.s32 $0x7F, s21;
	(pc) =	sbr.rel @!p0 .LBB2_51-.Ltmp36, $4  }
0x242: {  	[tilespmem:v4+s18+$0x0] =	vst.idx.add.s32.msk $0xffff, v2;
	s2 =	sadd.s32 $0x7E, s21;
	s23 =	sadd.s32 $0xFFFFFFFE, s22;
	s25 =	smov.u32 @p3 s1  }
0x243: {  	[tilespmem:v5+s18+$0x0] =	vst.idx.add.s32.msk $0xffff, v2;
	s30 =	sadd.s32 $0x7C, s21;
	s23 =	smov.u32 @p3 s2;
	s1 =	sshll.u32 s25, $0x6  }
0x244: {  	[tilespmem:v6+s18+$0x0] =	vst.idx.add.s32.msk $0xffff, v2;
	s26 =	sadd.s32 $0xFFFFFFFF, s22;
	s31 =	sshll.u32 s23, $0x6;
	s19 =	sshra.s32 s1, $0x2  }
0x245: {  	p1 =	por $0x0, $0x0;
	p2 =	por $0x0, $0x0;
	s17 =	sshra.s32 s31, $0x2;
	v4 =	vld [tilespmem:s19+$0x18080]  }
0x246: {  	s26 =	smov.u32 @p3 s0  }
0x247: {  	[tilespmem:s19+$0x18080] =	vst v0;
	s22 =	smov.u32 @p3 s30;
	s0 =	sshll.u32 s26, $0x6  }
0x248: {  	v5 =	vld [tilespmem:s17+$0x18080];
	[tilespmem:s17+$0x18080] =	vst v0;
	s1 =	sshll.u32 s22, $0x6;
	s0 =	sshra.s32 s0, $0x2  }
0x249: {  	s1 =	sshra.s32 s1, $0x2;
	v6 =	vld [tilespmem:s0+$0x18080];
	[tilespmem:s0+$0x18080] =	vst v0  }
0x24a: {  	v7 =	vld [tilespmem:s1+$0x18080];
	_ =	sdelay $0x1  }
0x24b: {  	(xrf0) =	vadd.scan.msk.s32 $0xffff, v4  }
0x24c: {  	(xrf0) =	vadd.scan.msk.s32 $0xffff, v5  }
0x24d: {  	(xrf0) =	vadd.scan.msk.s32 $0xffff, v6  }
0x24e: {  	s24 =	sadd.s32 $0x4, s28;
	p0 =	sne.s32 s28, $0xFF;
	(xrf0) =	vadd.scan.msk.s32 $0xffff, v7  }
0x24f: {  	s3 =	sadd.s32 $0xFFFFFFFC, s21;
	s2 =	sadd.s32 $0x1, s21;
	s16 =	sadd.s32 $0xFFFFFFFD, s28  }
.Ltmp37:
0x250: {  	p3 =	slt.u32 s2, $0x20;
	s0 =	sadd.s32 $0x7F, s3;
	(pc) =	sbr.rel @!p0 .LBB2_53-.Ltmp37, $4  }
0x251: {  	s31 =	sadd.s32 $0xFFFFFFFE, s28;
	s4 =	sadd.s32 $0x7E, s3;
	s16 =	smov.u32 @p3 s0;
	v4, _, _ =	vpop (xrf0)  }
0x252: {  	p1 =	por $0x1, $0x1;
	s31 =	smov.u32 @p3 s4;
	s6 =	sshll.u32 s16, $0x6;
	(v2sf) =	vpush v4, $0xF;
	v4, _, _ =	vpop (xrf0)  }
0x253: {  	s30 =	sadd.s32 $0x7C, s3;
	s4 =	sshll.u32 s31, $0x6;
	[tilespmem:s1+$0x18080] =	vst v0;
	s19 =	sshra.s32 s6, $0x2;
	(v2sf) =	vpush v4, $0xF;
	v4, _, _ =	vpop (xrf0)  }
0x254: {  	s0 =	sadd.s32 $0x7D, s3;
	s1 =	sadd.s32 $0xFFFFFFFF, s28;
	s17 =	sshra.s32 s4, $0x2;
	(v2sf) =	vpush v4, $0xF;
	v5, _, _ =	vpop (xrf0);
	v4 =	vld [tilespmem:s19+$0x18080]  }
0x255: {  	_ =	sdelay $0x4  }
0x256: {  	(v2sf) =	vpush v5, $0xF  }
0x257: {  	s4 =	simm.s32 @!p6 $0x0;
	s1 =	smov.u32 @p3 s0;
	s28 =	smov.u32 @p3 s30  }
0x258: {  	s11 =	sadd.s32 $0x4, s24;
	s7 =	sadd.s32 $0x1, s2;
	s9 =	smov.u32 s21  }
0x259: {  	[tilespmem:s19+$0x18080] =	vst v0;
	p2 =	slt.s32 s21, $0x80;
	s2 =	smov.u32 s21;
	s0 =	sshll.u32 s1, $0x6  }
0x25a: {  	s29 =	sadd.s32 $0xFFFFFFFF, s24;
	v5 =	vld [tilespmem:s17+$0x18080];
	[tilespmem:s17+$0x18080] =	vst v0;
	s10 =	sshll.u32 s28, $0x6;
	s0 =	sshra.s32 s0, $0x2  }
0x25b: {  	s4 =	simm.s32 @p6 $0x1;
	p6 =	sne.s32 s24, $0xFF;
	s6 =	sshra.s32 s10, $0x2;
	v6 =	vld [tilespmem:s0+$0x18080];
	[tilespmem:s0+$0x18080] =	vst v0  }
0x25c: {  	p3 =	slt.u32 s7, $0x20;
	[smem:$0x7FD] =	sst s4;
	s4 =	sadd.s32 $0xFFFFFFFC, s3;
	v7 =	vld [tilespmem:s6+$0x18080]  }
0x25d: {  	s0 =	sadd.s32 $0x7D, s4;
	s30 =	sadd.s32 $0x7C, s4;
	(xrf0) =	vadd.scan.msk.s32 $0xffff, v4;
	s17 =	spop (v2sf)  }
0x25e: {  	s8 =	sadd.s32 $0x7E, s4;
	s3 =	sadd.s32 s21, s17;
	s10 =	spop (v2sf)  }
0x25f: {  	(xrf0) =	vadd.scan.msk.s32 $0xffff, v5;
	s17 =	sadd.s32 $0x7F, s4;
	p0 =	sgt.s32 s3, $0x7F;
	s10 =	sadd.s32 s3, s10  }
0x260: {  	(xrf0) =	vadd.scan.msk.s32 $0xffff, v6;
	s19 =	spop (v2sf);
	s9 =	smov.u32 @p0 s25;
	s25 =	sadd.s32 $0xFFFFFFFD, s24  }
0x261: {  	(xrf0) =	vadd.scan.msk.s32 $0xffff, v7;
	p0 =	slt.s32 s3, $0x80;
	p4 =	slt.s32 s10, $0x80;
	s3 =	sadd.s32 s10, s19  }
0x262: {  	s2 =	smov.u32 @p2 s9;
	s9 =	sadd.s32 $0xFFFFFFFE, s24;
	p2 =	sgt.s32 s10, $0x7F  }
.Ltmp38:
0x263: {  	v4, _, _ =	vpop (xrf0);
	s25 =	smov.u32 @p3 s17;
	s5 =	smov.u32 s2;
	(pc) =	sbr.rel @!p6 .LBB2_55-.Ltmp38, $4  }
0x264: {  	(v2sf) =	vpush v4, $0xF;
	p5 =	sgt.s32 s3, $0x7F;
	s5 =	smov.u32 @p2 s23;
	s23 =	smov.u32 s9  }
0x265: {  	v4, _, _ =	vpop (xrf0);
	s10 =	sshll.u32 s25, $0x6;
	s9 =	spop (v2sf);
	s23 =	smov.u32 @p3 s8  }
0x266: {  	[tilespmem:s6+$0x18080] =	vst v0;
	(v2sf) =	vpush v4, $0xF;
	v4, _, _ =	vpop (xrf0);
	s19 =	sshra.s32 s10, $0x2;
	p2 =	por $0x1, $0x1;
	s17 =	sshll.u32 s23, $0x6  }
0x267: {  	(v2sf) =	vpush v4, $0xF;
	v5, _, _ =	vpop (xrf0);
	v4 =	vld [tilespmem:s19+$0x18080];
	s2 =	smov.u32 @p0 s5;
	s8 =	sadd.s32 s3, s9;
	s17 =	sshra.s32 s17, $0x2  }
.LBB2_56:
0x268: {  	s5 =	smov.u32 s2  }
0x269: {  	p0 =	sgt.s32 s8, $0x7F;
	s6 =	smov.u32 s16;
	s24 =	smov.u32 @p3 s30  }
0x26a: {  	s5 =	smov.u32 @p5 s26;
	s26 =	smov.u32 s1;
	s1 =	smov.u32 s29  }
0x26b: {  	[tilespmem:s19+$0x18080] =	vst v0;
	(v2sf) =	vpush v5, $0xF;
	s1 =	smov.u32 @p3 s0;
	s0 =	smov.u32 s11;
	s2 =	smov.u32 @p4 s5  }
0x26c: {  	p4 =	slt.s32 s3, $0x80;
	v5 =	vld [tilespmem:s17+$0x18080];
	s9 =	sshll.u32 s1, $0x6;
	s5 =	smov.u32 s2  }
0x26d: {  	p6 =	sne.s32 s11, $0xFF;
	[tilespmem:s17+$0x18080] =	vst v0;
	s3 =	sshra.s32 s9, $0x2;
	s5 =	smov.u32 @p0 s22  }
0x26e: {  	s10 =	sshll.u32 s24, $0x6;
	s9 =	sadd.s32 $0x4, s11;
	v6 =	vld [tilespmem:s3+$0x18080];
	s2 =	smov.u32 @p4 s5  }
0x26f: {  	s16 =	smov.u32 s25;
	s22 =	smov.u32 s28;
	[tilespmem:s3+$0x18080] =	vst v0;
	s3 =	sshra.s32 s10, $0x2;
	(xrf0) =	vadd.scan.msk.s32 $0xffff, v4  }
0x270: {  	s4 =	sadd.s32 $0xFFFFFFFC, s4;
	s28 =	smov.u32 s24;
	s24 =	smov.u32 s0;
	v4 =	vld [tilespmem:s3+$0x18080]  }
0x271: {  	s7 =	sadd.s32 $0x1, s7;
	[tilespmem:s3+$0x18080] =	vst v0;
	(xrf0) =	vadd.scan.msk.s32 $0xffff, v5;
	s3 =	smov.u32 s31;
	s31 =	smov.u32 s23  }
0x272: {  	s30 =	sadd.s32 $0x7C, s4;
	p3 =	slt.s32 s8, $0x80;
	s0 =	sadd.s32 $0x7D, s4  }
0x273: {  	s5 =	sadd.s32 $0x7E, s4;
	s29 =	sadd.s32 $0xFFFFFFFF, s24;
	(xrf0) =	vadd.scan.msk.s32 $0xffff, v6;
	s10 =	spop (v2sf)  }
0x274: {  	s25 =	sadd.s32 $0xFFFFFFFD, s24;
	s23 =	sadd.s32 $0xFFFFFFFE, s24;
	s10 =	sadd.s32 s8, s10  }
0x275: {  	s11 =	smov.u32 s2;
	p0 =	sgt.s32 s10, $0x7F;
	s8 =	spop (v2sf)  }
0x276: {  	v5, _, _ =	vpop (xrf0);
	(xrf0) =	vadd.scan.msk.s32 $0xffff, v4;
	s11 =	smov.u32 @p0 s6;
	s6 =	sadd.s32 s10, s8;
	p0 =	slt.s32 s10, $0x80  }
0x277: {  	(v2sf) =	vpush v5, $0xF;
	s10 =	sadd.s32 $0x7F, s4;
	s2 =	smov.u32 @p3 s11;
	p5 =	sgt.s32 s6, $0x7F  }
0x278: {  	v4, _, _ =	vpop (xrf0);
	s8 =	spop (v2sf);
	p3 =	slt.u32 s7, $0x20;
	p4 =	slt.s32 s6, $0x80  }
.Ltmp39:
0x279: {  	(v2sf) =	vpush v4, $0xF;
	s25 =	smov.u32 @p3 s10;
	s10 =	smov.u32 s2;
	(pc) =	sbr.rel @p6 .LBB2_56-.Ltmp39, $4  }
0x27a: {  	s11 =	smov.u32 s9;
	v4, _, _ =	vpop (xrf0);
	s10 =	smov.u32 @p5 s3;
	s3 =	sadd.s32 s6, s8  }
0x27b: {  	s23 =	smov.u32 @p3 s5;
	s6 =	sshll.u32 s25, $0x6;
	(v2sf) =	vpush v4, $0xF;
	s5 =	spop (v2sf)  }
0x27c: {  	s19 =	sshra.s32 s6, $0x2;
	s6 =	sshll.u32 s23, $0x6;
	p5 =	sgt.s32 s3, $0x7F;
	v5, _, _ =	vpop (xrf0)  }
0x27d: {  	s2 =	smov.u32 @p0 s10;
	s17 =	sshra.s32 s6, $0x2;
	s8 =	sadd.s32 s3, s5;
	v4 =	vld [tilespmem:s19+$0x18080]  }
0x27e: {  	s9 =	smov.u32 s31;
	s31 =	sld [smem:$0x7FD];
	_ =	sdelay $0x1  }
0x27f: {  	s4 =	smov.u32 s26;
	s7 =	smov.u32 s22;
	s26 =	smov.u32 s1  }
0x280: {  	s11 =	smov.u32 s16;
	s22 =	smov.u32 s28;
	p6 =	seq.s32 s31, $0x1  }
.LBB2_58:
0x281: {  	[tilespmem:s19+$0x18080] =	vst v0  }
0x282: {  	s29 =	smov.u32 @p3 s0;
	v6 =	vld [tilespmem:s17+$0x18080]  }
0x283: {  	s0 =	sshll.u32 s29, $0x6  }
0x284: {  	(xrf0) =	vadd.scan.msk.s32 $0xffff, v4;
	[tilespmem:s17+$0x18080] =	vst v0;
	s0 =	sshra.s32 s0, $0x2  }
0x285: {  	(v2sf) =	vpush @p1 v5, $0xF;
	s24 =	smov.u32 @p3 s30;
	v4 =	vld [tilespmem:s0+$0x18080]  }
0x286: {  	p0 =	por !p5, !p2;
	s1 =	sshll.u32 s24, $0x6  }
0x287: {  	s5 =	smov.u32 @p1 s11;
	p3 =	por !p4, !p2;
	s19 =	sshra.s32 s1, $0x2;
	[tilespmem:s0+$0x18080] =	vst v0;
	(xrf0) =	vadd.scan.msk.s32 $0xffff, v6  }
0x288: {  	s6 =	smov.u32 s21;
	s4 =	smov.u32 @p0 s2;
	p0 =	sgt.s32 @p2 s8, $0x7F;
	v5 =	vld [tilespmem:s19+$0x18080]  }
0x289: {  	s1 =	smov.u32 @p1 s26;
	s4 =	smov.u32 @p3 s2;
	p0 =	por !p0, !p2  }
0x28a: {  	p3 =	slt.s32 @p2 s3, $0x80;
	s3 =	smov.u32 @p1 s9;
	s7 =	smov.u32 @p0 s4;
	(xrf0) =	vadd.scan.msk.s32 $0xffff, v4;
	v4, _, _ =	vpop (xrf0)  }
0x28b: {  	p0 =	por !p3, !p2;
	s1 =	smov.u32 @p1 s1;
	s2 =	spop @p1 (v2sf);
	(v2sf) =	vpush v4, $0xF  }
0x28c: {  	s7 =	smov.u32 @p0 s4;
	p0 =	slt.s32 @p1 s8, $0x80;
	s2 =	sadd.s32 @p1 s8, s2  }
0x28d: {  	s6 =	smov.u32 @p2 s7;
	p3 =	sgt.s32 @p1 s2, $0x7F;
	s4 =	spop @p1 (v2sf);
	(xrf0) =	vadd.scan.msk.s32 $0xffff, v5;
	v4, _, _ =	vpop (xrf0)  }
0x28e: {  	p0 =	por !p0, !p1;
	p2 =	por !p3, !p1;
	s4 =	sadd.s32 @p1 s2, s4;
	(v2sf) =	vpush v4, $0xF  }
0x28f: {  	p3 =	slt.s32 @p1 s2, $0x80;
	s5 =	smov.u32 @p2 s6;
	p2 =	sgt.s32 @p1 s4, $0x7F  }
0x290: {  	s5 =	smov.u32 @p0 s6;
	s6 =	spop @p1 (v2sf);
	p0 =	por !p2, !p1;
	v4, _, _ =	vpop (xrf0)  }
0x291: {  	p3 =	por !p3, !p1;
	s3 =	smov.u32 @p0 s5;
	s2 =	sadd.s32 @p1 s4, s6;
	(v2sf) =	vpush v4, $0xF  }
0x292: {  	p0 =	slt.s32 @p1 s4, $0x80;
	p2 =	sgt.s32 @p1 s2, $0x7F;
	s3 =	smov.u32 @p3 s5  }
0x293: {  	s5 =	smov.u32 s21;
	p2 =	por @!p1 p0, p0;
	s3 =	smov.u32 @p1 s3;
	v4, _, _ =	vpop (xrf0)  }
0x294: {  	p0 =	por @!p1 p0, p0;
	p2 =	por !p2, !p1;
	s6 =	spop @p1 (v2sf);
	(v2sf) =	vpush v4, $0xF  }
0x295: {  	p0 =	por !p0, !p1;
	s1 =	smov.u32 @p2 s3;
	s4 =	sadd.s32 @p1 s2, s6  }
0x296: {  	s1 =	smov.u32 @p0 s3;
	s5 =	smov.u32 @p1 s4  }
0x297: {  	s6 =	smov.u32 @p1 s22;
	s2 =	smov.u32 @p1 s2;
	p2 =	sgt.s32 @p1 s5, $0x7F  }
0x298: {  	s4 =	smov.u32 @p1 s6;
	p0 =	slt.s32 @p1 s2, $0x80;
	p2 =	por !p2, !p1  }
0x299: {  	p0 =	por !p0, !p1;
	s4 =	smov.u32 @p2 s1  }
0x29a: {  	s4 =	smov.u32 @p0 s1;
	s22 =	spop (v2sf)  }
0x29b: {  	s21 =	smov.u32 @p1 s4;
	s1 =	sadd.s32 s5, s22  }
0x29c: {  	s2 =	smov.u32 s21;
	p0 =	sgt.s32 s1, $0x7F  }
0x29d: {  	p1 =	slt.s32 s5, $0x80;
	s2 =	smov.u32 @p0 s25;
	s26 =	spop (v2sf)  }
0x29e: {  	s21 =	smov.u32 @p1 s2;
	s3 =	sadd.s32 s1, s26  }
0x29f: {  	s2 =	smov.u32 s21;
	p0 =	sgt.s32 s3, $0x7F  }
0x2a0: {  	p1 =	slt.s32 s1, $0x80;
	s28 =	spop (v2sf);
	s2 =	smov.u32 @p0 s23  }
0x2a1: {  	s1 =	sadd.s32 s3, s28;
	s21 =	smov.u32 @p1 s2  }
0x2a2: {  	p0 =	sgt.s32 s1, $0x7F;
	s2 =	smov.u32 s21  }
0x2a3: {  	s30 =	spop (v2sf);
	p1 =	slt.s32 s3, $0x80;
	s2 =	smov.u32 @p0 s29  }
0x2a4: {  	s3 =	sadd.s32 s1, s30;
	s21 =	smov.u32 @p1 s2  }
0x2a5: {  	p0 =	sgt.s32 s3, $0x7F;
	s2 =	smov.u32 s21  }
0x2a6: {  	p1 =	slt.s32 s1, $0x80;
	s2 =	smov.u32 @p0 s24  }
0x2a7: {  	s21 =	smov.u32 @p1 s2  }
0x2a8: {  	s1 =	sshll.u32 s21, $0x18  }
0x2a9: {  	s31 =	simm.s32 $0x8040;
	[tilespmem:s19+$0x18080] =	vst v0;
	p0 =	seq.s32 s21, $0xFF;
	s0 =	sor.u32 $0xFFFFFF, s1  }
0x2aa: {  	v7 =	vld [tilespmem:s31+$0xFFFFFFC0];
	p1 =	slt.s32 s21, $0x80;
	s0 =	simm.s32 @p0 $0xFF800000  }
0x2ab: {  	v10 =	vld [tilespmem:s31+$0xFFFFFFD0];
	s0 =	smov.u32 @p1 s1  }
0x2ac: {  	v4 =	vmov s0  }
0x2ad: {  	v11 =	vld [tilespmem:s31+$0xFFFFFFE0];
	v6 =	vbroadcast v4, $0x0  }
0x2ae: {  	v12 =	vld [tilespmem:s31+$0xFFFFFFF0]  }
0x2af: {  	v8 =	vimm.s32 $0x0;
	v5 =	vld [tilespmem:s31+$0x10];
	vm2 =	vge.f32 v7, v6  }
0x2b0: {  	v9 =	vshll.u32 v8, $0x4;
	v4 =	vld [tilespmem:s31+$0x0];
	vm3 =	vge.f32 v10, v6;
	v13 =	vsel vm2, $0x1, v0  }
0x2b1: {  	v14 =	vor.u32 v1, v9;
	v9 =	vsel vm3, $0x1, v0;
	v8 =	vadd.s32 v13, v8  }
0x2b2: {  	vm4 =	vge.f32 v11, v6;
	v13 =	vshll.u32 v8, $0x4;
	v9 =	vadd.s32 v9, v8;
	v8 =	vld [tilespmem:s31+$0x20]  }
0x2b3: {  	v15 =	vsel vm4, $0x1, v0;
	v13 =	vor.u32 v1, v13;
	v16 =	vshll.u32 v9, $0x4  }
0x2b4: {  	vm1 =	vge.f32 v5, v6;
	v15 =	vadd.s32 v15, v9;
	v16 =	vor.u32 v1, v16  }
0x2b5: {  	vm5 =	vge.f32 v12, v6;
	vm0 =	vge.f32 v4, v6;
	v17 =	vshll.u32 v15, $0x4  }
0x2b6: {  	v18 =	vsel vm5, $0x1, v0;
	v9 =	vld [tilespmem:s31+$0x30];
	v19 =	vsel vm0, $0x1, v0;
	v17 =	vor.u32 v1, v17  }
0x2b7: {  	[tilespmem:v14+s15+$0x0] =	vst.idx.msk vm2, v7;
	v14 =	vadd.s32 v18, v15;
	v18 =	vsel vm1, $0x1, v0;
	vm2 =	vge.f32 v8, v6  }
0x2b8: {  	s0 =	simm.s32 $0x80C0;
	[tilespmem:v13+s15+$0x0] =	vst.idx.msk vm3, v10;
	v10 =	vshll.u32 v14, $0x4;
	v13 =	vadd.s32 v19, v14;
	v19 =	vsel vm2, $0x1, v0  }
0x2b9: {  	v7 =	vld [tilespmem:s0+$0x0];
	[tilespmem:v16+s15+$0x0] =	vst.idx.msk vm4, v11;
	v15 =	vor.u32 v1, v10;
	v10 =	vshll.u32 v13, $0x4;
	v16 =	vadd.s32 v18, v13  }
0x2ba: {  	v13 =	vld [tilespmem:s0+$0xFFFFFFC0];
	v14 =	vor.u32 v1, v10;
	v18 =	vadd.s32 v19, v16;
	v10 =	vshll.u32 v16, $0x4  }
0x2bb: {  	vm3 =	vge.f32 v9, v6;
	v11 =	vld [tilespmem:s0+$0xFFFFFFD0];
	[tilespmem:v17+s15+$0x0] =	vst.idx.msk vm5, v12;
	v16 =	vshll.u32 v18, $0x4;
	v17 =	vor.u32 v1, v10  }
0x2bc: {  	v12 =	vld [tilespmem:s0+$0xFFFFFFE0];
	v19 =	vsel vm3, $0x1, v0;
	v16 =	vor.u32 v1, v16  }
0x2bd: {  	s2 =	simm.s32 $0x8140;
	s1 =	simm.s32 $0x8;
	v10 =	vld [tilespmem:s0+$0xFFFFFFF0];
	v18 =	vadd.s32 v19, v18  }
.LBB2_59:
0x2be: {  	s1 =	sadd.s32 $0x8, s1;
	[tilespmem:v15+s15+$0x0] =	vst.idx.msk vm0, v4;
	v4 =	vmov v7;
	v7 =	vld [tilespmem:s2+$0x0]  }
0x2bf: {  	v15 =	vshll.u32 v18, $0x4;
	p2 =	slt.u32 s1, $0x7F8;
	vm6 =	vge.f32 v13, v6;
	vm0 =	vge.f32 v4, v6;
	[tilespmem:v14+s15+$0x0] =	vst.idx.msk vm1, v5;
	v5 =	vld [tilespmem:s0+$0x10]  }
0x2c0: {  	v14 =	vor.u32 v1, v15;
	v15 =	vsel vm6, $0x1, v0;
	vm4 =	vge.f32 v11, v6;
	[tilespmem:v17+s15+$0x0] =	vst.idx.msk vm2, v8  }
0x2c1: {  	v8 =	vadd.s32 v15, v18;
	v15 =	vsel vm4, $0x1, v0;
	vm5 =	vge.f32 v12, v6;
	[tilespmem:v16+s15+$0x0] =	vst.idx.msk vm3, v9  }
0x2c2: {  	v9 =	vshll.u32 v8, $0x4;
	v15 =	vadd.s32 v15, v8;
	v16 =	vsel vm5, $0x1, v0;
	v8 =	vld [tilespmem:s0+$0x20]  }
0x2c3: {  	v17 =	vor.u32 v1, v9;
	v9 =	vshll.u32 v15, $0x4;
	v15 =	vadd.s32 v16, v15  }
0x2c4: {  	v16 =	vor.u32 v1, v9;
	v18 =	vshll.u32 v15, $0x4;
	vm1 =	vge.f32 v5, v6;
	v9 =	vld [tilespmem:s0+$0x30];
	s0 =	smov.u32 s2  }
0x2c5: {  	vm3 =	vge.f32 v10, v6;
	[tilespmem:v14+s15+$0x0] =	vst.idx.msk vm6, v13;
	v18 =	vor.u32 v1, v18  }
0x2c6: {  	v13 =	vsel vm3, $0x1, v0;
	v14 =	vsel vm0, $0x1, v0  }
0x2c7: {  	v19 =	vsel vm1, $0x1, v0;
	v13 =	vadd.s32 v13, v15;
	vm2 =	vge.f32 v8, v6  }
0x2c8: {  	[tilespmem:v17+s15+$0x0] =	vst.idx.msk vm4, v11;
	v11 =	vshll.u32 v13, $0x4;
	v13 =	vadd.s32 v14, v13;
	v17 =	vsel vm2, $0x1, v0  }
.Ltmp40:
0x2c9: {  	[tilespmem:v16+s15+$0x0] =	vst.idx.msk vm5, v12;
	v15 =	vor.u32 v1, v11;
	v11 =	vshll.u32 v13, $0x4;
	v12 =	vadd.s32 v19, v13;
	(pc) =	sbr.rel @p2 .LBB2_59-.Ltmp40, $4  }
0x2ca: {  	v13 =	vld [tilespmem:s2+$0xFFFFFFC0];
	v14 =	vor.u32 v1, v11;
	v16 =	vshll.u32 v12, $0x4;
	v19 =	vadd.s32 v17, v12  }
0x2cb: {  	v11 =	vld [tilespmem:s2+$0xFFFFFFD0];
	[tilespmem:v18+s15+$0x0] =	vst.idx.msk vm3, v10;
	v17 =	vor.u32 v1, v16;
	vm3 =	vge.f32 v9, v6;
	v10 =	vshll.u32 v19, $0x4  }
0x2cc: {  	v12 =	vld [tilespmem:s2+$0xFFFFFFE0];
	v16 =	vor.u32 v1, v10;
	v18 =	vsel vm3, $0x1, v0  }
0x2cd: {  	s2 =	sadd.s32 $0x80, s2;
	v10 =	vld [tilespmem:s0+$0xFFFFFFF0];
	v18 =	vadd.s32 v18, v19  }
0x2ce: {  	_ = 	snop  }
0x2cf: {  	v19 =	vld [tilespmem:s0+$0x10];
	vm4 =	vge.f32 v13, v6  }
0x2d0: {  	v21 =	vld [tilespmem:s0+$0x20];
	v20 =	vsel vm4, $0x1, v0;
	vm5 =	vge.f32 v11, v6  }
0x2d1: {  	v23 =	vld [tilespmem:s0+$0x30];
	v20 =	vadd.s32 v20, v18;
	v22 =	vsel vm5, $0x1, v0;
	vm6 =	vge.f32 v12, v6  }
0x2d2: {  	v22 =	vadd.s32 v22, v20;
	v24 =	vsel vm6, $0x1, v0;
	vm8 =	vge.f32 v10, v6  }
0x2d3: {  	vm7 =	vge.f32 v7, v6;
	v24 =	vadd.s32 v24, v22;
	v25 =	vsel vm8, $0x1, v0  }
0x2d4: {  	v26 =	vsel vm7, $0x1, v0;
	vm9 =	vge.f32 v19, v6;
	v25 =	vadd.s32 v25, v24  }
0x2d5: {  	vm10 =	vge.f32 v21, v6;
	v27 =	vsel vm9, $0x1, v0;
	v26 =	vadd.s32 v26, v25  }
0x2d6: {  	vm11 =	vge.f32 v23, v6;
	v28 =	vsel vm10, $0x1, v0;
	v27 =	vadd.s32 v27, v26  }
0x2d7: {  	v6 =	vsel vm11, $0x1, v0;
	v28 =	vadd.s32 v28, v27  }
0x2d8: {  	v6 =	vadd.s32 v6, v28  }
0x2d9: {  	v29 =	vxor.u32 $0x80000000, v6  }
0x2da: {  	(xrf0) =	vmax.scan.msk.u32 $0xffff, v29;
	_ =	sdelay $0x5  }
0x2db: {  	v29, _, _ =	vpop (xrf0)  }
0x2dc: {  	(v2sf) =	vpush v29, $0xF;
	_ =	sdelay $0x8  }
0x2dd: {  	v55 =	vshll.u32 v18, $0x4  }
0x2de: {  	v18 =	vor.u32 v1, v55;
	v20 =	vshll.u32 v20, $0x4  }
0x2df: {  	[tilespmem:v15+s15+$0x0] =	vst.idx.msk vm0, v4;
	v4 =	vor.u32 v1, v20;
	v56 =	vshll.u32 v22, $0x4  }
0x2e0: {  	[tilespmem:v14+s15+$0x0] =	vst.idx.msk vm1, v5;
	v5 =	vor.u32 v1, v56;
	v57 =	vshll.u32 v24, $0x4  }
0x2e1: {  	[tilespmem:v17+s15+$0x0] =	vst.idx.msk vm2, v8;
	v8 =	vor.u32 v1, v57;
	v58 =	vshll.u32 v25, $0x4  }
0x2e2: {  	[tilespmem:v16+s15+$0x0] =	vst.idx.msk vm3, v9;
	v59 =	vor.u32 v1, v58;
	v60 =	vshll.u32 v26, $0x4  }
0x2e3: {  	[tilespmem:v18+s15+$0x0] =	vst.idx.msk vm4, v13;
	v61 =	vor.u32 v1, v60;
	v62 =	vshll.u32 v27, $0x4;
	s31 =	spop (v2sf)  }
0x2e4: {  	[tilespmem:v4+s15+$0x0] =	vst.idx.msk vm5, v11;
	v4 =	vor.u32 v1, v62;
	v63 =	vshll.u32 v28, $0x4;
	s0 =	sadd.s32 $0x80000001, s31  }
0x2e5: {  	[tilespmem:v5+s15+$0x0] =	vst.idx.msk vm6, v12;
	v5 =	vor.u32 v1, v63;
	p0 =	slt.s32 s0, $0x2  }
.Ltmp41:
0x2e6: {  	[tilespmem:v8+s15+$0x0] =	vst.idx.msk vm8, v10;
	(pc) =	sbr.rel @p0 .LBB2_64-.Ltmp41, $4  }
0x2e7: {  	[tilespmem:v59+s15+$0x0] =	vst.idx.msk vm7, v7  }
0x2e8: {  	[tilespmem:v61+s15+$0x0] =	vst.idx.msk vm9, v19  }
0x2e9: {  	[tilespmem:v4+s15+$0x0] =	vst.idx.msk vm10, v21  }
0x2ea: {  	[tilespmem:v5+s15+$0x0] =	vst.idx.msk vm11, v23;
	s0 =	sand.u32 $0xFFFFFFFE, s0  }
0x2eb: {  	s1 =	simm.s32 $0x10000  }
0x2ec: {  	v4 =	vld [tilespmem:s1+$0x0];
	_ =	sdelay $0x1  }
0x2ed: {  	p0 =	sne.s32 s0, $0x1  }
.Ltmp42:
0x2ee: {  	_ = 	snop;
	(pc) =	sbr.rel @!p0 .LBB2_63-.Ltmp42, $4  }
0x2ef: {  	s2 =	simm.s32 $0x0  }
0x2f0: {  	v7 =	vmov s2;
	vm0 =	vlt.s32 v4, $0x0;
	v5 =	vsub.s32 $0x80000000, v4  }
0x2f1: {  	vm15 =	vlt.s32 v7, v6;
	v4 =	vsel vm0, v5, v4  }
0x2f2: {  	s2 =	simm.s32 $0x1;
	v4 =	vnsel vm15, $0x80000000, v4  }
.LBB2_62:
0x2f3: {  	[tilespmem:s1+$0x0] =	vst v4;
	s1 =	sadd.s32 $0x10, s1;
	s3 =	smov.u32 s2;
	s2 =	sadd.s32 $0x1, s2  }
0x2f4: {  	v4 =	vld [tilespmem:s1+$0x0];
	p0 =	sne.s32 s0, s2;
	_ =	sdelay $0x2  }
.Ltmp43:
0x2f5: {  	(pc) =	sbr.rel @p0 .LBB2_62-.Ltmp43, $4  }
0x2f6: {  	_ = 	snop  }
0x2f7: {  	v7 =	vmov s3;
	vm0 =	vlt.s32 v4, $0x0;
	v5 =	vsub.s32 $0x80000000, v4  }
0x2f8: {  	v4 =	vsel vm0, v5, v4;
	vm0 =	vlt.s32 v7, v6  }
0x2f9: {  	v4 =	vnsel vm0, $0x80000000, v4  }
.LBB2_63:
0x2fa: {  	[tilespmem:s1+$0x0] =	vst v4  }
.LBB2_64:
0x2fb: {  	s1 =	sadd.s32 $0x80, s21;
	s2 =	ssub.s32 $0xFF, s21  }
0x2fc: {  	s2 =	smov.u32 @p1 s1  }
0x2fd: {  	p0 =	slt.s32 s2, $0xFE  }
0x2fe: {  	s2 =	simm.s32 @!p0 $0xFE  }
0x2ff: {  	s21 =	sshll.u32 s2, $0x18  }
.LBB2_65:
.Ltmp44:
0x300: {  	(pc) =	sbr.rel .LBB2_66-.Ltmp44, $3  }
0x301: {  	_ =	sdelay $0x1  }
0x302: {  	s1 =	sor.u32 $0x1, s20;
	s3 =	sshra.s32 s0, $0x1  }
0x303: {  	s2 =	simm.s32 $0x0;
	s4 =	simm.s32 $0x0;
	p1 =	slt.s32 s3, $0x1  }
.LBB2_69:
0x304: {  	v7 =	vsel vm0, $0x1, v0;
	vm15 =	vge.s32 v6, v5  }
0x305: {  	v4 =	vadd.s32 v7, v4;
	v5 =	vsel vm15, $0x1, v0  }
0x306: {  	v4 =	vadd.s32 v5, v4  }
.LBB2_70:
0x307: {  	(xrf0) =	vadd.scan.msk.s32 $0xffff, v4;
	_ =	sdelay $0x5  }
0x308: {  	v4, _, _ =	vpop (xrf0)  }
0x309: {  	(v2sf) =	vpush v4, $0xF;
	_ =	sdelay $0xa  }
0x30a: {  	s4 =	sadd.s32 $0x1, s4  }
0x30b: {  	p2 =	sne.s32 s4, $0x19  }
.Ltmp45:
0x30c: {  	_ = 	snop;
	(pc) =	sbr.rel @!p2 .LBB2_71-.Ltmp45, $4  }
0x30d: {  	_ = 	snop  }
0x30e: {  	s5 =	spop (v2sf)  }
0x30f: {  	p0 =	sgt.s32 s5, $0x7F  }
0x310: {  	s2 =	smov.u32 @p0 s7  }
.LBB2_66:
.Ltmp46:
0x311: {  	(pc) =	sbr.rel @p1 .LBB2_70-.Ltmp46, $3  }
0x312: {  	_ =	sdelay $0x1  }
0x313: {  	s5 =	sshrl.u32 s13, s4  }
0x314: {  	v4 =	vimm.s32 $0x0;
	s7 =	sor.u32 s5, s2  }
0x315: {  	s5 =	simm.s32 $0x10010  }
0x316: {  	p0 =	sne.s32 s3, $0x1;
	v7 =	vld [tilespmem:s5+$0xFFFFFFF0]  }
.Ltmp47:
0x317: {  	v6 =	vld [tilespmem:s5+$0x0];
	(pc) =	sbr.rel @!p0 .LBB2_69-.Ltmp47, $4  }
0x318: {  	s6 =	sadd.s32 s21, s7  }
0x319: {  	s6 =	sxor.u32 $0x80000000, s6  }
0x31a: {  	v5 =	vmov s6  }
0x31b: {  	s8 =	sadd.s32 $0xFFFFFFFF, s3;
	s9 =	simm.s32 $0x10030;
	vm0 =	vge.s32 v7, v5  }
.LBB2_68:
0x31c: {  	v7 =	vld [tilespmem:s9+$0xFFFFFFF0];
	p0 =	sne.s32 s8, $0x1;
	s8 =	sadd.s32 $0xFFFFFFFF, s8;
	v8 =	vsel vm0, $0x1, v0;
	vm0 =	vge.s32 v6, v5  }
.Ltmp48:
0x31d: {  	v6 =	vld [tilespmem:s9+$0x0];
	v4 =	vadd.s32 v8, v4;
	v8 =	vsel vm0, $0x1, v0;
	(pc) =	sbr.rel @p0 .LBB2_68-.Ltmp48, $2  }
0x31e: {  	v4 =	vadd.s32 v8, v4;
	_ =	sdelay $0x2  }
0x31f: {  	s9 =	sadd.s32 $0x20, s9;
	vm0 =	vge.s32 v7, v5  }
.Ltmp49:
0x320: {  	_ = 	snop;
	(pc) =	sbr.rel .LBB2_69-.Ltmp49, $1  }
0x321: {  	_ =	sdelay $0x3  }
.LBB2_71:
0x322: {  	p0 =	slt.s32 s0, $0x1  }
.Ltmp50:
0x323: {  	_ = 	snop;
	(pc) =	sbr.rel @p0 .LBB2_75-.Ltmp50, $4  }
0x324: {  	_ = 	snop  }
0x325: {  	s2 =	sadd.s32 s21, s2  }
0x326: {  	s3 =	sxor.u32 $0x80000000, s2  }
0x327: {  	v5 =	vimm.f32 $0.0e+00;
	v6 =	vimm.s32 $0x0;
	v4 =	vmov s3;
	s3 =	simm.s32 $0x10000  }
0x328: {  	v7 =	vld [tilespmem:s3+$0x0];
	p0 =	sne.s32 s0, $0x1  }
.Ltmp51:
0x329: {  	_ = 	snop;
	(pc) =	sbr.rel @!p0 .LBB2_74-.Ltmp51, $2  }
0x32a: {  	_ =	sdelay $0x2  }
0x32b: {  	s0 =	sadd.s32 $0xFFFFFFFF, s0;
	s3 =	sadd.s32 $0x10, s3;
	vm0 =	vlt.s32 v7, $0x0;
	v8 =	vsub.s32 $0x80000000, v7  }
.LBB2_73:
0x32c: {  	p0 =	sne.s32 s0, $0x1;
	s0 =	sadd.s32 $0xFFFFFFFF, s0;
	vm1 =	vgt.s32 v7, v4;
	v8 =	vsel vm0, v8, v7;
	v7 =	vld [tilespmem:s3+$0x0]  }
.Ltmp52:
0x32d: {  	v8 =	vnsel vm1, $0x0, v8;
	v9 =	vsel vm1, $0x1, v0;
	(pc) =	sbr.rel @p0 .LBB2_73-.Ltmp52, $2  }
0x32e: {  	v5 =	vadd.f32 v8, v5;
	v6 =	vadd.s32 v9, v6;
	_ =	sdelay $0x2  }
0x32f: {  	s3 =	sadd.s32 $0x10, s3;
	vm0 =	vlt.s32 v7, $0x0;
	v8 =	vsub.s32 $0x80000000, v7  }
.LBB2_74:
0x330: {  	vm1 =	vgt.s32 v7, v4;
	v7 =	vsel vm0, v8, v7  }
0x331: {  	v7 =	vnsel vm1, $0x0, v7;
	v8 =	vsel vm1, $0x1, v0  }
0x332: {  	v5 =	vadd.f32 v7, v5;
	v6 =	vadd.s32 v8, v6  }
.LBB2_75:
0x333: {  	(xrf0) =	vadd.scan.msk.s32 $0xffff, v6;
	_ =	sdelay $0x5  }
0x334: {  	v6, _, _ =	vpop (xrf0)  }
0x335: {  	(v2sf) =	vpush v6, $0xF;
	_ =	sdelay $0x7  }
0x336: {  	(xrf2) =	vadd.scan.msk.f32 $0xffff, v5;
	_ =	sdelay $0x6  }
0x337: {  	v5 =	vsub.s32 $0x80000000, v4;
	s0 =	spop (v2sf)  }
0x338: {  	s0 =	ssub.s32 $0x80, s0  }
0x339: {  	vm0 =	vlt.s32 v4, $0x0;
	s0 =	scvt.s32.f32 s0  }
0x33a: {  	v4 =	vsel vm0, v5, v4;
	v5, _, _ =	vpop (xrf2)  }
0x33b: {  	v5 =	vbroadcast v5, $0xF;
	v4 =	vmul.f32 s0, v4;
	_ =	sdelay $0x1  }
.Ltmp53:
0x33c: {  	v4 =	vadd.f32 v4, v5;
	(pc) =	sbr.rel @!p6 .LBB2_77-.Ltmp53, $4  }
0x33d: {  	_ = 	snop  }
0x33e: {  	v5 =	vmov s1;
	v4 =	vmul.f32 $7.812500000e-03, v4  }
0x33f: {  	vm15 =	veq.s32 v5, v1  }
0x340: {  	v3 =	vsel vm15, v4, v3  }
.Ltmp54:
0x341: {  	(pc) =	sbr.rel .LBB2_4-.Ltmp54, $4  }
0x342: {  	s0 =	rddreg [dreg:$0x6]  }
0x343: {  	s1 =	simm.s32 $0x80;
	s3 =	simm.s32 $0x400;
	s4 =	simm.s32 $0x8000  }
0x344: {  	[tilespmem:s4], [sflag:$0x2] =	stream.strided.gather [hbm4b:s0+s1], $0x8000, s3, s1, $0x38;
	[tilespmem:$0x19100] =	vst v63  }
0x345: {  	s20 =	simm.s32 $0x2;
	p6 =	por $0x0, $0x0;
	s0 =	sadd.s32 $0xFFF00000, s2  }
.LBB2_16:
.Ltmp55:
0x346: {  	(pc) =	sbr.rel .LBB2_23-.Ltmp55, $2  }
0x347: {  	_ =	sdelay $0x2  }
0x348: {  	s26 =	smov.u32 s1;
	s24 =	smov.u32 s22;
	s2 =	smov.u32 s8  }
.LBB2_51:
.Ltmp56:
0x349: {  	(pc) =	sbr.rel .LBB2_58-.Ltmp56, $2  }
0x34a: {  	_ =	sdelay $0x2  }
0x34b: {  	s29 =	smov.u32 s26;
	s24 =	smov.u32 s22;
	s8 =	smov.u32 s21  }
.LBB2_18:
.Ltmp57:
0x34c: {  	(pc) =	sbr.rel .LBB2_23-.Ltmp57, $4  }
0x34d: {  	_ = 	snop  }
0x34e: {  	s11 =	smov.u32 s25  }
0x34f: {  	s9 =	smov.u32 s23;
	s26 =	smov.u32 s29;
	s2 =	smov.u32 s8  }
0x350: {  	s24 =	smov.u32 s28;
	s25 =	smov.u32 s16;
	s23 =	smov.u32 s31  }
.LBB2_53:
.Ltmp58:
0x351: {  	(pc) =	sbr.rel .LBB2_58-.Ltmp58, $4  }
0x352: {  	_ = 	snop  }
0x353: {  	s11 =	smov.u32 s25  }
0x354: {  	s9 =	smov.u32 s23;
	s29 =	smov.u32 s1;
	s8 =	smov.u32 s21  }
0x355: {  	s24 =	smov.u32 s28;
	s25 =	smov.u32 s16;
	s23 =	smov.u32 s31  }
.LBB2_20:
.Ltmp59:
0x356: {  	(pc) =	sbr.rel .LBB2_23-.Ltmp59, $4  }
0x357: {  	s5 =	sld [smem:$0x7FD]  }
0x358: {  	s4 =	smov.u32 s1  }
0x359: {  	s7 =	smov.u32 s22;
	s1 =	smov.u32 s29;
	s11 =	smov.u32 s16  }
0x35a: {  	s22 =	smov.u32 s28;
	s9 =	smov.u32 s31;
	p6 =	seq.s32 s5, $0x1  }
.LBB2_55:
.Ltmp60:
0x35b: {  	(pc) =	sbr.rel .LBB2_58-.Ltmp60, $3  }
0x35c: {  	s9 =	smov.u32 s31;
	s31 =	sld [smem:$0x7FD];
	_ =	sdelay $0x1  }
0x35d: {  	s4 =	smov.u32 s26;
	s7 =	smov.u32 s22;
	s26 =	smov.u32 s1  }
0x35e: {  	s11 =	smov.u32 s16;
	s22 =	smov.u32 s28;
	p6 =	seq.s32 s31, $0x1  }
.LBB2_78:
0x35f: {  	_ =	sfence.sel $0x180000  }
0x360: {  	[bflag:$0x0] =	sbarrier.arrive $0xFFFF  }
0x361: {  	_ =	strace $0x90000047  }
0x362: {  	s0 =	stileid.u32;
	[bflag:$0x2] =	sbarrier.arrive $0xFFFF  }
0x363: {  	p0 =	sne.s32 s0, $0x0;
	s0 =	rddreg [dreg:$0x2]  }
0x364: {  	s0 =	sadd.s32 @!p0 $0x100000, s0  }
0x365: {  	[sflag:s0] =	ssyncadd.tile.s32 @!p0 $0x1;
	_ =	shalt  }
.Lfunc_end2:
_tile_overlayer_lowered:
.L_overlay_start_2:
0x366: {  	(tag) =	ssettag $0x2  }
0x367: {  	s0 =	rddreg [dreg:$0x0];
	s2 =	stileid.u32  }
0x368: {  	s1 =	rddreg [dreg:$0x1];
	p0 =	sne.s32 s2, $0x0  }
0x369: {  	s3 =	rddreg [dreg:$0x2];
	[bflag:$0x3] =	sbarrier.arrive $0xFFFF;
	s2 =	simm.s32 @!p0 $0x1C03  }
0x36a: {  	[timem:s3], [sflag:s2] =	dma.local @!p0 [hbm:s0], s1  }
0x36b: {  	s0 =	simm.s32 @!p0 $0x3  }
0x36c: {  	_ =	swait.ge @!p0 [sflag:s0], s1  }
0x36d: {  	s1 =	ssub.s32 @!p0 $0x0, s1;
	[sflag:s0] =	ssyncset.done @!p0 $0x0  }
0x36e: {  	[sflag:s0] =	ssyncadd.s32 @!p0 s1  }
0x36f: {  	[bflag:$0x3] =	sbarrier.arrive $0xFFFF  }
0x370: {  	_ =	shalt  }

</sc_bundles>
